<compile_context>
chip_gen: v7x
topology: tpu7x:2x2x1
jax: 0.10.2.dev20260603
libtpu: 0.0.44.dev20260713+nightly
codegen_flags: <defaults>
</compile_context>

<pallas_src>
import functools

import jax
import jax.numpy as jnp
from jax import lax
from jax.experimental import pallas as pl
from jax.experimental.pallas import tpu as pltpu
from jax.experimental.pallas import tpu_sc as plsc

VOCAB_ROWS = 1_000_000
EMB_DIM = 64
SEQ = 50
BATCH = 16384
NUM_CORES = 2
NUM_SUBCORES = 16
NUM_WORKERS = NUM_CORES * NUM_SUBCORES
B_PER_W = BATCH // NUM_WORKERS
CHUNK = 128
NBLK = B_PER_W // CHUNK

TP_COLS = 2048
TP2_ROWS = 2048


def _tp_body(in_ref, out_ref):
  out_ref[...] = in_ref[...].T


def _tc_transpose_table(table_t):
  return pl.pallas_call(
      _tp_body,
      grid=(pl.cdiv(VOCAB_ROWS, TP_COLS),),
      in_specs=[pl.BlockSpec((EMB_DIM, TP_COLS), lambda i: (0, i))],
      out_specs=pl.BlockSpec((TP_COLS, EMB_DIM), lambda i: (i, 0)),
      out_shape=jax.ShapeDtypeStruct((VOCAB_ROWS, EMB_DIM), jnp.float32),
  )(table_t)


def _tp2_body(in_ref, out_ref):
  out_ref[0] = in_ref[0].T


def _tc_transpose_out(g):
  return pl.pallas_call(
      _tp2_body,
      grid=(SEQ, BATCH // TP2_ROWS),
      in_specs=[pl.BlockSpec((1, TP2_ROWS, EMB_DIM), lambda s, j: (s, j, 0))],
      out_specs=pl.BlockSpec((1, EMB_DIM, TP2_ROWS), lambda s, j: (s, 0, j)),
      out_shape=jax.ShapeDtypeStruct((SEQ, EMB_DIM, BATCH), jnp.float32),
  )(g)


@jax.jit
def _sc_gather_s(table, idx_flat):
  mesh = plsc.VectorSubcoreMesh(core_axis_name="c", subcore_axis_name="s")

  @functools.partial(
      pl.kernel,
      out_type=jax.ShapeDtypeStruct((SEQ, BATCH, EMB_DIM), jnp.float32),
      mesh=mesh,
      scratch_types=[
          pltpu.VMEM((B_PER_W * SEQ,), jnp.int32),
          pltpu.VMEM((2, B_PER_W), jnp.int32),
          pltpu.VMEM((2, NBLK, CHUNK, EMB_DIM), jnp.float32),
          [pltpu.SemaphoreType.DMA] * (2 * NBLK),
          [pltpu.SemaphoreType.DMA] * (2 * NBLK),
      ],
      compiler_params=pltpu.CompilerParams(
          use_tc_tiling_on_sc=False, needs_layout_passes=False
      ),
  )
  def body(table_hbm, idx_hbm, out_hbm, x_v, idx_v, bufs, gsems, wsems):
    wid = lax.axis_index("s") * NUM_CORES + lax.axis_index("c")
    b0 = wid * B_PER_W
    pltpu.sync_copy(idx_hbm.at[pl.ds(b0 * SEQ, B_PER_W * SEQ)], x_v)

    iota = lax.iota(jnp.int32, 16)
    iota_s = iota * SEQ

    def build_idx(s, slot):
      def step(g, carry):
        v = plsc.load_gather(x_v, [iota_s + (g * 16 * SEQ + s)])
        idx_v[slot, pl.ds(g * 16, 16)] = v
        return carry
      lax.fori_loop(0, B_PER_W // 16, step, 0)

    def gather(s, slot, bank, blk):
      pltpu.async_copy(
          table_hbm.at[idx_v.at[slot].at[pl.ds(blk * CHUNK, CHUNK)]],
          bufs.at[bank, blk],
          gsems[bank * NBLK + blk],
      )

    def wait_gather(bank, blk):
      pltpu.make_async_copy(
          table_hbm.at[idx_v.at[0].at[pl.ds(0, CHUNK)]],
          bufs.at[bank, blk],
          gsems[bank * NBLK + blk],
      ).wait()

    def write(s, bank, blk):
      pltpu.async_copy(
          bufs.at[bank, blk],
          out_hbm.at[s, pl.ds(b0 + blk * CHUNK, CHUNK), :],
          wsems[bank * NBLK + blk],
      )

    def wait_write(bank, blk):
      pltpu.make_async_copy(
          bufs.at[bank, blk],
          out_hbm.at[0, pl.ds(b0, CHUNK), :],
          wsems[bank * NBLK + blk],
      ).wait()

    def iteration(s, sb, first, do_issue, do_idx):
      for blk in range(NBLK):
        wait_gather(sb, blk)
        write(s, sb, blk)
        if do_issue:
          if not first:
            wait_write(sb ^ 1, blk)
          gather(s + 1, sb ^ 1, sb ^ 1, blk)
      if do_idx:
        build_idx(s + 2, sb)

    build_idx(0, 0)
    build_idx(1, 1)
    for blk in range(NBLK):
      gather(0, 0, 0, blk)

    iteration(0, 0, True, True, True)
    iteration(1, 1, False, True, True)

    def pair(p, carry):
      s = 2 * p
      iteration(s, 0, False, True, True)
      iteration(s + 1, 1, False, True, True)
      return carry

    lax.fori_loop(1, SEQ // 2 - 1, pair, 0)

    iteration(SEQ - 2, 0, False, True, False)
    iteration(SEQ - 1, 1, False, False, False)

    for blk in range(NBLK):
      wait_write(0, blk)
      wait_write(1, blk)

  return body(table, idx_flat)


def kernel(x, table):
  idx_flat = x.reshape(-1).astype(jnp.int32)
  table_rm = _tc_transpose_table(table.T)
  g = _sc_gather_s(table_rm, idx_flat)
  out_t = _tc_transpose_out(g)
  return jnp.transpose(out_t, (2, 0, 1))

# --- scband reference (transcript-rebuilt; emitter-appended) ---
"""Pipeline reference for scband-host-embedding-1735166787946 (READ-ONLY COPY).

The authoritative reference and input builder live on the scoring server;
editing this copy changes nothing except your own understanding.
"""

import jax, jax.numpy as jnp
import numpy as np

VOCAB = 1000000
DIM = 64

def setup_inputs(seed: int = 0) -> dict:
    key = jax.random.key(seed)
    k_idx, k_tab = jax.random.split(key)
    x = jax.random.randint(k_idx, (16384, 50), 0, VOCAB, dtype=jnp.int64 if jax.config.jax_enable_x64 else jnp.int32)
    table = jax.random.normal(k_tab, (VOCAB, DIM), dtype=jnp.float32)
    return {"x": x, "table": table}

def reference(x, table):
    # HostEmbedding.forward: self.emb(x) -> gather rows of the embedding table
    return jnp.take(table, x, axis=0)

if __name__ == "__main__":
    import jax
    _d = setup_inputs()
    print(jax.jit(kernel)(*tuple(_d.values())))

</pallas_src>

<mosaic_0001>
#map = affine_map<(d0, d1) -> (0, 0)>
#map1 = affine_map<(d0, d1) -> (0)>
#map2 = affine_map<(d0, d1) -> (0, 0, 0)>
module attributes {stable_mosaic.version = 14 : i64} {
  func.func @body(%arg0: i32, %arg1: i32, %arg2: memref<1000000x64xf32, #tpu.memory_space<hbm>>, %arg3: memref<819200xi32, #tpu.memory_space<hbm>>, %arg4: memref<50x16384x64xf32, #tpu.memory_space<hbm>>, %arg5: memref<25600xi32, #tpu.memory_space<vmem>>, %arg6: memref<2x512xi32, #tpu.memory_space<vmem>>, %arg7: memref<2x4x128x64xf32, #tpu.memory_space<vmem>>, %arg8: memref<!tpu.dma_semaphore, #tpu.memory_space<semaphore_mem>>, %arg9: memref<!tpu.dma_semaphore, #tpu.memory_space<semaphore_mem>>, %arg10: memref<!tpu.dma_semaphore, #tpu.memory_space<semaphore_mem>>, %arg11: memref<!tpu.dma_semaphore, #tpu.memory_space<semaphore_mem>>, %arg12: memref<!tpu.dma_semaphore, #tpu.memory_space<semaphore_mem>>, %arg13: memref<!tpu.dma_semaphore, #tpu.memory_space<semaphore_mem>>, %arg14: memref<!tpu.dma_semaphore, #tpu.memory_space<semaphore_mem>>, %arg15: memref<!tpu.dma_semaphore, #tpu.memory_space<semaphore_mem>>, %arg16: memref<!tpu.dma_semaphore, #tpu.memory_space<semaphore_mem>>, %arg17: memref<!tpu.dma_semaphore, #tpu.memory_space<semaphore_mem>>, %arg18: memref<!tpu.dma_semaphore, #tpu.memory_space<semaphore_mem>>, %arg19: memref<!tpu.dma_semaphore, #tpu.memory_space<semaphore_mem>>, %arg20: memref<!tpu.dma_semaphore, #tpu.memory_space<semaphore_mem>>, %arg21: memref<!tpu.dma_semaphore, #tpu.memory_space<semaphore_mem>>, %arg22: memref<!tpu.dma_semaphore, #tpu.memory_space<semaphore_mem>>, %arg23: memref<!tpu.dma_semaphore, #tpu.memory_space<semaphore_mem>>) attributes {dimension_semantics = [#tpu.dimension_semantics<core_parallel>, #tpu.dimension_semantics<subcore_parallel>], iteration_bounds = array<i64: 2, 16>, scalar_prefetch = 0 : i64, scratch_operands = 19 : i64, tpu.core_type = #tpu.core_type<sc_vector_subcore>, window_params = [{transform_indices = #map}, {transform_indices = #map1}, {transform_indices = #map2}]} {
    %mul3A = arith.constant 2 : i32
    %mul3A_0 = arith.muli %arg1, %mul3A : i32
    %add3A = arith.addi %mul3A_0, %arg0 : i32
    %mul3A_1 = arith.constant 512 : i32
    %mul3A_2 = arith.muli %add3A, %mul3A_1 : i32
    %mul3A_3 = arith.constant 50 : i32
    %mul3A_4 = arith.muli %mul3A_2, %mul3A_3 : i32
    "tpu.region"() ({
      %run_scoped3A = tpu.sem_alloc : memref<!tpu.dma_semaphore, #tpu.memory_space<semaphore_mem>>
      %dma_start3A_1091 = tpu.memref_slice %arg3[%mul3A_4] : memref<819200xi32, #tpu.memory_space<hbm>> -> memref<25600xi32, #tpu.memory_space<hbm>>
      %dma_start3A_1092 = tpu.memref_slice %arg3[%mul3A_4] : memref<819200xi32, #tpu.memory_space<hbm>> -> memref<25600xi32, #tpu.memory_space<hbm>>
      tpu.enqueue_dma source(%dma_start3A_1092 : memref<25600xi32, #tpu.memory_space<hbm>>) target(%arg5 : memref<25600xi32, #tpu.memory_space<vmem>>) target_semaphore(%run_scoped3A : memref<!tpu.dma_semaphore, #tpu.memory_space<semaphore_mem>>)
      %dma_wait3A_1093 = tpu.memref_slice %arg3[%mul3A_4] : memref<819200xi32, #tpu.memory_space<hbm>> -> memref<25600xi32, #tpu.memory_space<hbm>>
      %dma_wait3A_1094 = tpu.memref_slice %arg3[%mul3A_4] : memref<819200xi32, #tpu.memory_space<hbm>> -> memref<25600xi32, #tpu.memory_space<hbm>>
      tpu.wait_dma2 semaphore(%run_scoped3A : memref<!tpu.dma_semaphore, #tpu.memory_space<semaphore_mem>>) src(%dma_wait3A_1094 : memref<25600xi32, #tpu.memory_space<hbm>>) dst(%arg5 : memref<25600xi32, #tpu.memory_space<vmem>>)
      tpu.yield
    }) : () -> ()
    %iota3A = tpu.iota {dimensions = array<i32: 0>} : vector<16xi32>
    %mul3A_5 = arith.constant 50 : i32
    %mul3A_6 = vector.broadcast %mul3A_5 : i32 to vector<16xi32>
    %mul3A_7 = arith.muli %iota3A, %mul3A_6 : vector<16xi32>
    %scan3A = arith.constant 0 : i32
    %scan3A_8 = arith.constant 0 : i32
    %scan3A_9 = arith.constant 32 : i32
    %scan3A_10 = arith.addi %scan3A_8, %scan3A_9 : i32
    %scan3A_11 = arith.constant 1 : i32
    scf.for %scan3A_1091 = %scan3A_8 to %scan3A_10 step %scan3A_11  : i32 {
      %mul3A_1092 = arith.constant 16 : i32
      %mul3A_1093 = arith.muli %scan3A_1091, %mul3A_1092 : i32
      %mul3A_1094 = arith.constant 50 : i32
      %mul3A_1095 = arith.muli %mul3A_1093, %mul3A_1094 : i32
      %add3A_1096 = arith.constant 0 : i32
      %add3A_1097 = arith.addi %mul3A_1095, %add3A_1096 : i32
      %add3A_1098 = vector.broadcast %add3A_1097 : i32 to vector<16xi32>
      %add3A_1099 = arith.addi %mul3A_7, %add3A_1098 : vector<16xi32>
      %gather3A = tpu.vector_load_idx %arg5[%add3A_1099] : memref<25600xi32, #tpu.memory_space<vmem>>[vector<16xi32>], vector<16xi32>,
      %mul3A_1100 = arith.constant 16 : i32
      %mul3A_1101 = arith.muli %scan3A_1091, %mul3A_1100 : i32
      %swap3A = arith.constant 0 : i32
      %swap3A_1102 = arith.index_cast %swap3A : i32 to index
      %swap3A_1103 = arith.index_cast %mul3A_1101 : i32 to index
      %swap3A_1104 = tpu.vector_load %arg6[%swap3A_1102, %swap3A_1103] {strides = array<i32>} : memref<2x512xi32, #tpu.memory_space<vmem>>, vector<16xi32>,
      tpu.vector_store %arg6[%swap3A_1102, %swap3A_1103], %gather3A {strides = array<i32>} : memref<2x512xi32, #tpu.memory_space<vmem>>, vector<16xi32>,
    }
    %scan3A_12 = arith.constant 32 : i32
    %scan3A_13 = arith.constant 0 : i32
    %scan3A_14 = arith.constant 0 : i32
    %scan3A_15 = arith.constant 32 : i32
    %scan3A_16 = arith.addi %scan3A_14, %scan3A_15 : i32
    %scan3A_17 = arith.constant 1 : i32
    scf.for %scan3A_1091 = %scan3A_14 to %scan3A_16 step %scan3A_17  : i32 {
      %mul3A_1092 = arith.constant 16 : i32
      %mul3A_1093 = arith.muli %scan3A_1091, %mul3A_1092 : i32
      %mul3A_1094 = arith.constant 50 : i32
      %mul3A_1095 = arith.muli %mul3A_1093, %mul3A_1094 : i32
      %add3A_1096 = arith.constant 1 : i32
      %add3A_1097 = arith.addi %mul3A_1095, %add3A_1096 : i32
      %add3A_1098 = vector.broadcast %add3A_1097 : i32 to vector<16xi32>
      %add3A_1099 = arith.addi %mul3A_7, %add3A_1098 : vector<16xi32>
      %gather3A = tpu.vector_load_idx %arg5[%add3A_1099] : memref<25600xi32, #tpu.memory_space<vmem>>[vector<16xi32>], vector<16xi32>,
      %mul3A_1100 = arith.constant 16 : i32
      %mul3A_1101 = arith.muli %scan3A_1091, %mul3A_1100 : i32
      %swap3A = arith.constant 1 : i32
      %swap3A_1102 = arith.index_cast %swap3A : i32 to index
      %swap3A_1103 = arith.index_cast %mul3A_1101 : i32 to index
      %swap3A_1104 = tpu.vector_load %arg6[%swap3A_1102, %swap3A_1103] {strides = array<i32>} : memref<2x512xi32, #tpu.memory_space<vmem>>, vector<16xi32>,
      tpu.vector_store %arg6[%swap3A_1102, %swap3A_1103], %gather3A {strides = array<i32>} : memref<2x512xi32, #tpu.memory_space<vmem>>, vector<16xi32>,
    }
    %scan3A_18 = arith.constant 32 : i32
    %dma_start3A = arith.constant 0 : i32
    %dma_start3A_19 = arith.constant 0 : i32
    %dma_start3A_20 = arith.constant 0 : i32
    %dma_start3A_21 = arith.constant 0 : i32
    %dma_start3A_22 = arith.constant 0 : i32
    %dma_start3A_23 = tpu.memref_slice %arg7[%dma_start3A_19, %dma_start3A_20, %dma_start3A_21, %dma_start3A_22] : memref<2x4x128x64xf32, #tpu.memory_space<vmem>> -> memref<1x1x128x64xf32, #tpu.memory_space<vmem>>
    %dma_start3A_24 = tpu.memref_squeeze %dma_start3A_23 : memref<1x1x128x64xf32, #tpu.memory_space<vmem>> -> memref<128x64xf32, #tpu.memory_space<vmem>>
    %dma_start3A_25 = arith.constant 0 : i32
    %dma_start3A_26 = tpu.memref_slice %arg6[%dma_start3A, %dma_start3A_25] : memref<2x512xi32, #tpu.memory_space<vmem>> -> memref<1x512xi32, #tpu.memory_space<vmem>>
    %dma_start3A_27 = tpu.memref_squeeze %dma_start3A_26 : memref<1x512xi32, #tpu.memory_space<vmem>> -> memref<512xi32, #tpu.memory_space<vmem>>
    %dma_start3A_28 = arith.constant 0 : i32
    %dma_start3A_29 = tpu.memref_slice %dma_start3A_27[%dma_start3A_28] : memref<512xi32, #tpu.memory_space<vmem>> -> memref<128xi32, #tpu.memory_space<vmem>>
    %dma_start3A_30 = arith.constant 0 : i32
    %dma_start3A_31 = arith.constant 0 : i32
    %dma_start3A_32 = tpu.memref_slice %arg2[%dma_start3A_30, %dma_start3A_31] : memref<1000000x64xf32, #tpu.memory_space<hbm>> -> memref<1000000x64xf32, #tpu.memory_space<hbm>>
    tpu.enqueue_indirect_dma source(%dma_start3A_32 : memref<1000000x64xf32, #tpu.memory_space<hbm>>) target(%dma_start3A_24 : memref<128x64xf32, #tpu.memory_space<vmem>>) offsets(%dma_start3A_29 : memref<128xi32, #tpu.memory_space<vmem>>) semaphore(%arg8 : memref<!tpu.dma_semaphore, #tpu.memory_space<semaphore_mem>>)
    %dma_start3A_33 = arith.constant 0 : i32
    %dma_start3A_34 = arith.constant 0 : i32
    %dma_start3A_35 = arith.constant 1 : i32
    %dma_start3A_36 = arith.constant 0 : i32
    %dma_start3A_37 = arith.constant 0 : i32
    %dma_start3A_38 = tpu.memref_slice %arg7[%dma_start3A_34, %dma_start3A_35, %dma_start3A_36, %dma_start3A_37] : memref<2x4x128x64xf32, #tpu.memory_space<vmem>> -> memref<1x1x128x64xf32, #tpu.memory_space<vmem>>
    %dma_start3A_39 = tpu.memref_squeeze %dma_start3A_38 : memref<1x1x128x64xf32, #tpu.memory_space<vmem>> -> memref<128x64xf32, #tpu.memory_space<vmem>>
    %dma_start3A_40 = arith.constant 0 : i32
    %dma_start3A_41 = tpu.memref_slice %arg6[%dma_start3A_33, %dma_start3A_40] : memref<2x512xi32, #tpu.memory_space<vmem>> -> memref<1x512xi32, #tpu.memory_space<vmem>>
    %dma_start3A_42 = tpu.memref_squeeze %dma_start3A_41 : memref<1x512xi32, #tpu.memory_space<vmem>> -> memref<512xi32, #tpu.memory_space<vmem>>
    %dma_start3A_43 = arith.constant 128 : i32
    %dma_start3A_44 = tpu.memref_slice %dma_start3A_42[%dma_start3A_43] : memref<512xi32, #tpu.memory_space<vmem>> -> memref<128xi32, #tpu.memory_space<vmem>>
    %dma_start3A_45 = arith.constant 0 : i32
    %dma_start3A_46 = arith.constant 0 : i32
    %dma_start3A_47 = tpu.memref_slice %arg2[%dma_start3A_45, %dma_start3A_46] : memref<1000000x64xf32, #tpu.memory_space<hbm>> -> memref<1000000x64xf32, #tpu.memory_space<hbm>>
    tpu.enqueue_indirect_dma source(%dma_start3A_47 : memref<1000000x64xf32, #tpu.memory_space<hbm>>) target(%dma_start3A_39 : memref<128x64xf32, #tpu.memory_space<vmem>>) offsets(%dma_start3A_44 : memref<128xi32, #tpu.memory_space<vmem>>) semaphore(%arg9 : memref<!tpu.dma_semaphore, #tpu.memory_space<semaphore_mem>>)
    %dma_start3A_48 = arith.constant 0 : i32
    %dma_start3A_49 = arith.constant 0 : i32
    %dma_start3A_50 = arith.constant 2 : i32
    %dma_start3A_51 = arith.constant 0 : i32
    %dma_start3A_52 = arith.constant 0 : i32
    %dma_start3A_53 = tpu.memref_slice %arg7[%dma_start3A_49, %dma_start3A_50, %dma_start3A_51, %dma_start3A_52] : memref<2x4x128x64xf32, #tpu.memory_space<vmem>> -> memref<1x1x128x64xf32, #tpu.memory_space<vmem>>
    %dma_start3A_54 = tpu.memref_squeeze %dma_start3A_53 : memref<1x1x128x64xf32, #tpu.memory_space<vmem>> -> memref<128x64xf32, #tpu.memory_space<vmem>>
    %dma_start3A_55 = arith.constant 0 : i32
    %dma_start3A_56 = tpu.memref_slice %arg6[%dma_start3A_48, %dma_start3A_55] : memref<2x512xi32, #tpu.memory_space<vmem>> -> memref<1x512xi32, #tpu.memory_space<vmem>>
    %dma_start3A_57 = tpu.memref_squeeze %dma_start3A_56 : memref<1x512xi32, #tpu.memory_space<vmem>> -> memref<512xi32, #tpu.memory_space<vmem>>
    %dma_start3A_58 = arith.constant 256 : i32
    %dma_start3A_59 = tpu.memref_slice %dma_start3A_57[%dma_start3A_58] : memref<512xi32, #tpu.memory_space<vmem>> -> memref<128xi32, #tpu.memory_space<vmem>>
    %dma_start3A_60 = arith.constant 0 : i32
    %dma_start3A_61 = arith.constant 0 : i32
    %dma_start3A_62 = tpu.memref_slice %arg2[%dma_start3A_60, %dma_start3A_61] : memref<1000000x64xf32, #tpu.memory_space<hbm>> -> memref<1000000x64xf32, #tpu.memory_space<hbm>>
    tpu.enqueue_indirect_dma source(%dma_start3A_62 : memref<1000000x64xf32, #tpu.memory_space<hbm>>) target(%dma_start3A_54 : memref<128x64xf32, #tpu.memory_space<vmem>>) offsets(%dma_start3A_59 : memref<128xi32, #tpu.memory_space<vmem>>) semaphore(%arg10 : memref<!tpu.dma_semaphore, #tpu.memory_space<semaphore_mem>>)
    %dma_start3A_63 = arith.constant 0 : i32
    %dma_start3A_64 = arith.constant 0 : i32
    %dma_start3A_65 = arith.constant 3 : i32
    %dma_start3A_66 = arith.constant 0 : i32
    %dma_start3A_67 = arith.constant 0 : i32
    %dma_start3A_68 = tpu.memref_slice %arg7[%dma_start3A_64, %dma_start3A_65, %dma_start3A_66, %dma_start3A_67] : memref<2x4x128x64xf32, #tpu.memory_space<vmem>> -> memref<1x1x128x64xf32, #tpu.memory_space<vmem>>
    %dma_start3A_69 = tpu.memref_squeeze %dma_start3A_68 : memref<1x1x128x64xf32, #tpu.memory_space<vmem>> -> memref<128x64xf32, #tpu.memory_space<vmem>>
    %dma_start3A_70 = arith.constant 0 : i32
    %dma_start3A_71 = tpu.memref_slice %arg6[%dma_start3A_63, %dma_start3A_70] : memref<2x512xi32, #tpu.memory_space<vmem>> -> memref<1x512xi32, #tpu.memory_space<vmem>>
    %dma_start3A_72 = tpu.memref_squeeze %dma_start3A_71 : memref<1x512xi32, #tpu.memory_space<vmem>> -> memref<512xi32, #tpu.memory_space<vmem>>
    %dma_start3A_73 = arith.constant 384 : i32
    %dma_start3A_74 = tpu.memref_slice %dma_start3A_72[%dma_start3A_73] : memref<512xi32, #tpu.memory_space<vmem>> -> memref<128xi32, #tpu.memory_space<vmem>>
    %dma_start3A_75 = arith.constant 0 : i32
    %dma_start3A_76 = arith.constant 0 : i32
    %dma_start3A_77 = tpu.memref_slice %arg2[%dma_start3A_75, %dma_start3A_76] : memref<1000000x64xf32, #tpu.memory_space<hbm>> -> memref<1000000x64xf32, #tpu.memory_space<hbm>>
    tpu.enqueue_indirect_dma source(%dma_start3A_77 : memref<1000000x64xf32, #tpu.memory_space<hbm>>) target(%dma_start3A_69 : memref<128x64xf32, #tpu.memory_space<vmem>>) offsets(%dma_start3A_74 : memref<128xi32, #tpu.memory_space<vmem>>) semaphore(%arg11 : memref<!tpu.dma_semaphore, #tpu.memory_space<semaphore_mem>>)
    %dma_wait3A = arith.constant 0 : i32
    %dma_wait3A_78 = arith.constant 0 : i32
    %dma_wait3A_79 = arith.constant 0 : i32
    %dma_wait3A_80 = arith.constant 0 : i32
    %dma_wait3A_81 = arith.constant 0 : i32
    %dma_wait3A_82 = tpu.memref_slice %arg7[%dma_wait3A_78, %dma_wait3A_79, %dma_wait3A_80, %dma_wait3A_81] : memref<2x4x128x64xf32, #tpu.memory_space<vmem>> -> memref<1x1x128x64xf32, #tpu.memory_space<vmem>>
    %dma_wait3A_83 = tpu.memref_squeeze %dma_wait3A_82 : memref<1x1x128x64xf32, #tpu.memory_space<vmem>> -> memref<128x64xf32, #tpu.memory_space<vmem>>
    %dma_wait3A_84 = arith.constant 0 : i32
    %dma_wait3A_85 = tpu.memref_slice %arg6[%dma_wait3A, %dma_wait3A_84] : memref<2x512xi32, #tpu.memory_space<vmem>> -> memref<1x512xi32, #tpu.memory_space<vmem>>
    %dma_wait3A_86 = tpu.memref_squeeze %dma_wait3A_85 : memref<1x512xi32, #tpu.memory_space<vmem>> -> memref<512xi32, #tpu.memory_space<vmem>>
    %dma_wait3A_87 = arith.constant 0 : i32
    %dma_wait3A_88 = tpu.memref_slice %dma_wait3A_86[%dma_wait3A_87] : memref<512xi32, #tpu.memory_space<vmem>> -> memref<128xi32, #tpu.memory_space<vmem>>
    %dma_wait3A_89 = arith.constant 0 : i32
    %dma_wait3A_90 = arith.constant 0 : i32
    %dma_wait3A_91 = tpu.memref_slice %arg2[%dma_wait3A_89, %dma_wait3A_90] : memref<1000000x64xf32, #tpu.memory_space<hbm>> -> memref<1000000x64xf32, #tpu.memory_space<hbm>>
    tpu.wait_indirect_dma semaphore(%arg8 : memref<!tpu.dma_semaphore, #tpu.memory_space<semaphore_mem>>) src(%dma_wait3A_91 : memref<1000000x64xf32, #tpu.memory_space<hbm>>) dst(%dma_wait3A_83 : memref<128x64xf32, #tpu.memory_space<vmem>>)
    %add3A_92 = arith.constant 0 : i32
    %add3A_93 = arith.addi %mul3A_2, %add3A_92 : i32
    %dma_start3A_94 = arith.constant 0 : i32
    %dma_start3A_95 = arith.constant 0 : i32
    %dma_start3A_96 = arith.constant 0 : i32
    %dma_start3A_97 = arith.constant 0 : i32
    %dma_start3A_98 = arith.constant 0 : i32
    %dma_start3A_99 = tpu.memref_slice %arg7[%dma_start3A_94, %dma_start3A_95, %dma_start3A_97, %dma_start3A_98] : memref<2x4x128x64xf32, #tpu.memory_space<vmem>> -> memref<1x1x128x64xf32, #tpu.memory_space<vmem>>
    %dma_start3A_100 = tpu.memref_squeeze %dma_start3A_99 : memref<1x1x128x64xf32, #tpu.memory_space<vmem>> -> memref<128x64xf32, #tpu.memory_space<vmem>>
    %dma_start3A_101 = arith.constant 0 : i32
    %dma_start3A_102 = tpu.memref_slice %arg4[%dma_start3A_96, %add3A_93, %dma_start3A_101] : memref<50x16384x64xf32, #tpu.memory_space<hbm>> -> memref<1x128x64xf32, #tpu.memory_space<hbm>>
    %dma_start3A_103 = tpu.memref_squeeze %dma_start3A_102 : memref<1x128x64xf32, #tpu.memory_space<hbm>> -> memref<128x64xf32, #tpu.memory_space<hbm>>
    %dma_start3A_104 = arith.constant 0 : i32
    %dma_start3A_105 = tpu.memref_slice %arg4[%dma_start3A_96, %add3A_93, %dma_start3A_104] : memref<50x16384x64xf32, #tpu.memory_space<hbm>> -> memref<1x128x64xf32, #tpu.memory_space<hbm>>
    %dma_start3A_106 = tpu.memref_squeeze %dma_start3A_105 : memref<1x128x64xf32, #tpu.memory_space<hbm>> -> memref<128x64xf32, #tpu.memory_space<hbm>>
    %dma_start3A_107 = arith.constant 0 : i32
    %dma_start3A_108 = arith.constant 0 : i32
    %dma_start3A_109 = tpu.memref_slice %arg7[%dma_start3A_94, %dma_start3A_95, %dma_start3A_107, %dma_start3A_108] : memref<2x4x128x64xf32, #tpu.memory_space<vmem>> -> memref<1x1x128x64xf32, #tpu.memory_space<vmem>>
    %dma_start3A_110 = tpu.memref_squeeze %dma_start3A_109 : memref<1x1x128x64xf32, #tpu.memory_space<vmem>> -> memref<128x64xf32, #tpu.memory_space<vmem>>
    tpu.enqueue_dma source(%dma_start3A_110 : memref<128x64xf32, #tpu.memory_space<vmem>>) target(%dma_start3A_106 : memref<128x64xf32, #tpu.memory_space<hbm>>) target_semaphore(%arg16 : memref<!tpu.dma_semaphore, #tpu.memory_space<semaphore_mem>>)
    %dma_start3A_111 = arith.constant 1 : i32
    %dma_start3A_112 = arith.constant 1 : i32
    %dma_start3A_113 = arith.constant 0 : i32
    %dma_start3A_114 = arith.constant 0 : i32
    %dma_start3A_115 = arith.constant 0 : i32
    %dma_start3A_116 = tpu.memref_slice %arg7[%dma_start3A_112, %dma_start3A_113, %dma_start3A_114, %dma_start3A_115] : memref<2x4x128x64xf32, #tpu.memory_space<vmem>> -> memref<1x1x128x64xf32, #tpu.memory_space<vmem>>
    %dma_start3A_117 = tpu.memref_squeeze %dma_start3A_116 : memref<1x1x128x64xf32, #tpu.memory_space<vmem>> -> memref<128x64xf32, #tpu.memory_space<vmem>>
    %dma_start3A_118 = arith.constant 0 : i32
    %dma_start3A_119 = tpu.memref_slice %arg6[%dma_start3A_111, %dma_start3A_118] : memref<2x512xi32, #tpu.memory_space<vmem>> -> memref<1x512xi32, #tpu.memory_space<vmem>>
    %dma_start3A_120 = tpu.memref_squeeze %dma_start3A_119 : memref<1x512xi32, #tpu.memory_space<vmem>> -> memref<512xi32, #tpu.memory_space<vmem>>
    %dma_start3A_121 = arith.constant 0 : i32
    %dma_start3A_122 = tpu.memref_slice %dma_start3A_120[%dma_start3A_121] : memref<512xi32, #tpu.memory_space<vmem>> -> memref<128xi32, #tpu.memory_space<vmem>>
    %dma_start3A_123 = arith.constant 0 : i32
    %dma_start3A_124 = arith.constant 0 : i32
    %dma_start3A_125 = tpu.memref_slice %arg2[%dma_start3A_123, %dma_start3A_124] : memref<1000000x64xf32, #tpu.memory_space<hbm>> -> memref<1000000x64xf32, #tpu.memory_space<hbm>>
    tpu.enqueue_indirect_dma source(%dma_start3A_125 : memref<1000000x64xf32, #tpu.memory_space<hbm>>) target(%dma_start3A_117 : memref<128x64xf32, #tpu.memory_space<vmem>>) offsets(%dma_start3A_122 : memref<128xi32, #tpu.memory_space<vmem>>) semaphore(%arg12 : memref<!tpu.dma_semaphore, #tpu.memory_space<semaphore_mem>>)
    %dma_wait3A_126 = arith.constant 0 : i32
    %dma_wait3A_127 = arith.constant 0 : i32
    %dma_wait3A_128 = arith.constant 1 : i32
    %dma_wait3A_129 = arith.constant 0 : i32
    %dma_wait3A_130 = arith.constant 0 : i32
    %dma_wait3A_131 = tpu.memref_slice %arg7[%dma_wait3A_127, %dma_wait3A_128, %dma_wait3A_129, %dma_wait3A_130] : memref<2x4x128x64xf32, #tpu.memory_space<vmem>> -> memref<1x1x128x64xf32, #tpu.memory_space<vmem>>
    %dma_wait3A_132 = tpu.memref_squeeze %dma_wait3A_131 : memref<1x1x128x64xf32, #tpu.memory_space<vmem>> -> memref<128x64xf32, #tpu.memory_space<vmem>>
    %dma_wait3A_133 = arith.constant 0 : i32
    %dma_wait3A_134 = tpu.memref_slice %arg6[%dma_wait3A_126, %dma_wait3A_133] : memref<2x512xi32, #tpu.memory_space<vmem>> -> memref<1x512xi32, #tpu.memory_space<vmem>>
    %dma_wait3A_135 = tpu.memref_squeeze %dma_wait3A_134 : memref<1x512xi32, #tpu.memory_space<vmem>> -> memref<512xi32, #tpu.memory_space<vmem>>
    %dma_wait3A_136 = arith.constant 0 : i32
    %dma_wait3A_137 = tpu.memref_slice %dma_wait3A_135[%dma_wait3A_136] : memref<512xi32, #tpu.memory_space<vmem>> -> memref<128xi32, #tpu.memory_space<vmem>>
    %dma_wait3A_138 = arith.constant 0 : i32
    %dma_wait3A_139 = arith.constant 0 : i32
    %dma_wait3A_140 = tpu.memref_slice %arg2[%dma_wait3A_138, %dma_wait3A_139] : memref<1000000x64xf32, #tpu.memory_space<hbm>> -> memref<1000000x64xf32, #tpu.memory_space<hbm>>
    tpu.wait_indirect_dma semaphore(%arg9 : memref<!tpu.dma_semaphore, #tpu.memory_space<semaphore_mem>>) src(%dma_wait3A_140 : memref<1000000x64xf32, #tpu.memory_space<hbm>>) dst(%dma_wait3A_132 : memref<128x64xf32, #tpu.memory_space<vmem>>)
    %add3A_141 = arith.constant 128 : i32
    %add3A_142 = arith.addi %mul3A_2, %add3A_141 : i32
    %dma_start3A_143 = arith.constant 0 : i32
    %dma_start3A_144 = arith.constant 1 : i32
    %dma_start3A_145 = arith.constant 0 : i32
    %dma_start3A_146 = arith.constant 0 : i32
    %dma_start3A_147 = arith.constant 0 : i32
    %dma_start3A_148 = tpu.memref_slice %arg7[%dma_start3A_143, %dma_start3A_144, %dma_start3A_146, %dma_start3A_147] : memref<2x4x128x64xf32, #tpu.memory_space<vmem>> -> memref<1x1x128x64xf32, #tpu.memory_space<vmem>>
    %dma_start3A_149 = tpu.memref_squeeze %dma_start3A_148 : memref<1x1x128x64xf32, #tpu.memory_space<vmem>> -> memref<128x64xf32, #tpu.memory_space<vmem>>
    %dma_start3A_150 = arith.constant 0 : i32
    %dma_start3A_151 = tpu.memref_slice %arg4[%dma_start3A_145, %add3A_142, %dma_start3A_150] : memref<50x16384x64xf32, #tpu.memory_space<hbm>> -> memref<1x128x64xf32, #tpu.memory_space<hbm>>
    %dma_start3A_152 = tpu.memref_squeeze %dma_start3A_151 : memref<1x128x64xf32, #tpu.memory_space<hbm>> -> memref<128x64xf32, #tpu.memory_space<hbm>>
    %dma_start3A_153 = arith.constant 0 : i32
    %dma_start3A_154 = tpu.memref_slice %arg4[%dma_start3A_145, %add3A_142, %dma_start3A_153] : memref<50x16384x64xf32, #tpu.memory_space<hbm>> -> memref<1x128x64xf32, #tpu.memory_space<hbm>>
    %dma_start3A_155 = tpu.memref_squeeze %dma_start3A_154 : memref<1x128x64xf32, #tpu.memory_space<hbm>> -> memref<128x64xf32, #tpu.memory_space<hbm>>
    %dma_start3A_156 = arith.constant 0 : i32
    %dma_start3A_157 = arith.constant 0 : i32
    %dma_start3A_158 = tpu.memref_slice %arg7[%dma_start3A_143, %dma_start3A_144, %dma_start3A_156, %dma_start3A_157] : memref<2x4x128x64xf32, #tpu.memory_space<vmem>> -> memref<1x1x128x64xf32, #tpu.memory_space<vmem>>
    %dma_start3A_159 = tpu.memref_squeeze %dma_start3A_158 : memref<1x1x128x64xf32, #tpu.memory_space<vmem>> -> memref<128x64xf32, #tpu.memory_space<vmem>>
    tpu.enqueue_dma source(%dma_start3A_159 : memref<128x64xf32, #tpu.memory_space<vmem>>) target(%dma_start3A_155 : memref<128x64xf32, #tpu.memory_space<hbm>>) target_semaphore(%arg17 : memref<!tpu.dma_semaphore, #tpu.memory_space<semaphore_mem>>)
    %dma_start3A_160 = arith.constant 1 : i32
    %dma_start3A_161 = arith.constant 1 : i32
    %dma_start3A_162 = arith.constant 1 : i32
    %dma_start3A_163 = arith.constant 0 : i32
    %dma_start3A_164 = arith.constant 0 : i32
    %dma_start3A_165 = tpu.memref_slice %arg7[%dma_start3A_161, %dma_start3A_162, %dma_start3A_163, %dma_start3A_164] : memref<2x4x128x64xf32, #tpu.memory_space<vmem>> -> memref<1x1x128x64xf32, #tpu.memory_space<vmem>>
    %dma_start3A_166 = tpu.memref_squeeze %dma_start3A_165 : memref<1x1x128x64xf32, #tpu.memory_space<vmem>> -> memref<128x64xf32, #tpu.memory_space<vmem>>
    %dma_start3A_167 = arith.constant 0 : i32
    %dma_start3A_168 = tpu.memref_slice %arg6[%dma_start3A_160, %dma_start3A_167] : memref<2x512xi32, #tpu.memory_space<vmem>> -> memref<1x512xi32, #tpu.memory_space<vmem>>
    %dma_start3A_169 = tpu.memref_squeeze %dma_start3A_168 : memref<1x512xi32, #tpu.memory_space<vmem>> -> memref<512xi32, #tpu.memory_space<vmem>>
    %dma_start3A_170 = arith.constant 128 : i32
    %dma_start3A_171 = tpu.memref_slice %dma_start3A_169[%dma_start3A_170] : memref<512xi32, #tpu.memory_space<vmem>> -> memref<128xi32, #tpu.memory_space<vmem>>
    %dma_start3A_172 = arith.constant 0 : i32
    %dma_start3A_173 = arith.constant 0 : i32
    %dma_start3A_174 = tpu.memref_slice %arg2[%dma_start3A_172, %dma_start3A_173] : memref<1000000x64xf32, #tpu.memory_space<hbm>> -> memref<1000000x64xf32, #tpu.memory_space<hbm>>
    tpu.enqueue_indirect_dma source(%dma_start3A_174 : memref<1000000x64xf32, #tpu.memory_space<hbm>>) target(%dma_start3A_166 : memref<128x64xf32, #tpu.memory_space<vmem>>) offsets(%dma_start3A_171 : memref<128xi32, #tpu.memory_space<vmem>>) semaphore(%arg13 : memref<!tpu.dma_semaphore, #tpu.memory_space<semaphore_mem>>)
    %dma_wait3A_175 = arith.constant 0 : i32
    %dma_wait3A_176 = arith.constant 0 : i32
    %dma_wait3A_177 = arith.constant 2 : i32
    %dma_wait3A_178 = arith.constant 0 : i32
    %dma_wait3A_179 = arith.constant 0 : i32
    %dma_wait3A_180 = tpu.memref_slice %arg7[%dma_wait3A_176, %dma_wait3A_177, %dma_wait3A_178, %dma_wait3A_179] : memref<2x4x128x64xf32, #tpu.memory_space<vmem>> -> memref<1x1x128x64xf32, #tpu.memory_space<vmem>>
    %dma_wait3A_181 = tpu.memref_squeeze %dma_wait3A_180 : memref<1x1x128x64xf32, #tpu.memory_space<vmem>> -> memref<128x64xf32, #tpu.memory_space<vmem>>
    %dma_wait3A_182 = arith.constant 0 : i32
    %dma_wait3A_183 = tpu.memref_slice %arg6[%dma_wait3A_175, %dma_wait3A_182] : memref<2x512xi32, #tpu.memory_space<vmem>> -> memref<1x512xi32, #tpu.memory_space<vmem>>
    %dma_wait3A_184 = tpu.memref_squeeze %dma_wait3A_183 : memref<1x512xi32, #tpu.memory_space<vmem>> -> memref<512xi32, #tpu.memory_space<vmem>>
    %dma_wait3A_185 = arith.constant 0 : i32
    %dma_wait3A_186 = tpu.memref_slice %dma_wait3A_184[%dma_wait3A_185] : memref<512xi32, #tpu.memory_space<vmem>> -> memref<128xi32, #tpu.memory_space<vmem>>
    %dma_wait3A_187 = arith.constant 0 : i32
    %dma_wait3A_188 = arith.constant 0 : i32
    %dma_wait3A_189 = tpu.memref_slice %arg2[%dma_wait3A_187, %dma_wait3A_188] : memref<1000000x64xf32, #tpu.memory_space<hbm>> -> memref<1000000x64xf32, #tpu.memory_space<hbm>>
    tpu.wait_indirect_dma semaphore(%arg10 : memref<!tpu.dma_semaphore, #tpu.memory_space<semaphore_mem>>) src(%dma_wait3A_189 : memref<1000000x64xf32, #tpu.memory_space<hbm>>) dst(%dma_wait3A_181 : memref<128x64xf32, #tpu.memory_space<vmem>>)
    %add3A_190 = arith.constant 256 : i32
    %add3A_191 = arith.addi %mul3A_2, %add3A_190 : i32
    %dma_start3A_192 = arith.constant 0 : i32
    %dma_start3A_193 = arith.constant 2 : i32
    %dma_start3A_194 = arith.constant 0 : i32
    %dma_start3A_195 = arith.constant 0 : i32
    %dma_start3A_196 = arith.constant 0 : i32
    %dma_start3A_197 = tpu.memref_slice %arg7[%dma_start3A_192, %dma_start3A_193, %dma_start3A_195, %dma_start3A_196] : memref<2x4x128x64xf32, #tpu.memory_space<vmem>> -> memref<1x1x128x64xf32, #tpu.memory_space<vmem>>
    %dma_start3A_198 = tpu.memref_squeeze %dma_start3A_197 : memref<1x1x128x64xf32, #tpu.memory_space<vmem>> -> memref<128x64xf32, #tpu.memory_space<vmem>>
    %dma_start3A_199 = arith.constant 0 : i32
    %dma_start3A_200 = tpu.memref_slice %arg4[%dma_start3A_194, %add3A_191, %dma_start3A_199] : memref<50x16384x64xf32, #tpu.memory_space<hbm>> -> memref<1x128x64xf32, #tpu.memory_space<hbm>>
    %dma_start3A_201 = tpu.memref_squeeze %dma_start3A_200 : memref<1x128x64xf32, #tpu.memory_space<hbm>> -> memref<128x64xf32, #tpu.memory_space<hbm>>
    %dma_start3A_202 = arith.constant 0 : i32
    %dma_start3A_203 = tpu.memref_slice %arg4[%dma_start3A_194, %add3A_191, %dma_start3A_202] : memref<50x16384x64xf32, #tpu.memory_space<hbm>> -> memref<1x128x64xf32, #tpu.memory_space<hbm>>
    %dma_start3A_204 = tpu.memref_squeeze %dma_start3A_203 : memref<1x128x64xf32, #tpu.memory_space<hbm>> -> memref<128x64xf32, #tpu.memory_space<hbm>>
    %dma_start3A_205 = arith.constant 0 : i32
    %dma_start3A_206 = arith.constant 0 : i32
    %dma_start3A_207 = tpu.memref_slice %arg7[%dma_start3A_192, %dma_start3A_193, %dma_start3A_205, %dma_start3A_206] : memref<2x4x128x64xf32, #tpu.memory_space<vmem>> -> memref<1x1x128x64xf32, #tpu.memory_space<vmem>>
    %dma_start3A_208 = tpu.memref_squeeze %dma_start3A_207 : memref<1x1x128x64xf32, #tpu.memory_space<vmem>> -> memref<128x64xf32, #tpu.memory_space<vmem>>
    tpu.enqueue_dma source(%dma_start3A_208 : memref<128x64xf32, #tpu.memory_space<vmem>>) target(%dma_start3A_204 : memref<128x64xf32, #tpu.memory_space<hbm>>) target_semaphore(%arg18 : memref<!tpu.dma_semaphore, #tpu.memory_space<semaphore_mem>>)
    %dma_start3A_209 = arith.constant 1 : i32
    %dma_start3A_210 = arith.constant 1 : i32
    %dma_start3A_211 = arith.constant 2 : i32
    %dma_start3A_212 = arith.constant 0 : i32
    %dma_start3A_213 = arith.constant 0 : i32
    %dma_start3A_214 = tpu.memref_slice %arg7[%dma_start3A_210, %dma_start3A_211, %dma_start3A_212, %dma_start3A_213] : memref<2x4x128x64xf32, #tpu.memory_space<vmem>> -> memref<1x1x128x64xf32, #tpu.memory_space<vmem>>
    %dma_start3A_215 = tpu.memref_squeeze %dma_start3A_214 : memref<1x1x128x64xf32, #tpu.memory_space<vmem>> -> memref<128x64xf32, #tpu.memory_space<vmem>>
    %dma_start3A_216 = arith.constant 0 : i32
    %dma_start3A_217 = tpu.memref_slice %arg6[%dma_start3A_209, %dma_start3A_216] : memref<2x512xi32, #tpu.memory_space<vmem>> -> memref<1x512xi32, #tpu.memory_space<vmem>>
    %dma_start3A_218 = tpu.memref_squeeze %dma_start3A_217 : memref<1x512xi32, #tpu.memory_space<vmem>> -> memref<512xi32, #tpu.memory_space<vmem>>
    %dma_start3A_219 = arith.constant 256 : i32
    %dma_start3A_220 = tpu.memref_slice %dma_start3A_218[%dma_start3A_219] : memref<512xi32, #tpu.memory_space<vmem>> -> memref<128xi32, #tpu.memory_space<vmem>>
    %dma_start3A_221 = arith.constant 0 : i32
    %dma_start3A_222 = arith.constant 0 : i32
    %dma_start3A_223 = tpu.memref_slice %arg2[%dma_start3A_221, %dma_start3A_222] : memref<1000000x64xf32, #tpu.memory_space<hbm>> -> memref<1000000x64xf32, #tpu.memory_space<hbm>>
    tpu.enqueue_indirect_dma source(%dma_start3A_223 : memref<1000000x64xf32, #tpu.memory_space<hbm>>) target(%dma_start3A_215 : memref<128x64xf32, #tpu.memory_space<vmem>>) offsets(%dma_start3A_220 : memref<128xi32, #tpu.memory_space<vmem>>) semaphore(%arg14 : memref<!tpu.dma_semaphore, #tpu.memory_space<semaphore_mem>>)
    %dma_wait3A_224 = arith.constant 0 : i32
    %dma_wait3A_225 = arith.constant 0 : i32
    %dma_wait3A_226 = arith.constant 3 : i32
    %dma_wait3A_227 = arith.constant 0 : i32
    %dma_wait3A_228 = arith.constant 0 : i32
    %dma_wait3A_229 = tpu.memref_slice %arg7[%dma_wait3A_225, %dma_wait3A_226, %dma_wait3A_227, %dma_wait3A_228] : memref<2x4x128x64xf32, #tpu.memory_space<vmem>> -> memref<1x1x128x64xf32, #tpu.memory_space<vmem>>
    %dma_wait3A_230 = tpu.memref_squeeze %dma_wait3A_229 : memref<1x1x128x64xf32, #tpu.memory_space<vmem>> -> memref<128x64xf32, #tpu.memory_space<vmem>>
    %dma_wait3A_231 = arith.constant 0 : i32
    %dma_wait3A_232 = tpu.memref_slice %arg6[%dma_wait3A_224, %dma_wait3A_231] : memref<2x512xi32, #tpu.memory_space<vmem>> -> memref<1x512xi32, #tpu.memory_space<vmem>>
    %dma_wait3A_233 = tpu.memref_squeeze %dma_wait3A_232 : memref<1x512xi32, #tpu.memory_space<vmem>> -> memref<512xi32, #tpu.memory_space<vmem>>
    %dma_wait3A_234 = arith.constant 0 : i32
    %dma_wait3A_235 = tpu.memref_slice %dma_wait3A_233[%dma_wait3A_234] : memref<512xi32, #tpu.memory_space<vmem>> -> memref<128xi32, #tpu.memory_space<vmem>>
    %dma_wait3A_236 = arith.constant 0 : i32
    %dma_wait3A_237 = arith.constant 0 : i32
    %dma_wait3A_238 = tpu.memref_slice %arg2[%dma_wait3A_236, %dma_wait3A_237] : memref<1000000x64xf32, #tpu.memory_space<hbm>> -> memref<1000000x64xf32, #tpu.memory_space<hbm>>
    tpu.wait_indirect_dma semaphore(%arg11 : memref<!tpu.dma_semaphore, #tpu.memory_space<semaphore_mem>>) src(%dma_wait3A_238 : memref<1000000x64xf32, #tpu.memory_space<hbm>>) dst(%dma_wait3A_230 : memref<128x64xf32, #tpu.memory_space<vmem>>)
    %add3A_239 = arith.constant 384 : i32
    %add3A_240 = arith.addi %mul3A_2, %add3A_239 : i32
    %dma_start3A_241 = arith.constant 0 : i32
    %dma_start3A_242 = arith.constant 3 : i32
    %dma_start3A_243 = arith.constant 0 : i32
    %dma_start3A_244 = arith.constant 0 : i32
    %dma_start3A_245 = arith.constant 0 : i32
    %dma_start3A_246 = tpu.memref_slice %arg7[%dma_start3A_241, %dma_start3A_242, %dma_start3A_244, %dma_start3A_245] : memref<2x4x128x64xf32, #tpu.memory_space<vmem>> -> memref<1x1x128x64xf32, #tpu.memory_space<vmem>>
    %dma_start3A_247 = tpu.memref_squeeze %dma_start3A_246 : memref<1x1x128x64xf32, #tpu.memory_space<vmem>> -> memref<128x64xf32, #tpu.memory_space<vmem>>
    %dma_start3A_248 = arith.constant 0 : i32
    %dma_start3A_249 = tpu.memref_slice %arg4[%dma_start3A_243, %add3A_240, %dma_start3A_248] : memref<50x16384x64xf32, #tpu.memory_space<hbm>> -> memref<1x128x64xf32, #tpu.memory_space<hbm>>
    %dma_start3A_250 = tpu.memref_squeeze %dma_start3A_249 : memref<1x128x64xf32, #tpu.memory_space<hbm>> -> memref<128x64xf32, #tpu.memory_space<hbm>>
    %dma_start3A_251 = arith.constant 0 : i32
    %dma_start3A_252 = tpu.memref_slice %arg4[%dma_start3A_243, %add3A_240, %dma_start3A_251] : memref<50x16384x64xf32, #tpu.memory_space<hbm>> -> memref<1x128x64xf32, #tpu.memory_space<hbm>>
    %dma_start3A_253 = tpu.memref_squeeze %dma_start3A_252 : memref<1x128x64xf32, #tpu.memory_space<hbm>> -> memref<128x64xf32, #tpu.memory_space<hbm>>
    %dma_start3A_254 = arith.constant 0 : i32
    %dma_start3A_255 = arith.constant 0 : i32
    %dma_start3A_256 = tpu.memref_slice %arg7[%dma_start3A_241, %dma_start3A_242, %dma_start3A_254, %dma_start3A_255] : memref<2x4x128x64xf32, #tpu.memory_space<vmem>> -> memref<1x1x128x64xf32, #tpu.memory_space<vmem>>
    %dma_start3A_257 = tpu.memref_squeeze %dma_start3A_256 : memref<1x1x128x64xf32, #tpu.memory_space<vmem>> -> memref<128x64xf32, #tpu.memory_space<vmem>>
    tpu.enqueue_dma source(%dma_start3A_257 : memref<128x64xf32, #tpu.memory_space<vmem>>) target(%dma_start3A_253 : memref<128x64xf32, #tpu.memory_space<hbm>>) target_semaphore(%arg19 : memref<!tpu.dma_semaphore, #tpu.memory_space<semaphore_mem>>)
    %dma_start3A_258 = arith.constant 1 : i32
    %dma_start3A_259 = arith.constant 1 : i32
    %dma_start3A_260 = arith.constant 3 : i32
    %dma_start3A_261 = arith.constant 0 : i32
    %dma_start3A_262 = arith.constant 0 : i32
    %dma_start3A_263 = tpu.memref_slice %arg7[%dma_start3A_259, %dma_start3A_260, %dma_start3A_261, %dma_start3A_262] : memref<2x4x128x64xf32, #tpu.memory_space<vmem>> -> memref<1x1x128x64xf32, #tpu.memory_space<vmem>>
    %dma_start3A_264 = tpu.memref_squeeze %dma_start3A_263 : memref<1x1x128x64xf32, #tpu.memory_space<vmem>> -> memref<128x64xf32, #tpu.memory_space<vmem>>
    %dma_start3A_265 = arith.constant 0 : i32
    %dma_start3A_266 = tpu.memref_slice %arg6[%dma_start3A_258, %dma_start3A_265] : memref<2x512xi32, #tpu.memory_space<vmem>> -> memref<1x512xi32, #tpu.memory_space<vmem>>
    %dma_start3A_267 = tpu.memref_squeeze %dma_start3A_266 : memref<1x512xi32, #tpu.memory_space<vmem>> -> memref<512xi32, #tpu.memory_space<vmem>>
    %dma_start3A_268 = arith.constant 384 : i32
    %dma_start3A_269 = tpu.memref_slice %dma_start3A_267[%dma_start3A_268] : memref<512xi32, #tpu.memory_space<vmem>> -> memref<128xi32, #tpu.memory_space<vmem>>
    %dma_start3A_270 = arith.constant 0 : i32
    %dma_start3A_271 = arith.constant 0 : i32
    %dma_start3A_272 = tpu.memref_slice %arg2[%dma_start3A_270, %dma_start3A_271] : memref<1000000x64xf32, #tpu.memory_space<hbm>> -> memref<1000000x64xf32, #tpu.memory_space<hbm>>
    tpu.enqueue_indirect_dma source(%dma_start3A_272 : memref<1000000x64xf32, #tpu.memory_space<hbm>>) target(%dma_start3A_264 : memref<128x64xf32, #tpu.memory_space<vmem>>) offsets(%dma_start3A_269 : memref<128xi32, #tpu.memory_space<vmem>>) semaphore(%arg15 : memref<!tpu.dma_semaphore, #tpu.memory_space<semaphore_mem>>)
    %scan3A_273 = arith.constant 0 : i32
    %scan3A_274 = arith.constant 0 : i32
    %scan3A_275 = arith.constant 32 : i32
    %scan3A_276 = arith.addi %scan3A_274, %scan3A_275 : i32
    %scan3A_277 = arith.constant 1 : i32
    scf.for %scan3A_1091 = %scan3A_274 to %scan3A_276 step %scan3A_277  : i32 {
      %mul3A_1092 = arith.constant 16 : i32
      %mul3A_1093 = arith.muli %scan3A_1091, %mul3A_1092 : i32
      %mul3A_1094 = arith.constant 50 : i32
      %mul3A_1095 = arith.muli %mul3A_1093, %mul3A_1094 : i32
      %add3A_1096 = arith.constant 2 : i32
      %add3A_1097 = arith.addi %mul3A_1095, %add3A_1096 : i32
      %add3A_1098 = vector.broadcast %add3A_1097 : i32 to vector<16xi32>
      %add3A_1099 = arith.addi %mul3A_7, %add3A_1098 : vector<16xi32>
      %gather3A = tpu.vector_load_idx %arg5[%add3A_1099] : memref<25600xi32, #tpu.memory_space<vmem>>[vector<16xi32>], vector<16xi32>,
      %mul3A_1100 = arith.constant 16 : i32
      %mul3A_1101 = arith.muli %scan3A_1091, %mul3A_1100 : i32
      %swap3A = arith.constant 0 : i32
      %swap3A_1102 = arith.index_cast %swap3A : i32 to index
      %swap3A_1103 = arith.index_cast %mul3A_1101 : i32 to index
      %swap3A_1104 = tpu.vector_load %arg6[%swap3A_1102, %swap3A_1103] {strides = array<i32>} : memref<2x512xi32, #tpu.memory_space<vmem>>, vector<16xi32>,
      tpu.vector_store %arg6[%swap3A_1102, %swap3A_1103], %gather3A {strides = array<i32>} : memref<2x512xi32, #tpu.memory_space<vmem>>, vector<16xi32>,
    }
    %scan3A_278 = arith.constant 32 : i32
    %dma_wait3A_279 = arith.constant 0 : i32
    %dma_wait3A_280 = arith.constant 1 : i32
    %dma_wait3A_281 = arith.constant 0 : i32
    %dma_wait3A_282 = arith.constant 0 : i32
    %dma_wait3A_283 = arith.constant 0 : i32
    %dma_wait3A_284 = tpu.memref_slice %arg7[%dma_wait3A_280, %dma_wait3A_281, %dma_wait3A_282, %dma_wait3A_283] : memref<2x4x128x64xf32, #tpu.memory_space<vmem>> -> memref<1x1x128x64xf32, #tpu.memory_space<vmem>>
    %dma_wait3A_285 = tpu.memref_squeeze %dma_wait3A_284 : memref<1x1x128x64xf32, #tpu.memory_space<vmem>> -> memref<128x64xf32, #tpu.memory_space<vmem>>
    %dma_wait3A_286 = arith.constant 0 : i32
    %dma_wait3A_287 = tpu.memref_slice %arg6[%dma_wait3A_279, %dma_wait3A_286] : memref<2x512xi32, #tpu.memory_space<vmem>> -> memref<1x512xi32, #tpu.memory_space<vmem>>
    %dma_wait3A_288 = tpu.memref_squeeze %dma_wait3A_287 : memref<1x512xi32, #tpu.memory_space<vmem>> -> memref<512xi32, #tpu.memory_space<vmem>>
    %dma_wait3A_289 = arith.constant 0 : i32
    %dma_wait3A_290 = tpu.memref_slice %dma_wait3A_288[%dma_wait3A_289] : memref<512xi32, #tpu.memory_space<vmem>> -> memref<128xi32, #tpu.memory_space<vmem>>
    %dma_wait3A_291 = arith.constant 0 : i32
    %dma_wait3A_292 = arith.constant 0 : i32
    %dma_wait3A_293 = tpu.memref_slice %arg2[%dma_wait3A_291, %dma_wait3A_292] : memref<1000000x64xf32, #tpu.memory_space<hbm>> -> memref<1000000x64xf32, #tpu.memory_space<hbm>>
    tpu.wait_indirect_dma semaphore(%arg12 : memref<!tpu.dma_semaphore, #tpu.memory_space<semaphore_mem>>) src(%dma_wait3A_293 : memref<1000000x64xf32, #tpu.memory_space<hbm>>) dst(%dma_wait3A_285 : memref<128x64xf32, #tpu.memory_space<vmem>>)
    %add3A_294 = arith.constant 0 : i32
    %add3A_295 = arith.addi %mul3A_2, %add3A_294 : i32
    %dma_start3A_296 = arith.constant 1 : i32
    %dma_start3A_297 = arith.constant 0 : i32
    %dma_start3A_298 = arith.constant 1 : i32
    %dma_start3A_299 = arith.constant 0 : i32
    %dma_start3A_300 = arith.constant 0 : i32
    %dma_start3A_301 = tpu.memref_slice %arg7[%dma_start3A_296, %dma_start3A_297, %dma_start3A_299, %dma_start3A_300] : memref<2x4x128x64xf32, #tpu.memory_space<vmem>> -> memref<1x1x128x64xf32, #tpu.memory_space<vmem>>
    %dma_start3A_302 = tpu.memref_squeeze %dma_start3A_301 : memref<1x1x128x64xf32, #tpu.memory_space<vmem>> -> memref<128x64xf32, #tpu.memory_space<vmem>>
    %dma_start3A_303 = arith.constant 0 : i32
    %dma_start3A_304 = tpu.memref_slice %arg4[%dma_start3A_298, %add3A_295, %dma_start3A_303] : memref<50x16384x64xf32, #tpu.memory_space<hbm>> -> memref<1x128x64xf32, #tpu.memory_space<hbm>>
    %dma_start3A_305 = tpu.memref_squeeze %dma_start3A_304 : memref<1x128x64xf32, #tpu.memory_space<hbm>> -> memref<128x64xf32, #tpu.memory_space<hbm>>
    %dma_start3A_306 = arith.constant 0 : i32
    %dma_start3A_307 = tpu.memref_slice %arg4[%dma_start3A_298, %add3A_295, %dma_start3A_306] : memref<50x16384x64xf32, #tpu.memory_space<hbm>> -> memref<1x128x64xf32, #tpu.memory_space<hbm>>
    %dma_start3A_308 = tpu.memref_squeeze %dma_start3A_307 : memref<1x128x64xf32, #tpu.memory_space<hbm>> -> memref<128x64xf32, #tpu.memory_space<hbm>>
    %dma_start3A_309 = arith.constant 0 : i32
    %dma_start3A_310 = arith.constant 0 : i32
    %dma_start3A_311 = tpu.memref_slice %arg7[%dma_start3A_296, %dma_start3A_297, %dma_start3A_309, %dma_start3A_310] : memref<2x4x128x64xf32, #tpu.memory_space<vmem>> -> memref<1x1x128x64xf32, #tpu.memory_space<vmem>>
    %dma_start3A_312 = tpu.memref_squeeze %dma_start3A_311 : memref<1x1x128x64xf32, #tpu.memory_space<vmem>> -> memref<128x64xf32, #tpu.memory_space<vmem>>
    tpu.enqueue_dma source(%dma_start3A_312 : memref<128x64xf32, #tpu.memory_space<vmem>>) target(%dma_start3A_308 : memref<128x64xf32, #tpu.memory_space<hbm>>) target_semaphore(%arg20 : memref<!tpu.dma_semaphore, #tpu.memory_space<semaphore_mem>>)
    %dma_wait3A_313 = arith.constant 0 : i32
    %dma_wait3A_314 = arith.constant 0 : i32
    %dma_wait3A_315 = arith.constant 0 : i32
    %dma_wait3A_316 = arith.constant 0 : i32
    %dma_wait3A_317 = arith.constant 0 : i32
    %dma_wait3A_318 = tpu.memref_slice %arg7[%dma_wait3A_313, %dma_wait3A_314, %dma_wait3A_316, %dma_wait3A_317] : memref<2x4x128x64xf32, #tpu.memory_space<vmem>> -> memref<1x1x128x64xf32, #tpu.memory_space<vmem>>
    %dma_wait3A_319 = tpu.memref_squeeze %dma_wait3A_318 : memref<1x1x128x64xf32, #tpu.memory_space<vmem>> -> memref<128x64xf32, #tpu.memory_space<vmem>>
    %dma_wait3A_320 = arith.constant 0 : i32
    %dma_wait3A_321 = tpu.memref_slice %arg4[%dma_wait3A_315, %mul3A_2, %dma_wait3A_320] : memref<50x16384x64xf32, #tpu.memory_space<hbm>> -> memref<1x128x64xf32, #tpu.memory_space<hbm>>
    %dma_wait3A_322 = tpu.memref_squeeze %dma_wait3A_321 : memref<1x128x64xf32, #tpu.memory_space<hbm>> -> memref<128x64xf32, #tpu.memory_space<hbm>>
    %dma_wait3A_323 = arith.constant 0 : i32
    %dma_wait3A_324 = tpu.memref_slice %arg4[%dma_wait3A_315, %mul3A_2, %dma_wait3A_323] : memref<50x16384x64xf32, #tpu.memory_space<hbm>> -> memref<1x128x64xf32, #tpu.memory_space<hbm>>
    %dma_wait3A_325 = tpu.memref_squeeze %dma_wait3A_324 : memref<1x128x64xf32, #tpu.memory_space<hbm>> -> memref<128x64xf32, #tpu.memory_space<hbm>>
    %dma_wait3A_326 = arith.constant 0 : i32
    %dma_wait3A_327 = arith.constant 0 : i32
    %dma_wait3A_328 = tpu.memref_slice %arg7[%dma_wait3A_313, %dma_wait3A_314, %dma_wait3A_326, %dma_wait3A_327] : memref<2x4x128x64xf32, #tpu.memory_space<vmem>> -> memref<1x1x128x64xf32, #tpu.memory_space<vmem>>
    %dma_wait3A_329 = tpu.memref_squeeze %dma_wait3A_328 : memref<1x1x128x64xf32, #tpu.memory_space<vmem>> -> memref<128x64xf32, #tpu.memory_space<vmem>>
    tpu.wait_dma2 semaphore(%arg16 : memref<!tpu.dma_semaphore, #tpu.memory_space<semaphore_mem>>) src(%dma_wait3A_329 : memref<128x64xf32, #tpu.memory_space<vmem>>) dst(%dma_wait3A_325 : memref<128x64xf32, #tpu.memory_space<hbm>>)
    %dma_start3A_330 = arith.constant 0 : i32
    %dma_start3A_331 = arith.constant 0 : i32
    %dma_start3A_332 = arith.constant 0 : i32
    %dma_start3A_333 = arith.constant 0 : i32
    %dma_start3A_334 = arith.constant 0 : i32
    %dma_start3A_335 = tpu.memref_slice %arg7[%dma_start3A_331, %dma_start3A_332, %dma_start3A_333, %dma_start3A_334] : memref<2x4x128x64xf32, #tpu.memory_space<vmem>> -> memref<1x1x128x64xf32, #tpu.memory_space<vmem>>
    %dma_start3A_336 = tpu.memref_squeeze %dma_start3A_335 : memref<1x1x128x64xf32, #tpu.memory_space<vmem>> -> memref<128x64xf32, #tpu.memory_space<vmem>>
    %dma_start3A_337 = arith.constant 0 : i32
    %dma_start3A_338 = tpu.memref_slice %arg6[%dma_start3A_330, %dma_start3A_337] : memref<2x512xi32, #tpu.memory_space<vmem>> -> memref<1x512xi32, #tpu.memory_space<vmem>>
    %dma_start3A_339 = tpu.memref_squeeze %dma_start3A_338 : memref<1x512xi32, #tpu.memory_space<vmem>> -> memref<512xi32, #tpu.memory_space<vmem>>
    %dma_start3A_340 = arith.constant 0 : i32
    %dma_start3A_341 = tpu.memref_slice %dma_start3A_339[%dma_start3A_340] : memref<512xi32, #tpu.memory_space<vmem>> -> memref<128xi32, #tpu.memory_space<vmem>>
    %dma_start3A_342 = arith.constant 0 : i32
    %dma_start3A_343 = arith.constant 0 : i32
    %dma_start3A_344 = tpu.memref_slice %arg2[%dma_start3A_342, %dma_start3A_343] : memref<1000000x64xf32, #tpu.memory_space<hbm>> -> memref<1000000x64xf32, #tpu.memory_space<hbm>>
    tpu.enqueue_indirect_dma source(%dma_start3A_344 : memref<1000000x64xf32, #tpu.memory_space<hbm>>) target(%dma_start3A_336 : memref<128x64xf32, #tpu.memory_space<vmem>>) offsets(%dma_start3A_341 : memref<128xi32, #tpu.memory_space<vmem>>) semaphore(%arg8 : memref<!tpu.dma_semaphore, #tpu.memory_space<semaphore_mem>>)
    %dma_wait3A_345 = arith.constant 0 : i32
    %dma_wait3A_346 = arith.constant 1 : i32
    %dma_wait3A_347 = arith.constant 1 : i32
    %dma_wait3A_348 = arith.constant 0 : i32
    %dma_wait3A_349 = arith.constant 0 : i32
    %dma_wait3A_350 = tpu.memref_slice %arg7[%dma_wait3A_346, %dma_wait3A_347, %dma_wait3A_348, %dma_wait3A_349] : memref<2x4x128x64xf32, #tpu.memory_space<vmem>> -> memref<1x1x128x64xf32, #tpu.memory_space<vmem>>
    %dma_wait3A_351 = tpu.memref_squeeze %dma_wait3A_350 : memref<1x1x128x64xf32, #tpu.memory_space<vmem>> -> memref<128x64xf32, #tpu.memory_space<vmem>>
    %dma_wait3A_352 = arith.constant 0 : i32
    %dma_wait3A_353 = tpu.memref_slice %arg6[%dma_wait3A_345, %dma_wait3A_352] : memref<2x512xi32, #tpu.memory_space<vmem>> -> memref<1x512xi32, #tpu.memory_space<vmem>>
    %dma_wait3A_354 = tpu.memref_squeeze %dma_wait3A_353 : memref<1x512xi32, #tpu.memory_space<vmem>> -> memref<512xi32, #tpu.memory_space<vmem>>
    %dma_wait3A_355 = arith.constant 0 : i32
    %dma_wait3A_356 = tpu.memref_slice %dma_wait3A_354[%dma_wait3A_355] : memref<512xi32, #tpu.memory_space<vmem>> -> memref<128xi32, #tpu.memory_space<vmem>>
    %dma_wait3A_357 = arith.constant 0 : i32
    %dma_wait3A_358 = arith.constant 0 : i32
    %dma_wait3A_359 = tpu.memref_slice %arg2[%dma_wait3A_357, %dma_wait3A_358] : memref<1000000x64xf32, #tpu.memory_space<hbm>> -> memref<1000000x64xf32, #tpu.memory_space<hbm>>
    tpu.wait_indirect_dma semaphore(%arg13 : memref<!tpu.dma_semaphore, #tpu.memory_space<semaphore_mem>>) src(%dma_wait3A_359 : memref<1000000x64xf32, #tpu.memory_space<hbm>>) dst(%dma_wait3A_351 : memref<128x64xf32, #tpu.memory_space<vmem>>)
    %add3A_360 = arith.constant 128 : i32
    %add3A_361 = arith.addi %mul3A_2, %add3A_360 : i32
    %dma_start3A_362 = arith.constant 1 : i32
    %dma_start3A_363 = arith.constant 1 : i32
    %dma_start3A_364 = arith.constant 1 : i32
    %dma_start3A_365 = arith.constant 0 : i32
    %dma_start3A_366 = arith.constant 0 : i32
    %dma_start3A_367 = tpu.memref_slice %arg7[%dma_start3A_362, %dma_start3A_363, %dma_start3A_365, %dma_start3A_366] : memref<2x4x128x64xf32, #tpu.memory_space<vmem>> -> memref<1x1x128x64xf32, #tpu.memory_space<vmem>>
    %dma_start3A_368 = tpu.memref_squeeze %dma_start3A_367 : memref<1x1x128x64xf32, #tpu.memory_space<vmem>> -> memref<128x64xf32, #tpu.memory_space<vmem>>
    %dma_start3A_369 = arith.constant 0 : i32
    %dma_start3A_370 = tpu.memref_slice %arg4[%dma_start3A_364, %add3A_361, %dma_start3A_369] : memref<50x16384x64xf32, #tpu.memory_space<hbm>> -> memref<1x128x64xf32, #tpu.memory_space<hbm>>
    %dma_start3A_371 = tpu.memref_squeeze %dma_start3A_370 : memref<1x128x64xf32, #tpu.memory_space<hbm>> -> memref<128x64xf32, #tpu.memory_space<hbm>>
    %dma_start3A_372 = arith.constant 0 : i32
    %dma_start3A_373 = tpu.memref_slice %arg4[%dma_start3A_364, %add3A_361, %dma_start3A_372] : memref<50x16384x64xf32, #tpu.memory_space<hbm>> -> memref<1x128x64xf32, #tpu.memory_space<hbm>>
    %dma_start3A_374 = tpu.memref_squeeze %dma_start3A_373 : memref<1x128x64xf32, #tpu.memory_space<hbm>> -> memref<128x64xf32, #tpu.memory_space<hbm>>
    %dma_start3A_375 = arith.constant 0 : i32
    %dma_start3A_376 = arith.constant 0 : i32
    %dma_start3A_377 = tpu.memref_slice %arg7[%dma_start3A_362, %dma_start3A_363, %dma_start3A_375, %dma_start3A_376] : memref<2x4x128x64xf32, #tpu.memory_space<vmem>> -> memref<1x1x128x64xf32, #tpu.memory_space<vmem>>
    %dma_start3A_378 = tpu.memref_squeeze %dma_start3A_377 : memref<1x1x128x64xf32, #tpu.memory_space<vmem>> -> memref<128x64xf32, #tpu.memory_space<vmem>>
    tpu.enqueue_dma source(%dma_start3A_378 : memref<128x64xf32, #tpu.memory_space<vmem>>) target(%dma_start3A_374 : memref<128x64xf32, #tpu.memory_space<hbm>>) target_semaphore(%arg21 : memref<!tpu.dma_semaphore, #tpu.memory_space<semaphore_mem>>)
    %dma_wait3A_379 = arith.constant 0 : i32
    %dma_wait3A_380 = arith.constant 1 : i32
    %dma_wait3A_381 = arith.constant 0 : i32
    %dma_wait3A_382 = arith.constant 0 : i32
    %dma_wait3A_383 = arith.constant 0 : i32
    %dma_wait3A_384 = tpu.memref_slice %arg7[%dma_wait3A_379, %dma_wait3A_380, %dma_wait3A_382, %dma_wait3A_383] : memref<2x4x128x64xf32, #tpu.memory_space<vmem>> -> memref<1x1x128x64xf32, #tpu.memory_space<vmem>>
    %dma_wait3A_385 = tpu.memref_squeeze %dma_wait3A_384 : memref<1x1x128x64xf32, #tpu.memory_space<vmem>> -> memref<128x64xf32, #tpu.memory_space<vmem>>
    %dma_wait3A_386 = arith.constant 0 : i32
    %dma_wait3A_387 = tpu.memref_slice %arg4[%dma_wait3A_381, %mul3A_2, %dma_wait3A_386] : memref<50x16384x64xf32, #tpu.memory_space<hbm>> -> memref<1x128x64xf32, #tpu.memory_space<hbm>>
    %dma_wait3A_388 = tpu.memref_squeeze %dma_wait3A_387 : memref<1x128x64xf32, #tpu.memory_space<hbm>> -> memref<128x64xf32, #tpu.memory_space<hbm>>
    %dma_wait3A_389 = arith.constant 0 : i32
    %dma_wait3A_390 = tpu.memref_slice %arg4[%dma_wait3A_381, %mul3A_2, %dma_wait3A_389] : memref<50x16384x64xf32, #tpu.memory_space<hbm>> -> memref<1x128x64xf32, #tpu.memory_space<hbm>>
    %dma_wait3A_391 = tpu.memref_squeeze %dma_wait3A_390 : memref<1x128x64xf32, #tpu.memory_space<hbm>> -> memref<128x64xf32, #tpu.memory_space<hbm>>
    %dma_wait3A_392 = arith.constant 0 : i32
    %dma_wait3A_393 = arith.constant 0 : i32
    %dma_wait3A_394 = tpu.memref_slice %arg7[%dma_wait3A_379, %dma_wait3A_380, %dma_wait3A_392, %dma_wait3A_393] : memref<2x4x128x64xf32, #tpu.memory_space<vmem>> -> memref<1x1x128x64xf32, #tpu.memory_space<vmem>>
    %dma_wait3A_395 = tpu.memref_squeeze %dma_wait3A_394 : memref<1x1x128x64xf32, #tpu.memory_space<vmem>> -> memref<128x64xf32, #tpu.memory_space<vmem>>
    tpu.wait_dma2 semaphore(%arg17 : memref<!tpu.dma_semaphore, #tpu.memory_space<semaphore_mem>>) src(%dma_wait3A_395 : memref<128x64xf32, #tpu.memory_space<vmem>>) dst(%dma_wait3A_391 : memref<128x64xf32, #tpu.memory_space<hbm>>)
    %dma_start3A_396 = arith.constant 0 : i32
    %dma_start3A_397 = arith.constant 0 : i32
    %dma_start3A_398 = arith.constant 1 : i32
    %dma_start3A_399 = arith.constant 0 : i32
    %dma_start3A_400 = arith.constant 0 : i32
    %dma_start3A_401 = tpu.memref_slice %arg7[%dma_start3A_397, %dma_start3A_398, %dma_start3A_399, %dma_start3A_400] : memref<2x4x128x64xf32, #tpu.memory_space<vmem>> -> memref<1x1x128x64xf32, #tpu.memory_space<vmem>>
    %dma_start3A_402 = tpu.memref_squeeze %dma_start3A_401 : memref<1x1x128x64xf32, #tpu.memory_space<vmem>> -> memref<128x64xf32, #tpu.memory_space<vmem>>
    %dma_start3A_403 = arith.constant 0 : i32
    %dma_start3A_404 = tpu.memref_slice %arg6[%dma_start3A_396, %dma_start3A_403] : memref<2x512xi32, #tpu.memory_space<vmem>> -> memref<1x512xi32, #tpu.memory_space<vmem>>
    %dma_start3A_405 = tpu.memref_squeeze %dma_start3A_404 : memref<1x512xi32, #tpu.memory_space<vmem>> -> memref<512xi32, #tpu.memory_space<vmem>>
    %dma_start3A_406 = arith.constant 128 : i32
    %dma_start3A_407 = tpu.memref_slice %dma_start3A_405[%dma_start3A_406] : memref<512xi32, #tpu.memory_space<vmem>> -> memref<128xi32, #tpu.memory_space<vmem>>
    %dma_start3A_408 = arith.constant 0 : i32
    %dma_start3A_409 = arith.constant 0 : i32
    %dma_start3A_410 = tpu.memref_slice %arg2[%dma_start3A_408, %dma_start3A_409] : memref<1000000x64xf32, #tpu.memory_space<hbm>> -> memref<1000000x64xf32, #tpu.memory_space<hbm>>
    tpu.enqueue_indirect_dma source(%dma_start3A_410 : memref<1000000x64xf32, #tpu.memory_space<hbm>>) target(%dma_start3A_402 : memref<128x64xf32, #tpu.memory_space<vmem>>) offsets(%dma_start3A_407 : memref<128xi32, #tpu.memory_space<vmem>>) semaphore(%arg9 : memref<!tpu.dma_semaphore, #tpu.memory_space<semaphore_mem>>)
    %dma_wait3A_411 = arith.constant 0 : i32
    %dma_wait3A_412 = arith.constant 1 : i32
    %dma_wait3A_413 = arith.constant 2 : i32
    %dma_wait3A_414 = arith.constant 0 : i32
    %dma_wait3A_415 = arith.constant 0 : i32
    %dma_wait3A_416 = tpu.memref_slice %arg7[%dma_wait3A_412, %dma_wait3A_413, %dma_wait3A_414, %dma_wait3A_415] : memref<2x4x128x64xf32, #tpu.memory_space<vmem>> -> memref<1x1x128x64xf32, #tpu.memory_space<vmem>>
    %dma_wait3A_417 = tpu.memref_squeeze %dma_wait3A_416 : memref<1x1x128x64xf32, #tpu.memory_space<vmem>> -> memref<128x64xf32, #tpu.memory_space<vmem>>
    %dma_wait3A_418 = arith.constant 0 : i32
    %dma_wait3A_419 = tpu.memref_slice %arg6[%dma_wait3A_411, %dma_wait3A_418] : memref<2x512xi32, #tpu.memory_space<vmem>> -> memref<1x512xi32, #tpu.memory_space<vmem>>
    %dma_wait3A_420 = tpu.memref_squeeze %dma_wait3A_419 : memref<1x512xi32, #tpu.memory_space<vmem>> -> memref<512xi32, #tpu.memory_space<vmem>>
    %dma_wait3A_421 = arith.constant 0 : i32
    %dma_wait3A_422 = tpu.memref_slice %dma_wait3A_420[%dma_wait3A_421] : memref<512xi32, #tpu.memory_space<vmem>> -> memref<128xi32, #tpu.memory_space<vmem>>
    %dma_wait3A_423 = arith.constant 0 : i32
    %dma_wait3A_424 = arith.constant 0 : i32
    %dma_wait3A_425 = tpu.memref_slice %arg2[%dma_wait3A_423, %dma_wait3A_424] : memref<1000000x64xf32, #tpu.memory_space<hbm>> -> memref<1000000x64xf32, #tpu.memory_space<hbm>>
    tpu.wait_indirect_dma semaphore(%arg14 : memref<!tpu.dma_semaphore, #tpu.memory_space<semaphore_mem>>) src(%dma_wait3A_425 : memref<1000000x64xf32, #tpu.memory_space<hbm>>) dst(%dma_wait3A_417 : memref<128x64xf32, #tpu.memory_space<vmem>>)
    %add3A_426 = arith.constant 256 : i32
    %add3A_427 = arith.addi %mul3A_2, %add3A_426 : i32
    %dma_start3A_428 = arith.constant 1 : i32
    %dma_start3A_429 = arith.constant 2 : i32
    %dma_start3A_430 = arith.constant 1 : i32
    %dma_start3A_431 = arith.constant 0 : i32
    %dma_start3A_432 = arith.constant 0 : i32
    %dma_start3A_433 = tpu.memref_slice %arg7[%dma_start3A_428, %dma_start3A_429, %dma_start3A_431, %dma_start3A_432] : memref<2x4x128x64xf32, #tpu.memory_space<vmem>> -> memref<1x1x128x64xf32, #tpu.memory_space<vmem>>
    %dma_start3A_434 = tpu.memref_squeeze %dma_start3A_433 : memref<1x1x128x64xf32, #tpu.memory_space<vmem>> -> memref<128x64xf32, #tpu.memory_space<vmem>>
    %dma_start3A_435 = arith.constant 0 : i32
    %dma_start3A_436 = tpu.memref_slice %arg4[%dma_start3A_430, %add3A_427, %dma_start3A_435] : memref<50x16384x64xf32, #tpu.memory_space<hbm>> -> memref<1x128x64xf32, #tpu.memory_space<hbm>>
    %dma_start3A_437 = tpu.memref_squeeze %dma_start3A_436 : memref<1x128x64xf32, #tpu.memory_space<hbm>> -> memref<128x64xf32, #tpu.memory_space<hbm>>
    %dma_start3A_438 = arith.constant 0 : i32
    %dma_start3A_439 = tpu.memref_slice %arg4[%dma_start3A_430, %add3A_427, %dma_start3A_438] : memref<50x16384x64xf32, #tpu.memory_space<hbm>> -> memref<1x128x64xf32, #tpu.memory_space<hbm>>
    %dma_start3A_440 = tpu.memref_squeeze %dma_start3A_439 : memref<1x128x64xf32, #tpu.memory_space<hbm>> -> memref<128x64xf32, #tpu.memory_space<hbm>>
    %dma_start3A_441 = arith.constant 0 : i32
    %dma_start3A_442 = arith.constant 0 : i32
    %dma_start3A_443 = tpu.memref_slice %arg7[%dma_start3A_428, %dma_start3A_429, %dma_start3A_441, %dma_start3A_442] : memref<2x4x128x64xf32, #tpu.memory_space<vmem>> -> memref<1x1x128x64xf32, #tpu.memory_space<vmem>>
    %dma_start3A_444 = tpu.memref_squeeze %dma_start3A_443 : memref<1x1x128x64xf32, #tpu.memory_space<vmem>> -> memref<128x64xf32, #tpu.memory_space<vmem>>
    tpu.enqueue_dma source(%dma_start3A_444 : memref<128x64xf32, #tpu.memory_space<vmem>>) target(%dma_start3A_440 : memref<128x64xf32, #tpu.memory_space<hbm>>) target_semaphore(%arg22 : memref<!tpu.dma_semaphore, #tpu.memory_space<semaphore_mem>>)
    %dma_wait3A_445 = arith.constant 0 : i32
    %dma_wait3A_446 = arith.constant 2 : i32
    %dma_wait3A_447 = arith.constant 0 : i32
    %dma_wait3A_448 = arith.constant 0 : i32
    %dma_wait3A_449 = arith.constant 0 : i32
    %dma_wait3A_450 = tpu.memref_slice %arg7[%dma_wait3A_445, %dma_wait3A_446, %dma_wait3A_448, %dma_wait3A_449] : memref<2x4x128x64xf32, #tpu.memory_space<vmem>> -> memref<1x1x128x64xf32, #tpu.memory_space<vmem>>
    %dma_wait3A_451 = tpu.memref_squeeze %dma_wait3A_450 : memref<1x1x128x64xf32, #tpu.memory_space<vmem>> -> memref<128x64xf32, #tpu.memory_space<vmem>>
    %dma_wait3A_452 = arith.constant 0 : i32
    %dma_wait3A_453 = tpu.memref_slice %arg4[%dma_wait3A_447, %mul3A_2, %dma_wait3A_452] : memref<50x16384x64xf32, #tpu.memory_space<hbm>> -> memref<1x128x64xf32, #tpu.memory_space<hbm>>
    %dma_wait3A_454 = tpu.memref_squeeze %dma_wait3A_453 : memref<1x128x64xf32, #tpu.memory_space<hbm>> -> memref<128x64xf32, #tpu.memory_space<hbm>>
    %dma_wait3A_455 = arith.constant 0 : i32
    %dma_wait3A_456 = tpu.memref_slice %arg4[%dma_wait3A_447, %mul3A_2, %dma_wait3A_455] : memref<50x16384x64xf32, #tpu.memory_space<hbm>> -> memref<1x128x64xf32, #tpu.memory_space<hbm>>
    %dma_wait3A_457 = tpu.memref_squeeze %dma_wait3A_456 : memref<1x128x64xf32, #tpu.memory_space<hbm>> -> memref<128x64xf32, #tpu.memory_space<hbm>>
    %dma_wait3A_458 = arith.constant 0 : i32
    %dma_wait3A_459 = arith.constant 0 : i32
    %dma_wait3A_460 = tpu.memref_slice %arg7[%dma_wait3A_445, %dma_wait3A_446, %dma_wait3A_458, %dma_wait3A_459] : memref<2x4x128x64xf32, #tpu.memory_space<vmem>> -> memref<1x1x128x64xf32, #tpu.memory_space<vmem>>
    %dma_wait3A_461 = tpu.memref_squeeze %dma_wait3A_460 : memref<1x1x128x64xf32, #tpu.memory_space<vmem>> -> memref<128x64xf32, #tpu.memory_space<vmem>>
    tpu.wait_dma2 semaphore(%arg18 : memref<!tpu.dma_semaphore, #tpu.memory_space<semaphore_mem>>) src(%dma_wait3A_461 : memref<128x64xf32, #tpu.memory_space<vmem>>) dst(%dma_wait3A_457 : memref<128x64xf32, #tpu.memory_space<hbm>>)
    %dma_start3A_462 = arith.constant 0 : i32
    %dma_start3A_463 = arith.constant 0 : i32
    %dma_start3A_464 = arith.constant 2 : i32
    %dma_start3A_465 = arith.constant 0 : i32
    %dma_start3A_466 = arith.constant 0 : i32
    %dma_start3A_467 = tpu.memref_slice %arg7[%dma_start3A_463, %dma_start3A_464, %dma_start3A_465, %dma_start3A_466] : memref<2x4x128x64xf32, #tpu.memory_space<vmem>> -> memref<1x1x128x64xf32, #tpu.memory_space<vmem>>
    %dma_start3A_468 = tpu.memref_squeeze %dma_start3A_467 : memref<1x1x128x64xf32, #tpu.memory_space<vmem>> -> memref<128x64xf32, #tpu.memory_space<vmem>>
    %dma_start3A_469 = arith.constant 0 : i32
    %dma_start3A_470 = tpu.memref_slice %arg6[%dma_start3A_462, %dma_start3A_469] : memref<2x512xi32, #tpu.memory_space<vmem>> -> memref<1x512xi32, #tpu.memory_space<vmem>>
    %dma_start3A_471 = tpu.memref_squeeze %dma_start3A_470 : memref<1x512xi32, #tpu.memory_space<vmem>> -> memref<512xi32, #tpu.memory_space<vmem>>
    %dma_start3A_472 = arith.constant 256 : i32
    %dma_start3A_473 = tpu.memref_slice %dma_start3A_471[%dma_start3A_472] : memref<512xi32, #tpu.memory_space<vmem>> -> memref<128xi32, #tpu.memory_space<vmem>>
    %dma_start3A_474 = arith.constant 0 : i32
    %dma_start3A_475 = arith.constant 0 : i32
    %dma_start3A_476 = tpu.memref_slice %arg2[%dma_start3A_474, %dma_start3A_475] : memref<1000000x64xf32, #tpu.memory_space<hbm>> -> memref<1000000x64xf32, #tpu.memory_space<hbm>>
    tpu.enqueue_indirect_dma source(%dma_start3A_476 : memref<1000000x64xf32, #tpu.memory_space<hbm>>) target(%dma_start3A_468 : memref<128x64xf32, #tpu.memory_space<vmem>>) offsets(%dma_start3A_473 : memref<128xi32, #tpu.memory_space<vmem>>) semaphore(%arg10 : memref<!tpu.dma_semaphore, #tpu.memory_space<semaphore_mem>>)
    %dma_wait3A_477 = arith.constant 0 : i32
    %dma_wait3A_478 = arith.constant 1 : i32
    %dma_wait3A_479 = arith.constant 3 : i32
    %dma_wait3A_480 = arith.constant 0 : i32
    %dma_wait3A_481 = arith.constant 0 : i32
    %dma_wait3A_482 = tpu.memref_slice %arg7[%dma_wait3A_478, %dma_wait3A_479, %dma_wait3A_480, %dma_wait3A_481] : memref<2x4x128x64xf32, #tpu.memory_space<vmem>> -> memref<1x1x128x64xf32, #tpu.memory_space<vmem>>
    %dma_wait3A_483 = tpu.memref_squeeze %dma_wait3A_482 : memref<1x1x128x64xf32, #tpu.memory_space<vmem>> -> memref<128x64xf32, #tpu.memory_space<vmem>>
    %dma_wait3A_484 = arith.constant 0 : i32
    %dma_wait3A_485 = tpu.memref_slice %arg6[%dma_wait3A_477, %dma_wait3A_484] : memref<2x512xi32, #tpu.memory_space<vmem>> -> memref<1x512xi32, #tpu.memory_space<vmem>>
    %dma_wait3A_486 = tpu.memref_squeeze %dma_wait3A_485 : memref<1x512xi32, #tpu.memory_space<vmem>> -> memref<512xi32, #tpu.memory_space<vmem>>
    %dma_wait3A_487 = arith.constant 0 : i32
    %dma_wait3A_488 = tpu.memref_slice %dma_wait3A_486[%dma_wait3A_487] : memref<512xi32, #tpu.memory_space<vmem>> -> memref<128xi32, #tpu.memory_space<vmem>>
    %dma_wait3A_489 = arith.constant 0 : i32
    %dma_wait3A_490 = arith.constant 0 : i32
    %dma_wait3A_491 = tpu.memref_slice %arg2[%dma_wait3A_489, %dma_wait3A_490] : memref<1000000x64xf32, #tpu.memory_space<hbm>> -> memref<1000000x64xf32, #tpu.memory_space<hbm>>
    tpu.wait_indirect_dma semaphore(%arg15 : memref<!tpu.dma_semaphore, #tpu.memory_space<semaphore_mem>>) src(%dma_wait3A_491 : memref<1000000x64xf32, #tpu.memory_space<hbm>>) dst(%dma_wait3A_483 : memref<128x64xf32, #tpu.memory_space<vmem>>)
    %add3A_492 = arith.constant 384 : i32
    %add3A_493 = arith.addi %mul3A_2, %add3A_492 : i32
    %dma_start3A_494 = arith.constant 1 : i32
    %dma_start3A_495 = arith.constant 3 : i32
    %dma_start3A_496 = arith.constant 1 : i32
    %dma_start3A_497 = arith.constant 0 : i32
    %dma_start3A_498 = arith.constant 0 : i32
    %dma_start3A_499 = tpu.memref_slice %arg7[%dma_start3A_494, %dma_start3A_495, %dma_start3A_497, %dma_start3A_498] : memref<2x4x128x64xf32, #tpu.memory_space<vmem>> -> memref<1x1x128x64xf32, #tpu.memory_space<vmem>>
    %dma_start3A_500 = tpu.memref_squeeze %dma_start3A_499 : memref<1x1x128x64xf32, #tpu.memory_space<vmem>> -> memref<128x64xf32, #tpu.memory_space<vmem>>
    %dma_start3A_501 = arith.constant 0 : i32
    %dma_start3A_502 = tpu.memref_slice %arg4[%dma_start3A_496, %add3A_493, %dma_start3A_501] : memref<50x16384x64xf32, #tpu.memory_space<hbm>> -> memref<1x128x64xf32, #tpu.memory_space<hbm>>
    %dma_start3A_503 = tpu.memref_squeeze %dma_start3A_502 : memref<1x128x64xf32, #tpu.memory_space<hbm>> -> memref<128x64xf32, #tpu.memory_space<hbm>>
    %dma_start3A_504 = arith.constant 0 : i32
    %dma_start3A_505 = tpu.memref_slice %arg4[%dma_start3A_496, %add3A_493, %dma_start3A_504] : memref<50x16384x64xf32, #tpu.memory_space<hbm>> -> memref<1x128x64xf32, #tpu.memory_space<hbm>>
    %dma_start3A_506 = tpu.memref_squeeze %dma_start3A_505 : memref<1x128x64xf32, #tpu.memory_space<hbm>> -> memref<128x64xf32, #tpu.memory_space<hbm>>
    %dma_start3A_507 = arith.constant 0 : i32
    %dma_start3A_508 = arith.constant 0 : i32
    %dma_start3A_509 = tpu.memref_slice %arg7[%dma_start3A_494, %dma_start3A_495, %dma_start3A_507, %dma_start3A_508] : memref<2x4x128x64xf32, #tpu.memory_space<vmem>> -> memref<1x1x128x64xf32, #tpu.memory_space<vmem>>
    %dma_start3A_510 = tpu.memref_squeeze %dma_start3A_509 : memref<1x1x128x64xf32, #tpu.memory_space<vmem>> -> memref<128x64xf32, #tpu.memory_space<vmem>>
    tpu.enqueue_dma source(%dma_start3A_510 : memref<128x64xf32, #tpu.memory_space<vmem>>) target(%dma_start3A_506 : memref<128x64xf32, #tpu.memory_space<hbm>>) target_semaphore(%arg23 : memref<!tpu.dma_semaphore, #tpu.memory_space<semaphore_mem>>)
    %dma_wait3A_511 = arith.constant 0 : i32
    %dma_wait3A_512 = arith.constant 3 : i32
    %dma_wait3A_513 = arith.constant 0 : i32
    %dma_wait3A_514 = arith.constant 0 : i32
    %dma_wait3A_515 = arith.constant 0 : i32
    %dma_wait3A_516 = tpu.memref_slice %arg7[%dma_wait3A_511, %dma_wait3A_512, %dma_wait3A_514, %dma_wait3A_515] : memref<2x4x128x64xf32, #tpu.memory_space<vmem>> -> memref<1x1x128x64xf32, #tpu.memory_space<vmem>>
    %dma_wait3A_517 = tpu.memref_squeeze %dma_wait3A_516 : memref<1x1x128x64xf32, #tpu.memory_space<vmem>> -> memref<128x64xf32, #tpu.memory_space<vmem>>
    %dma_wait3A_518 = arith.constant 0 : i32
    %dma_wait3A_519 = tpu.memref_slice %arg4[%dma_wait3A_513, %mul3A_2, %dma_wait3A_518] : memref<50x16384x64xf32, #tpu.memory_space<hbm>> -> memref<1x128x64xf32, #tpu.memory_space<hbm>>
    %dma_wait3A_520 = tpu.memref_squeeze %dma_wait3A_519 : memref<1x128x64xf32, #tpu.memory_space<hbm>> -> memref<128x64xf32, #tpu.memory_space<hbm>>
    %dma_wait3A_521 = arith.constant 0 : i32
    %dma_wait3A_522 = tpu.memref_slice %arg4[%dma_wait3A_513, %mul3A_2, %dma_wait3A_521] : memref<50x16384x64xf32, #tpu.memory_space<hbm>> -> memref<1x128x64xf32, #tpu.memory_space<hbm>>
    %dma_wait3A_523 = tpu.memref_squeeze %dma_wait3A_522 : memref<1x128x64xf32, #tpu.memory_space<hbm>> -> memref<128x64xf32, #tpu.memory_space<hbm>>
    %dma_wait3A_524 = arith.constant 0 : i32
    %dma_wait3A_525 = arith.constant 0 : i32
    %dma_wait3A_526 = tpu.memref_slice %arg7[%dma_wait3A_511, %dma_wait3A_512, %dma_wait3A_524, %dma_wait3A_525] : memref<2x4x128x64xf32, #tpu.memory_space<vmem>> -> memref<1x1x128x64xf32, #tpu.memory_space<vmem>>
    %dma_wait3A_527 = tpu.memref_squeeze %dma_wait3A_526 : memref<1x1x128x64xf32, #tpu.memory_space<vmem>> -> memref<128x64xf32, #tpu.memory_space<vmem>>
    tpu.wait_dma2 semaphore(%arg19 : memref<!tpu.dma_semaphore, #tpu.memory_space<semaphore_mem>>) src(%dma_wait3A_527 : memref<128x64xf32, #tpu.memory_space<vmem>>) dst(%dma_wait3A_523 : memref<128x64xf32, #tpu.memory_space<hbm>>)
    %dma_start3A_528 = arith.constant 0 : i32
    %dma_start3A_529 = arith.constant 0 : i32
    %dma_start3A_530 = arith.constant 3 : i32
    %dma_start3A_531 = arith.constant 0 : i32
    %dma_start3A_532 = arith.constant 0 : i32
    %dma_start3A_533 = tpu.memref_slice %arg7[%dma_start3A_529, %dma_start3A_530, %dma_start3A_531, %dma_start3A_532] : memref<2x4x128x64xf32, #tpu.memory_space<vmem>> -> memref<1x1x128x64xf32, #tpu.memory_space<vmem>>
    %dma_start3A_534 = tpu.memref_squeeze %dma_start3A_533 : memref<1x1x128x64xf32, #tpu.memory_space<vmem>> -> memref<128x64xf32, #tpu.memory_space<vmem>>
    %dma_start3A_535 = arith.constant 0 : i32
    %dma_start3A_536 = tpu.memref_slice %arg6[%dma_start3A_528, %dma_start3A_535] : memref<2x512xi32, #tpu.memory_space<vmem>> -> memref<1x512xi32, #tpu.memory_space<vmem>>
    %dma_start3A_537 = tpu.memref_squeeze %dma_start3A_536 : memref<1x512xi32, #tpu.memory_space<vmem>> -> memref<512xi32, #tpu.memory_space<vmem>>
    %dma_start3A_538 = arith.constant 384 : i32
    %dma_start3A_539 = tpu.memref_slice %dma_start3A_537[%dma_start3A_538] : memref<512xi32, #tpu.memory_space<vmem>> -> memref<128xi32, #tpu.memory_space<vmem>>
    %dma_start3A_540 = arith.constant 0 : i32
    %dma_start3A_541 = arith.constant 0 : i32
    %dma_start3A_542 = tpu.memref_slice %arg2[%dma_start3A_540, %dma_start3A_541] : memref<1000000x64xf32, #tpu.memory_space<hbm>> -> memref<1000000x64xf32, #tpu.memory_space<hbm>>
    tpu.enqueue_indirect_dma source(%dma_start3A_542 : memref<1000000x64xf32, #tpu.memory_space<hbm>>) target(%dma_start3A_534 : memref<128x64xf32, #tpu.memory_space<vmem>>) offsets(%dma_start3A_539 : memref<128xi32, #tpu.memory_space<vmem>>) semaphore(%arg11 : memref<!tpu.dma_semaphore, #tpu.memory_space<semaphore_mem>>)
    %scan3A_543 = arith.constant 0 : i32
    %scan3A_544 = arith.constant 0 : i32
    %scan3A_545 = arith.constant 32 : i32
    %scan3A_546 = arith.addi %scan3A_544, %scan3A_545 : i32
    %scan3A_547 = arith.constant 1 : i32
    scf.for %scan3A_1091 = %scan3A_544 to %scan3A_546 step %scan3A_547  : i32 {
      %mul3A_1092 = arith.constant 16 : i32
      %mul3A_1093 = arith.muli %scan3A_1091, %mul3A_1092 : i32
      %mul3A_1094 = arith.constant 50 : i32
      %mul3A_1095 = arith.muli %mul3A_1093, %mul3A_1094 : i32
      %add3A_1096 = arith.constant 3 : i32
      %add3A_1097 = arith.addi %mul3A_1095, %add3A_1096 : i32
      %add3A_1098 = vector.broadcast %add3A_1097 : i32 to vector<16xi32>
      %add3A_1099 = arith.addi %mul3A_7, %add3A_1098 : vector<16xi32>
      %gather3A = tpu.vector_load_idx %arg5[%add3A_1099] : memref<25600xi32, #tpu.memory_space<vmem>>[vector<16xi32>], vector<16xi32>,
      %mul3A_1100 = arith.constant 16 : i32
      %mul3A_1101 = arith.muli %scan3A_1091, %mul3A_1100 : i32
      %swap3A = arith.constant 1 : i32
      %swap3A_1102 = arith.index_cast %swap3A : i32 to index
      %swap3A_1103 = arith.index_cast %mul3A_1101 : i32 to index
      %swap3A_1104 = tpu.vector_load %arg6[%swap3A_1102, %swap3A_1103] {strides = array<i32>} : memref<2x512xi32, #tpu.memory_space<vmem>>, vector<16xi32>,
      tpu.vector_store %arg6[%swap3A_1102, %swap3A_1103], %gather3A {strides = array<i32>} : memref<2x512xi32, #tpu.memory_space<vmem>>, vector<16xi32>,
    }
    %scan3A_548 = arith.constant 32 : i32
    %scan3A_549 = arith.constant 0 : i32
    %scan3A_550 = arith.constant 1 : i32
    %scan3A_551 = arith.constant 23 : i32
    %scan3A_552 = arith.addi %scan3A_550, %scan3A_551 : i32
    %scan3A_553 = arith.constant 1 : i32
    scf.for %scan3A_1091 = %scan3A_550 to %scan3A_552 step %scan3A_553  : i32 {
      %mul3A_1092 = arith.constant 2 : i32
      %mul3A_1093 = arith.muli %mul3A_1092, %scan3A_1091 : i32
      %dma_wait3A_1094 = arith.constant 0 : i32
      %dma_wait3A_1095 = arith.constant 0 : i32
      %dma_wait3A_1096 = arith.constant 0 : i32
      %dma_wait3A_1097 = arith.constant 0 : i32
      %dma_wait3A_1098 = arith.constant 0 : i32
      %dma_wait3A_1099 = tpu.memref_slice %arg7[%dma_wait3A_1095, %dma_wait3A_1096, %dma_wait3A_1097, %dma_wait3A_1098] : memref<2x4x128x64xf32, #tpu.memory_space<vmem>> -> memref<1x1x128x64xf32, #tpu.memory_space<vmem>>
      %dma_wait3A_1100 = tpu.memref_squeeze %dma_wait3A_1099 : memref<1x1x128x64xf32, #tpu.memory_space<vmem>> -> memref<128x64xf32, #tpu.memory_space<vmem>>
      %dma_wait3A_1101 = arith.constant 0 : i32
      %dma_wait3A_1102 = tpu.memref_slice %arg6[%dma_wait3A_1094, %dma_wait3A_1101] : memref<2x512xi32, #tpu.memory_space<vmem>> -> memref<1x512xi32, #tpu.memory_space<vmem>>
      %dma_wait3A_1103 = tpu.memref_squeeze %dma_wait3A_1102 : memref<1x512xi32, #tpu.memory_space<vmem>> -> memref<512xi32, #tpu.memory_space<vmem>>
      %dma_wait3A_1104 = arith.constant 0 : i32
      %dma_wait3A_1105 = tpu.memref_slice %dma_wait3A_1103[%dma_wait3A_1104] : memref<512xi32, #tpu.memory_space<vmem>> -> memref<128xi32, #tpu.memory_space<vmem>>
      %dma_wait3A_1106 = arith.constant 0 : i32
      %dma_wait3A_1107 = arith.constant 0 : i32
      %dma_wait3A_1108 = tpu.memref_slice %arg2[%dma_wait3A_1106, %dma_wait3A_1107] : memref<1000000x64xf32, #tpu.memory_space<hbm>> -> memref<1000000x64xf32, #tpu.memory_space<hbm>>
      tpu.wait_indirect_dma semaphore(%arg8 : memref<!tpu.dma_semaphore, #tpu.memory_space<semaphore_mem>>) src(%dma_wait3A_1108 : memref<1000000x64xf32, #tpu.memory_space<hbm>>) dst(%dma_wait3A_1100 : memref<128x64xf32, #tpu.memory_space<vmem>>)
      %add3A_1109 = arith.constant 0 : i32
      %add3A_1110 = arith.addi %mul3A_2, %add3A_1109 : i32
      %dma_start3A_1111 = arith.constant 0 : i32
      %dma_start3A_1112 = arith.constant 0 : i32
      %dma_start3A_1113 = arith.constant 0 : i32
      %dma_start3A_1114 = arith.constant 0 : i32
      %dma_start3A_1115 = tpu.memref_slice %arg7[%dma_start3A_1111, %dma_start3A_1112, %dma_start3A_1113, %dma_start3A_1114] : memref<2x4x128x64xf32, #tpu.memory_space<vmem>> -> memref<1x1x128x64xf32, #tpu.memory_space<vmem>>
      %dma_start3A_1116 = tpu.memref_squeeze %dma_start3A_1115 : memref<1x1x128x64xf32, #tpu.memory_space<vmem>> -> memref<128x64xf32, #tpu.memory_space<vmem>>
      %dma_start3A_1117 = arith.constant 0 : i32
      %dma_start3A_1118 = tpu.memref_slice %arg4[%mul3A_1093, %add3A_1110, %dma_start3A_1117] : memref<50x16384x64xf32, #tpu.memory_space<hbm>> -> memref<1x128x64xf32, #tpu.memory_space<hbm>>
      %dma_start3A_1119 = tpu.memref_squeeze %dma_start3A_1118 : memref<1x128x64xf32, #tpu.memory_space<hbm>> -> memref<128x64xf32, #tpu.memory_space<hbm>>
      %dma_start3A_1120 = arith.constant 0 : i32
      %dma_start3A_1121 = tpu.memref_slice %arg4[%mul3A_1093, %add3A_1110, %dma_start3A_1120] : memref<50x16384x64xf32, #tpu.memory_space<hbm>> -> memref<1x128x64xf32, #tpu.memory_space<hbm>>
      %dma_start3A_1122 = tpu.memref_squeeze %dma_start3A_1121 : memref<1x128x64xf32, #tpu.memory_space<hbm>> -> memref<128x64xf32, #tpu.memory_space<hbm>>
      %dma_start3A_1123 = arith.constant 0 : i32
      %dma_start3A_1124 = arith.constant 0 : i32
      %dma_start3A_1125 = tpu.memref_slice %arg7[%dma_start3A_1111, %dma_start3A_1112, %dma_start3A_1123, %dma_start3A_1124] : memref<2x4x128x64xf32, #tpu.memory_space<vmem>> -> memref<1x1x128x64xf32, #tpu.memory_space<vmem>>
      %dma_start3A_1126 = tpu.memref_squeeze %dma_start3A_1125 : memref<1x1x128x64xf32, #tpu.memory_space<vmem>> -> memref<128x64xf32, #tpu.memory_space<vmem>>
      tpu.enqueue_dma source(%dma_start3A_1126 : memref<128x64xf32, #tpu.memory_space<vmem>>) target(%dma_start3A_1122 : memref<128x64xf32, #tpu.memory_space<hbm>>) target_semaphore(%arg16 : memref<!tpu.dma_semaphore, #tpu.memory_space<semaphore_mem>>)
      %dma_wait3A_1127 = arith.constant 1 : i32
      %dma_wait3A_1128 = arith.constant 0 : i32
      %dma_wait3A_1129 = arith.constant 0 : i32
      %dma_wait3A_1130 = arith.constant 0 : i32
      %dma_wait3A_1131 = arith.constant 0 : i32
      %dma_wait3A_1132 = tpu.memref_slice %arg7[%dma_wait3A_1127, %dma_wait3A_1128, %dma_wait3A_1130, %dma_wait3A_1131] : memref<2x4x128x64xf32, #tpu.memory_space<vmem>> -> memref<1x1x128x64xf32, #tpu.memory_space<vmem>>
      %dma_wait3A_1133 = tpu.memref_squeeze %dma_wait3A_1132 : memref<1x1x128x64xf32, #tpu.memory_space<vmem>> -> memref<128x64xf32, #tpu.memory_space<vmem>>
      %dma_wait3A_1134 = arith.constant 0 : i32
      %dma_wait3A_1135 = tpu.memref_slice %arg4[%dma_wait3A_1129, %mul3A_2, %dma_wait3A_1134] : memref<50x16384x64xf32, #tpu.memory_space<hbm>> -> memref<1x128x64xf32, #tpu.memory_space<hbm>>
      %dma_wait3A_1136 = tpu.memref_squeeze %dma_wait3A_1135 : memref<1x128x64xf32, #tpu.memory_space<hbm>> -> memref<128x64xf32, #tpu.memory_space<hbm>>
      %dma_wait3A_1137 = arith.constant 0 : i32
      %dma_wait3A_1138 = tpu.memref_slice %arg4[%dma_wait3A_1129, %mul3A_2, %dma_wait3A_1137] : memref<50x16384x64xf32, #tpu.memory_space<hbm>> -> memref<1x128x64xf32, #tpu.memory_space<hbm>>
      %dma_wait3A_1139 = tpu.memref_squeeze %dma_wait3A_1138 : memref<1x128x64xf32, #tpu.memory_space<hbm>> -> memref<128x64xf32, #tpu.memory_space<hbm>>
      %dma_wait3A_1140 = arith.constant 0 : i32
      %dma_wait3A_1141 = arith.constant 0 : i32
      %dma_wait3A_1142 = tpu.memref_slice %arg7[%dma_wait3A_1127, %dma_wait3A_1128, %dma_wait3A_1140, %dma_wait3A_1141] : memref<2x4x128x64xf32, #tpu.memory_space<vmem>> -> memref<1x1x128x64xf32, #tpu.memory_space<vmem>>
      %dma_wait3A_1143 = tpu.memref_squeeze %dma_wait3A_1142 : memref<1x1x128x64xf32, #tpu.memory_space<vmem>> -> memref<128x64xf32, #tpu.memory_space<vmem>>
      tpu.wait_dma2 semaphore(%arg20 : memref<!tpu.dma_semaphore, #tpu.memory_space<semaphore_mem>>) src(%dma_wait3A_1143 : memref<128x64xf32, #tpu.memory_space<vmem>>) dst(%dma_wait3A_1139 : memref<128x64xf32, #tpu.memory_space<hbm>>)
      %add3A_1144 = arith.constant 1 : i32
      %add3A_1145 = arith.addi %mul3A_1093, %add3A_1144 : i32
      %dma_start3A_1146 = arith.constant 1 : i32
      %dma_start3A_1147 = arith.constant 1 : i32
      %dma_start3A_1148 = arith.constant 0 : i32
      %dma_start3A_1149 = arith.constant 0 : i32
      %dma_start3A_1150 = arith.constant 0 : i32
      %dma_start3A_1151 = tpu.memref_slice %arg7[%dma_start3A_1147, %dma_start3A_1148, %dma_start3A_1149, %dma_start3A_1150] : memref<2x4x128x64xf32, #tpu.memory_space<vmem>> -> memref<1x1x128x64xf32, #tpu.memory_space<vmem>>
      %dma_start3A_1152 = tpu.memref_squeeze %dma_start3A_1151 : memref<1x1x128x64xf32, #tpu.memory_space<vmem>> -> memref<128x64xf32, #tpu.memory_space<vmem>>
      %dma_start3A_1153 = arith.constant 0 : i32
      %dma_start3A_1154 = tpu.memref_slice %arg6[%dma_start3A_1146, %dma_start3A_1153] : memref<2x512xi32, #tpu.memory_space<vmem>> -> memref<1x512xi32, #tpu.memory_space<vmem>>
      %dma_start3A_1155 = tpu.memref_squeeze %dma_start3A_1154 : memref<1x512xi32, #tpu.memory_space<vmem>> -> memref<512xi32, #tpu.memory_space<vmem>>
      %dma_start3A_1156 = arith.constant 0 : i32
      %dma_start3A_1157 = tpu.memref_slice %dma_start3A_1155[%dma_start3A_1156] : memref<512xi32, #tpu.memory_space<vmem>> -> memref<128xi32, #tpu.memory_space<vmem>>
      %dma_start3A_1158 = arith.constant 0 : i32
      %dma_start3A_1159 = arith.constant 0 : i32
      %dma_start3A_1160 = tpu.memref_slice %arg2[%dma_start3A_1158, %dma_start3A_1159] : memref<1000000x64xf32, #tpu.memory_space<hbm>> -> memref<1000000x64xf32, #tpu.memory_space<hbm>>
      tpu.enqueue_indirect_dma source(%dma_start3A_1160 : memref<1000000x64xf32, #tpu.memory_space<hbm>>) target(%dma_start3A_1152 : memref<128x64xf32, #tpu.memory_space<vmem>>) offsets(%dma_start3A_1157 : memref<128xi32, #tpu.memory_space<vmem>>) semaphore(%arg12 : memref<!tpu.dma_semaphore, #tpu.memory_space<semaphore_mem>>)
      %dma_wait3A_1161 = arith.constant 0 : i32
      %dma_wait3A_1162 = arith.constant 0 : i32
      %dma_wait3A_1163 = arith.constant 1 : i32
      %dma_wait3A_1164 = arith.constant 0 : i32
      %dma_wait3A_1165 = arith.constant 0 : i32
      %dma_wait3A_1166 = tpu.memref_slice %arg7[%dma_wait3A_1162, %dma_wait3A_1163, %dma_wait3A_1164, %dma_wait3A_1165] : memref<2x4x128x64xf32, #tpu.memory_space<vmem>> -> memref<1x1x128x64xf32, #tpu.memory_space<vmem>>
      %dma_wait3A_1167 = tpu.memref_squeeze %dma_wait3A_1166 : memref<1x1x128x64xf32, #tpu.memory_space<vmem>> -> memref<128x64xf32, #tpu.memory_space<vmem>>
      %dma_wait3A_1168 = arith.constant 0 : i32
      %dma_wait3A_1169 = tpu.memref_slice %arg6[%dma_wait3A_1161, %dma_wait3A_1168] : memref<2x512xi32, #tpu.memory_space<vmem>> -> memref<1x512xi32, #tpu.memory_space<vmem>>
      %dma_wait3A_1170 = tpu.memref_squeeze %dma_wait3A_1169 : memref<1x512xi32, #tpu.memory_space<vmem>> -> memref<512xi32, #tpu.memory_space<vmem>>
      %dma_wait3A_1171 = arith.constant 0 : i32
      %dma_wait3A_1172 = tpu.memref_slice %dma_wait3A_1170[%dma_wait3A_1171] : memref<512xi32, #tpu.memory_space<vmem>> -> memref<128xi32, #tpu.memory_space<vmem>>
      %dma_wait3A_1173 = arith.constant 0 : i32
      %dma_wait3A_1174 = arith.constant 0 : i32
      %dma_wait3A_1175 = tpu.memref_slice %arg2[%dma_wait3A_1173, %dma_wait3A_1174] : memref<1000000x64xf32, #tpu.memory_space<hbm>> -> memref<1000000x64xf32, #tpu.memory_space<hbm>>
      tpu.wait_indirect_dma semaphore(%arg9 : memref<!tpu.dma_semaphore, #tpu.memory_space<semaphore_mem>>) src(%dma_wait3A_1175 : memref<1000000x64xf32, #tpu.memory_space<hbm>>) dst(%dma_wait3A_1167 : memref<128x64xf32, #tpu.memory_space<vmem>>)
      %add3A_1176 = arith.constant 128 : i32
      %add3A_1177 = arith.addi %mul3A_2, %add3A_1176 : i32
      %dma_start3A_1178 = arith.constant 0 : i32
      %dma_start3A_1179 = arith.constant 1 : i32
      %dma_start3A_1180 = arith.constant 0 : i32
      %dma_start3A_1181 = arith.constant 0 : i32
      %dma_start3A_1182 = tpu.memref_slice %arg7[%dma_start3A_1178, %dma_start3A_1179, %dma_start3A_1180, %dma_start3A_1181] : memref<2x4x128x64xf32, #tpu.memory_space<vmem>> -> memref<1x1x128x64xf32, #tpu.memory_space<vmem>>
      %dma_start3A_1183 = tpu.memref_squeeze %dma_start3A_1182 : memref<1x1x128x64xf32, #tpu.memory_space<vmem>> -> memref<128x64xf32, #tpu.memory_space<vmem>>
      %dma_start3A_1184 = arith.constant 0 : i32
      %dma_start3A_1185 = tpu.memref_slice %arg4[%mul3A_1093, %add3A_1177, %dma_start3A_1184] : memref<50x16384x64xf32, #tpu.memory_space<hbm>> -> memref<1x128x64xf32, #tpu.memory_space<hbm>>
      %dma_start3A_1186 = tpu.memref_squeeze %dma_start3A_1185 : memref<1x128x64xf32, #tpu.memory_space<hbm>> -> memref<128x64xf32, #tpu.memory_space<hbm>>
      %dma_start3A_1187 = arith.constant 0 : i32
      %dma_start3A_1188 = tpu.memref_slice %arg4[%mul3A_1093, %add3A_1177, %dma_start3A_1187] : memref<50x16384x64xf32, #tpu.memory_space<hbm>> -> memref<1x128x64xf32, #tpu.memory_space<hbm>>
      %dma_start3A_1189 = tpu.memref_squeeze %dma_start3A_1188 : memref<1x128x64xf32, #tpu.memory_space<hbm>> -> memref<128x64xf32, #tpu.memory_space<hbm>>
      %dma_start3A_1190 = arith.constant 0 : i32
      %dma_start3A_1191 = arith.constant 0 : i32
      %dma_start3A_1192 = tpu.memref_slice %arg7[%dma_start3A_1178, %dma_start3A_1179, %dma_start3A_1190, %dma_start3A_1191] : memref<2x4x128x64xf32, #tpu.memory_space<vmem>> -> memref<1x1x128x64xf32, #tpu.memory_space<vmem>>
      %dma_start3A_1193 = tpu.memref_squeeze %dma_start3A_1192 : memref<1x1x128x64xf32, #tpu.memory_space<vmem>> -> memref<128x64xf32, #tpu.memory_space<vmem>>
      tpu.enqueue_dma source(%dma_start3A_1193 : memref<128x64xf32, #tpu.memory_space<vmem>>) target(%dma_start3A_1189 : memref<128x64xf32, #tpu.memory_space<hbm>>) target_semaphore(%arg17 : memref<!tpu.dma_semaphore, #tpu.memory_space<semaphore_mem>>)
      %dma_wait3A_1194 = arith.constant 1 : i32
      %dma_wait3A_1195 = arith.constant 1 : i32
      %dma_wait3A_1196 = arith.constant 0 : i32
      %dma_wait3A_1197 = arith.constant 0 : i32
      %dma_wait3A_1198 = arith.constant 0 : i32
      %dma_wait3A_1199 = tpu.memref_slice %arg7[%dma_wait3A_1194, %dma_wait3A_1195, %dma_wait3A_1197, %dma_wait3A_1198] : memref<2x4x128x64xf32, #tpu.memory_space<vmem>> -> memref<1x1x128x64xf32, #tpu.memory_space<vmem>>
      %dma_wait3A_1200 = tpu.memref_squeeze %dma_wait3A_1199 : memref<1x1x128x64xf32, #tpu.memory_space<vmem>> -> memref<128x64xf32, #tpu.memory_space<vmem>>
      %dma_wait3A_1201 = arith.constant 0 : i32
      %dma_wait3A_1202 = tpu.memref_slice %arg4[%dma_wait3A_1196, %mul3A_2, %dma_wait3A_1201] : memref<50x16384x64xf32, #tpu.memory_space<hbm>> -> memref<1x128x64xf32, #tpu.memory_space<hbm>>
      %dma_wait3A_1203 = tpu.memref_squeeze %dma_wait3A_1202 : memref<1x128x64xf32, #tpu.memory_space<hbm>> -> memref<128x64xf32, #tpu.memory_space<hbm>>
      %dma_wait3A_1204 = arith.constant 0 : i32
      %dma_wait3A_1205 = tpu.memref_slice %arg4[%dma_wait3A_1196, %mul3A_2, %dma_wait3A_1204] : memref<50x16384x64xf32, #tpu.memory_space<hbm>> -> memref<1x128x64xf32, #tpu.memory_space<hbm>>
      %dma_wait3A_1206 = tpu.memref_squeeze %dma_wait3A_1205 : memref<1x128x64xf32, #tpu.memory_space<hbm>> -> memref<128x64xf32, #tpu.memory_space<hbm>>
      %dma_wait3A_1207 = arith.constant 0 : i32
      %dma_wait3A_1208 = arith.constant 0 : i32
      %dma_wait3A_1209 = tpu.memref_slice %arg7[%dma_wait3A_1194, %dma_wait3A_1195, %dma_wait3A_1207, %dma_wait3A_1208] : memref<2x4x128x64xf32, #tpu.memory_space<vmem>> -> memref<1x1x128x64xf32, #tpu.memory_space<vmem>>
      %dma_wait3A_1210 = tpu.memref_squeeze %dma_wait3A_1209 : memref<1x1x128x64xf32, #tpu.memory_space<vmem>> -> memref<128x64xf32, #tpu.memory_space<vmem>>
      tpu.wait_dma2 semaphore(%arg21 : memref<!tpu.dma_semaphore, #tpu.memory_space<semaphore_mem>>) src(%dma_wait3A_1210 : memref<128x64xf32, #tpu.memory_space<vmem>>) dst(%dma_wait3A_1206 : memref<128x64xf32, #tpu.memory_space<hbm>>)
      %add3A_1211 = arith.constant 1 : i32
      %add3A_1212 = arith.addi %mul3A_1093, %add3A_1211 : i32
      %dma_start3A_1213 = arith.constant 1 : i32
      %dma_start3A_1214 = arith.constant 1 : i32
      %dma_start3A_1215 = arith.constant 1 : i32
      %dma_start3A_1216 = arith.constant 0 : i32
      %dma_start3A_1217 = arith.constant 0 : i32
      %dma_start3A_1218 = tpu.memref_slice %arg7[%dma_start3A_1214, %dma_start3A_1215, %dma_start3A_1216, %dma_start3A_1217] : memref<2x4x128x64xf32, #tpu.memory_space<vmem>> -> memref<1x1x128x64xf32, #tpu.memory_space<vmem>>
      %dma_start3A_1219 = tpu.memref_squeeze %dma_start3A_1218 : memref<1x1x128x64xf32, #tpu.memory_space<vmem>> -> memref<128x64xf32, #tpu.memory_space<vmem>>
      %dma_start3A_1220 = arith.constant 0 : i32
      %dma_start3A_1221 = tpu.memref_slice %arg6[%dma_start3A_1213, %dma_start3A_1220] : memref<2x512xi32, #tpu.memory_space<vmem>> -> memref<1x512xi32, #tpu.memory_space<vmem>>
      %dma_start3A_1222 = tpu.memref_squeeze %dma_start3A_1221 : memref<1x512xi32, #tpu.memory_space<vmem>> -> memref<512xi32, #tpu.memory_space<vmem>>
      %dma_start3A_1223 = arith.constant 128 : i32
      %dma_start3A_1224 = tpu.memref_slice %dma_start3A_1222[%dma_start3A_1223] : memref<512xi32, #tpu.memory_space<vmem>> -> memref<128xi32, #tpu.memory_space<vmem>>
      %dma_start3A_1225 = arith.constant 0 : i32
      %dma_start3A_1226 = arith.constant 0 : i32
      %dma_start3A_1227 = tpu.memref_slice %arg2[%dma_start3A_1225, %dma_start3A_1226] : memref<1000000x64xf32, #tpu.memory_space<hbm>> -> memref<1000000x64xf32, #tpu.memory_space<hbm>>
      tpu.enqueue_indirect_dma source(%dma_start3A_1227 : memref<1000000x64xf32, #tpu.memory_space<hbm>>) target(%dma_start3A_1219 : memref<128x64xf32, #tpu.memory_space<vmem>>) offsets(%dma_start3A_1224 : memref<128xi32, #tpu.memory_space<vmem>>) semaphore(%arg13 : memref<!tpu.dma_semaphore, #tpu.memory_space<semaphore_mem>>)
      %dma_wait3A_1228 = arith.constant 0 : i32
      %dma_wait3A_1229 = arith.constant 0 : i32
      %dma_wait3A_1230 = arith.constant 2 : i32
      %dma_wait3A_1231 = arith.constant 0 : i32
      %dma_wait3A_1232 = arith.constant 0 : i32
      %dma_wait3A_1233 = tpu.memref_slice %arg7[%dma_wait3A_1229, %dma_wait3A_1230, %dma_wait3A_1231, %dma_wait3A_1232] : memref<2x4x128x64xf32, #tpu.memory_space<vmem>> -> memref<1x1x128x64xf32, #tpu.memory_space<vmem>>
      %dma_wait3A_1234 = tpu.memref_squeeze %dma_wait3A_1233 : memref<1x1x128x64xf32, #tpu.memory_space<vmem>> -> memref<128x64xf32, #tpu.memory_space<vmem>>
      %dma_wait3A_1235 = arith.constant 0 : i32
      %dma_wait3A_1236 = tpu.memref_slice %arg6[%dma_wait3A_1228, %dma_wait3A_1235] : memref<2x512xi32, #tpu.memory_space<vmem>> -> memref<1x512xi32, #tpu.memory_space<vmem>>
      %dma_wait3A_1237 = tpu.memref_squeeze %dma_wait3A_1236 : memref<1x512xi32, #tpu.memory_space<vmem>> -> memref<512xi32, #tpu.memory_space<vmem>>
      %dma_wait3A_1238 = arith.constant 0 : i32
      %dma_wait3A_1239 = tpu.memref_slice %dma_wait3A_1237[%dma_wait3A_1238] : memref<512xi32, #tpu.memory_space<vmem>> -> memref<128xi32, #tpu.memory_space<vmem>>
      %dma_wait3A_1240 = arith.constant 0 : i32
      %dma_wait3A_1241 = arith.constant 0 : i32
      %dma_wait3A_1242 = tpu.memref_slice %arg2[%dma_wait3A_1240, %dma_wait3A_1241] : memref<1000000x64xf32, #tpu.memory_space<hbm>> -> memref<1000000x64xf32, #tpu.memory_space<hbm>>
      tpu.wait_indirect_dma semaphore(%arg10 : memref<!tpu.dma_semaphore, #tpu.memory_space<semaphore_mem>>) src(%dma_wait3A_1242 : memref<1000000x64xf32, #tpu.memory_space<hbm>>) dst(%dma_wait3A_1234 : memref<128x64xf32, #tpu.memory_space<vmem>>)
      %add3A_1243 = arith.constant 256 : i32
      %add3A_1244 = arith.addi %mul3A_2, %add3A_1243 : i32
      %dma_start3A_1245 = arith.constant 0 : i32
      %dma_start3A_1246 = arith.constant 2 : i32
      %dma_start3A_1247 = arith.constant 0 : i32
      %dma_start3A_1248 = arith.constant 0 : i32
      %dma_start3A_1249 = tpu.memref_slice %arg7[%dma_start3A_1245, %dma_start3A_1246, %dma_start3A_1247, %dma_start3A_1248] : memref<2x4x128x64xf32, #tpu.memory_space<vmem>> -> memref<1x1x128x64xf32, #tpu.memory_space<vmem>>
      %dma_start3A_1250 = tpu.memref_squeeze %dma_start3A_1249 : memref<1x1x128x64xf32, #tpu.memory_space<vmem>> -> memref<128x64xf32, #tpu.memory_space<vmem>>
      %dma_start3A_1251 = arith.constant 0 : i32
      %dma_start3A_1252 = tpu.memref_slice %arg4[%mul3A_1093, %add3A_1244, %dma_start3A_1251] : memref<50x16384x64xf32, #tpu.memory_space<hbm>> -> memref<1x128x64xf32, #tpu.memory_space<hbm>>
      %dma_start3A_1253 = tpu.memref_squeeze %dma_start3A_1252 : memref<1x128x64xf32, #tpu.memory_space<hbm>> -> memref<128x64xf32, #tpu.memory_space<hbm>>
      %dma_start3A_1254 = arith.constant 0 : i32
      %dma_start3A_1255 = tpu.memref_slice %arg4[%mul3A_1093, %add3A_1244, %dma_start3A_1254] : memref<50x16384x64xf32, #tpu.memory_space<hbm>> -> memref<1x128x64xf32, #tpu.memory_space<hbm>>
      %dma_start3A_1256 = tpu.memref_squeeze %dma_start3A_1255 : memref<1x128x64xf32, #tpu.memory_space<hbm>> -> memref<128x64xf32, #tpu.memory_space<hbm>>
      %dma_start3A_1257 = arith.constant 0 : i32
      %dma_start3A_1258 = arith.constant 0 : i32
      %dma_start3A_1259 = tpu.memref_slice %arg7[%dma_start3A_1245, %dma_start3A_1246, %dma_start3A_1257, %dma_start3A_1258] : memref<2x4x128x64xf32, #tpu.memory_space<vmem>> -> memref<1x1x128x64xf32, #tpu.memory_space<vmem>>
      %dma_start3A_1260 = tpu.memref_squeeze %dma_start3A_1259 : memref<1x1x128x64xf32, #tpu.memory_space<vmem>> -> memref<128x64xf32, #tpu.memory_space<vmem>>
      tpu.enqueue_dma source(%dma_start3A_1260 : memref<128x64xf32, #tpu.memory_space<vmem>>) target(%dma_start3A_1256 : memref<128x64xf32, #tpu.memory_space<hbm>>) target_semaphore(%arg18 : memref<!tpu.dma_semaphore, #tpu.memory_space<semaphore_mem>>)
      %dma_wait3A_1261 = arith.constant 1 : i32
      %dma_wait3A_1262 = arith.constant 2 : i32
      %dma_wait3A_1263 = arith.constant 0 : i32
      %dma_wait3A_1264 = arith.constant 0 : i32
      %dma_wait3A_1265 = arith.constant 0 : i32
      %dma_wait3A_1266 = tpu.memref_slice %arg7[%dma_wait3A_1261, %dma_wait3A_1262, %dma_wait3A_1264, %dma_wait3A_1265] : memref<2x4x128x64xf32, #tpu.memory_space<vmem>> -> memref<1x1x128x64xf32, #tpu.memory_space<vmem>>
      %dma_wait3A_1267 = tpu.memref_squeeze %dma_wait3A_1266 : memref<1x1x128x64xf32, #tpu.memory_space<vmem>> -> memref<128x64xf32, #tpu.memory_space<vmem>>
      %dma_wait3A_1268 = arith.constant 0 : i32
      %dma_wait3A_1269 = tpu.memref_slice %arg4[%dma_wait3A_1263, %mul3A_2, %dma_wait3A_1268] : memref<50x16384x64xf32, #tpu.memory_space<hbm>> -> memref<1x128x64xf32, #tpu.memory_space<hbm>>
      %dma_wait3A_1270 = tpu.memref_squeeze %dma_wait3A_1269 : memref<1x128x64xf32, #tpu.memory_space<hbm>> -> memref<128x64xf32, #tpu.memory_space<hbm>>
      %dma_wait3A_1271 = arith.constant 0 : i32
      %dma_wait3A_1272 = tpu.memref_slice %arg4[%dma_wait3A_1263, %mul3A_2, %dma_wait3A_1271] : memref<50x16384x64xf32, #tpu.memory_space<hbm>> -> memref<1x128x64xf32, #tpu.memory_space<hbm>>
      %dma_wait3A_1273 = tpu.memref_squeeze %dma_wait3A_1272 : memref<1x128x64xf32, #tpu.memory_space<hbm>> -> memref<128x64xf32, #tpu.memory_space<hbm>>
      %dma_wait3A_1274 = arith.constant 0 : i32
      %dma_wait3A_1275 = arith.constant 0 : i32
      %dma_wait3A_1276 = tpu.memref_slice %arg7[%dma_wait3A_1261, %dma_wait3A_1262, %dma_wait3A_1274, %dma_wait3A_1275] : memref<2x4x128x64xf32, #tpu.memory_space<vmem>> -> memref<1x1x128x64xf32, #tpu.memory_space<vmem>>
      %dma_wait3A_1277 = tpu.memref_squeeze %dma_wait3A_1276 : memref<1x1x128x64xf32, #tpu.memory_space<vmem>> -> memref<128x64xf32, #tpu.memory_space<vmem>>
      tpu.wait_dma2 semaphore(%arg22 : memref<!tpu.dma_semaphore, #tpu.memory_space<semaphore_mem>>) src(%dma_wait3A_1277 : memref<128x64xf32, #tpu.memory_space<vmem>>) dst(%dma_wait3A_1273 : memref<128x64xf32, #tpu.memory_space<hbm>>)
      %add3A_1278 = arith.constant 1 : i32
      %add3A_1279 = arith.addi %mul3A_1093, %add3A_1278 : i32
      %dma_start3A_1280 = arith.constant 1 : i32
      %dma_start3A_1281 = arith.constant 1 : i32
      %dma_start3A_1282 = arith.constant 2 : i32
      %dma_start3A_1283 = arith.constant 0 : i32
      %dma_start3A_1284 = arith.constant 0 : i32
      %dma_start3A_1285 = tpu.memref_slice %arg7[%dma_start3A_1281, %dma_start3A_1282, %dma_start3A_1283, %dma_start3A_1284] : memref<2x4x128x64xf32, #tpu.memory_space<vmem>> -> memref<1x1x128x64xf32, #tpu.memory_space<vmem>>
      %dma_start3A_1286 = tpu.memref_squeeze %dma_start3A_1285 : memref<1x1x128x64xf32, #tpu.memory_space<vmem>> -> memref<128x64xf32, #tpu.memory_space<vmem>>
      %dma_start3A_1287 = arith.constant 0 : i32
      %dma_start3A_1288 = tpu.memref_slice %arg6[%dma_start3A_1280, %dma_start3A_1287] : memref<2x512xi32, #tpu.memory_space<vmem>> -> memref<1x512xi32, #tpu.memory_space<vmem>>
      %dma_start3A_1289 = tpu.memref_squeeze %dma_start3A_1288 : memref<1x512xi32, #tpu.memory_space<vmem>> -> memref<512xi32, #tpu.memory_space<vmem>>
      %dma_start3A_1290 = arith.constant 256 : i32
      %dma_start3A_1291 = tpu.memref_slice %dma_start3A_1289[%dma_start3A_1290] : memref<512xi32, #tpu.memory_space<vmem>> -> memref<128xi32, #tpu.memory_space<vmem>>
      %dma_start3A_1292 = arith.constant 0 : i32
      %dma_start3A_1293 = arith.constant 0 : i32
      %dma_start3A_1294 = tpu.memref_slice %arg2[%dma_start3A_1292, %dma_start3A_1293] : memref<1000000x64xf32, #tpu.memory_space<hbm>> -> memref<1000000x64xf32, #tpu.memory_space<hbm>>
      tpu.enqueue_indirect_dma source(%dma_start3A_1294 : memref<1000000x64xf32, #tpu.memory_space<hbm>>) target(%dma_start3A_1286 : memref<128x64xf32, #tpu.memory_space<vmem>>) offsets(%dma_start3A_1291 : memref<128xi32, #tpu.memory_space<vmem>>) semaphore(%arg14 : memref<!tpu.dma_semaphore, #tpu.memory_space<semaphore_mem>>)
      %dma_wait3A_1295 = arith.constant 0 : i32
      %dma_wait3A_1296 = arith.constant 0 : i32
      %dma_wait3A_1297 = arith.constant 3 : i32
      %dma_wait3A_1298 = arith.constant 0 : i32
      %dma_wait3A_1299 = arith.constant 0 : i32
      %dma_wait3A_1300 = tpu.memref_slice %arg7[%dma_wait3A_1296, %dma_wait3A_1297, %dma_wait3A_1298, %dma_wait3A_1299] : memref<2x4x128x64xf32, #tpu.memory_space<vmem>> -> memref<1x1x128x64xf32, #tpu.memory_space<vmem>>
      %dma_wait3A_1301 = tpu.memref_squeeze %dma_wait3A_1300 : memref<1x1x128x64xf32, #tpu.memory_space<vmem>> -> memref<128x64xf32, #tpu.memory_space<vmem>>
      %dma_wait3A_1302 = arith.constant 0 : i32
      %dma_wait3A_1303 = tpu.memref_slice %arg6[%dma_wait3A_1295, %dma_wait3A_1302] : memref<2x512xi32, #tpu.memory_space<vmem>> -> memref<1x512xi32, #tpu.memory_space<vmem>>
      %dma_wait3A_1304 = tpu.memref_squeeze %dma_wait3A_1303 : memref<1x512xi32, #tpu.memory_space<vmem>> -> memref<512xi32, #tpu.memory_space<vmem>>
      %dma_wait3A_1305 = arith.constant 0 : i32
      %dma_wait3A_1306 = tpu.memref_slice %dma_wait3A_1304[%dma_wait3A_1305] : memref<512xi32, #tpu.memory_space<vmem>> -> memref<128xi32, #tpu.memory_space<vmem>>
      %dma_wait3A_1307 = arith.constant 0 : i32
      %dma_wait3A_1308 = arith.constant 0 : i32
      %dma_wait3A_1309 = tpu.memref_slice %arg2[%dma_wait3A_1307, %dma_wait3A_1308] : memref<1000000x64xf32, #tpu.memory_space<hbm>> -> memref<1000000x64xf32, #tpu.memory_space<hbm>>
      tpu.wait_indirect_dma semaphore(%arg11 : memref<!tpu.dma_semaphore, #tpu.memory_space<semaphore_mem>>) src(%dma_wait3A_1309 : memref<1000000x64xf32, #tpu.memory_space<hbm>>) dst(%dma_wait3A_1301 : memref<128x64xf32, #tpu.memory_space<vmem>>)
      %add3A_1310 = arith.constant 384 : i32
      %add3A_1311 = arith.addi %mul3A_2, %add3A_1310 : i32
      %dma_start3A_1312 = arith.constant 0 : i32
      %dma_start3A_1313 = arith.constant 3 : i32
      %dma_start3A_1314 = arith.constant 0 : i32
      %dma_start3A_1315 = arith.constant 0 : i32
      %dma_start3A_1316 = tpu.memref_slice %arg7[%dma_start3A_1312, %dma_start3A_1313, %dma_start3A_1314, %dma_start3A_1315] : memref<2x4x128x64xf32, #tpu.memory_space<vmem>> -> memref<1x1x128x64xf32, #tpu.memory_space<vmem>>
      %dma_start3A_1317 = tpu.memref_squeeze %dma_start3A_1316 : memref<1x1x128x64xf32, #tpu.memory_space<vmem>> -> memref<128x64xf32, #tpu.memory_space<vmem>>
      %dma_start3A_1318 = arith.constant 0 : i32
      %dma_start3A_1319 = tpu.memref_slice %arg4[%mul3A_1093, %add3A_1311, %dma_start3A_1318] : memref<50x16384x64xf32, #tpu.memory_space<hbm>> -> memref<1x128x64xf32, #tpu.memory_space<hbm>>
      %dma_start3A_1320 = tpu.memref_squeeze %dma_start3A_1319 : memref<1x128x64xf32, #tpu.memory_space<hbm>> -> memref<128x64xf32, #tpu.memory_space<hbm>>
      %dma_start3A_1321 = arith.constant 0 : i32
      %dma_start3A_1322 = tpu.memref_slice %arg4[%mul3A_1093, %add3A_1311, %dma_start3A_1321] : memref<50x16384x64xf32, #tpu.memory_space<hbm>> -> memref<1x128x64xf32, #tpu.memory_space<hbm>>
      %dma_start3A_1323 = tpu.memref_squeeze %dma_start3A_1322 : memref<1x128x64xf32, #tpu.memory_space<hbm>> -> memref<128x64xf32, #tpu.memory_space<hbm>>
      %dma_start3A_1324 = arith.constant 0 : i32
      %dma_start3A_1325 = arith.constant 0 : i32
      %dma_start3A_1326 = tpu.memref_slice %arg7[%dma_start3A_1312, %dma_start3A_1313, %dma_start3A_1324, %dma_start3A_1325] : memref<2x4x128x64xf32, #tpu.memory_space<vmem>> -> memref<1x1x128x64xf32, #tpu.memory_space<vmem>>
      %dma_start3A_1327 = tpu.memref_squeeze %dma_start3A_1326 : memref<1x1x128x64xf32, #tpu.memory_space<vmem>> -> memref<128x64xf32, #tpu.memory_space<vmem>>
      tpu.enqueue_dma source(%dma_start3A_1327 : memref<128x64xf32, #tpu.memory_space<vmem>>) target(%dma_start3A_1323 : memref<128x64xf32, #tpu.memory_space<hbm>>) target_semaphore(%arg19 : memref<!tpu.dma_semaphore, #tpu.memory_space<semaphore_mem>>)
      %dma_wait3A_1328 = arith.constant 1 : i32
      %dma_wait3A_1329 = arith.constant 3 : i32
      %dma_wait3A_1330 = arith.constant 0 : i32
      %dma_wait3A_1331 = arith.constant 0 : i32
      %dma_wait3A_1332 = arith.constant 0 : i32
      %dma_wait3A_1333 = tpu.memref_slice %arg7[%dma_wait3A_1328, %dma_wait3A_1329, %dma_wait3A_1331, %dma_wait3A_1332] : memref<2x4x128x64xf32, #tpu.memory_space<vmem>> -> memref<1x1x128x64xf32, #tpu.memory_space<vmem>>
      %dma_wait3A_1334 = tpu.memref_squeeze %dma_wait3A_1333 : memref<1x1x128x64xf32, #tpu.memory_space<vmem>> -> memref<128x64xf32, #tpu.memory_space<vmem>>
      %dma_wait3A_1335 = arith.constant 0 : i32
      %dma_wait3A_1336 = tpu.memref_slice %arg4[%dma_wait3A_1330, %mul3A_2, %dma_wait3A_1335] : memref<50x16384x64xf32, #tpu.memory_space<hbm>> -> memref<1x128x64xf32, #tpu.memory_space<hbm>>
      %dma_wait3A_1337 = tpu.memref_squeeze %dma_wait3A_1336 : memref<1x128x64xf32, #tpu.memory_space<hbm>> -> memref<128x64xf32, #tpu.memory_space<hbm>>
      %dma_wait3A_1338 = arith.constant 0 : i32
      %dma_wait3A_1339 = tpu.memref_slice %arg4[%dma_wait3A_1330, %mul3A_2, %dma_wait3A_1338] : memref<50x16384x64xf32, #tpu.memory_space<hbm>> -> memref<1x128x64xf32, #tpu.memory_space<hbm>>
      %dma_wait3A_1340 = tpu.memref_squeeze %dma_wait3A_1339 : memref<1x128x64xf32, #tpu.memory_space<hbm>> -> memref<128x64xf32, #tpu.memory_space<hbm>>
      %dma_wait3A_1341 = arith.constant 0 : i32
      %dma_wait3A_1342 = arith.constant 0 : i32
      %dma_wait3A_1343 = tpu.memref_slice %arg7[%dma_wait3A_1328, %dma_wait3A_1329, %dma_wait3A_1341, %dma_wait3A_1342] : memref<2x4x128x64xf32, #tpu.memory_space<vmem>> -> memref<1x1x128x64xf32, #tpu.memory_space<vmem>>
      %dma_wait3A_1344 = tpu.memref_squeeze %dma_wait3A_1343 : memref<1x1x128x64xf32, #tpu.memory_space<vmem>> -> memref<128x64xf32, #tpu.memory_space<vmem>>
      tpu.wait_dma2 semaphore(%arg23 : memref<!tpu.dma_semaphore, #tpu.memory_space<semaphore_mem>>) src(%dma_wait3A_1344 : memref<128x64xf32, #tpu.memory_space<vmem>>) dst(%dma_wait3A_1340 : memref<128x64xf32, #tpu.memory_space<hbm>>)
      %add3A_1345 = arith.constant 1 : i32
      %add3A_1346 = arith.addi %mul3A_1093, %add3A_1345 : i32
      %dma_start3A_1347 = arith.constant 1 : i32
      %dma_start3A_1348 = arith.constant 1 : i32
      %dma_start3A_1349 = arith.constant 3 : i32
      %dma_start3A_1350 = arith.constant 0 : i32
      %dma_start3A_1351 = arith.constant 0 : i32
      %dma_start3A_1352 = tpu.memref_slice %arg7[%dma_start3A_1348, %dma_start3A_1349, %dma_start3A_1350, %dma_start3A_1351] : memref<2x4x128x64xf32, #tpu.memory_space<vmem>> -> memref<1x1x128x64xf32, #tpu.memory_space<vmem>>
      %dma_start3A_1353 = tpu.memref_squeeze %dma_start3A_1352 : memref<1x1x128x64xf32, #tpu.memory_space<vmem>> -> memref<128x64xf32, #tpu.memory_space<vmem>>
      %dma_start3A_1354 = arith.constant 0 : i32
      %dma_start3A_1355 = tpu.memref_slice %arg6[%dma_start3A_1347, %dma_start3A_1354] : memref<2x512xi32, #tpu.memory_space<vmem>> -> memref<1x512xi32, #tpu.memory_space<vmem>>
      %dma_start3A_1356 = tpu.memref_squeeze %dma_start3A_1355 : memref<1x512xi32, #tpu.memory_space<vmem>> -> memref<512xi32, #tpu.memory_space<vmem>>
      %dma_start3A_1357 = arith.constant 384 : i32
      %dma_start3A_1358 = tpu.memref_slice %dma_start3A_1356[%dma_start3A_1357] : memref<512xi32, #tpu.memory_space<vmem>> -> memref<128xi32, #tpu.memory_space<vmem>>
      %dma_start3A_1359 = arith.constant 0 : i32
      %dma_start3A_1360 = arith.constant 0 : i32
      %dma_start3A_1361 = tpu.memref_slice %arg2[%dma_start3A_1359, %dma_start3A_1360] : memref<1000000x64xf32, #tpu.memory_space<hbm>> -> memref<1000000x64xf32, #tpu.memory_space<hbm>>
      tpu.enqueue_indirect_dma source(%dma_start3A_1361 : memref<1000000x64xf32, #tpu.memory_space<hbm>>) target(%dma_start3A_1353 : memref<128x64xf32, #tpu.memory_space<vmem>>) offsets(%dma_start3A_1358 : memref<128xi32, #tpu.memory_space<vmem>>) semaphore(%arg15 : memref<!tpu.dma_semaphore, #tpu.memory_space<semaphore_mem>>)
      %add3A_1362 = arith.constant 2 : i32
      %add3A_1363 = arith.addi %mul3A_1093, %add3A_1362 : i32
      %scan3A_1364 = arith.constant 0 : i32
      %scan3A_1365 = arith.constant 0 : i32
      %scan3A_1366 = arith.constant 32 : i32
      %scan3A_1367 = arith.addi %scan3A_1365, %scan3A_1366 : i32
      %scan3A_1368 = arith.constant 1 : i32
      scf.for %scan3A_1648 = %scan3A_1365 to %scan3A_1367 step %scan3A_1368  : i32 {
        %mul3A_1649 = arith.constant 16 : i32
        %mul3A_1650 = arith.muli %scan3A_1648, %mul3A_1649 : i32
        %mul3A_1651 = arith.constant 50 : i32
        %mul3A_1652 = arith.muli %mul3A_1650, %mul3A_1651 : i32
        %add3A_1653 = arith.addi %mul3A_1652, %add3A_1363 : i32
        %add3A_1654 = vector.broadcast %add3A_1653 : i32 to vector<16xi32>
        %add3A_1655 = arith.addi %mul3A_7, %add3A_1654 : vector<16xi32>
        %gather3A = tpu.vector_load_idx %arg5[%add3A_1655] : memref<25600xi32, #tpu.memory_space<vmem>>[vector<16xi32>], vector<16xi32>,
        %mul3A_1656 = arith.constant 16 : i32
        %mul3A_1657 = arith.muli %scan3A_1648, %mul3A_1656 : i32
        %swap3A = arith.constant 0 : i32
        %swap3A_1658 = arith.index_cast %swap3A : i32 to index
        %swap3A_1659 = arith.index_cast %mul3A_1657 : i32 to index
        %swap3A_1660 = tpu.vector_load %arg6[%swap3A_1658, %swap3A_1659] {strides = array<i32>} : memref<2x512xi32, #tpu.memory_space<vmem>>, vector<16xi32>,
        tpu.vector_store %arg6[%swap3A_1658, %swap3A_1659], %gather3A {strides = array<i32>} : memref<2x512xi32, #tpu.memory_space<vmem>>, vector<16xi32>,
      }
      %scan3A_1369 = arith.constant 32 : i32
      %add3A_1370 = arith.constant 1 : i32
      %add3A_1371 = arith.addi %mul3A_1093, %add3A_1370 : i32
      %dma_wait3A_1372 = arith.constant 0 : i32
      %dma_wait3A_1373 = arith.constant 1 : i32
      %dma_wait3A_1374 = arith.constant 0 : i32
      %dma_wait3A_1375 = arith.constant 0 : i32
      %dma_wait3A_1376 = arith.constant 0 : i32
      %dma_wait3A_1377 = tpu.memref_slice %arg7[%dma_wait3A_1373, %dma_wait3A_1374, %dma_wait3A_1375, %dma_wait3A_1376] : memref<2x4x128x64xf32, #tpu.memory_space<vmem>> -> memref<1x1x128x64xf32, #tpu.memory_space<vmem>>
      %dma_wait3A_1378 = tpu.memref_squeeze %dma_wait3A_1377 : memref<1x1x128x64xf32, #tpu.memory_space<vmem>> -> memref<128x64xf32, #tpu.memory_space<vmem>>
      %dma_wait3A_1379 = arith.constant 0 : i32
      %dma_wait3A_1380 = tpu.memref_slice %arg6[%dma_wait3A_1372, %dma_wait3A_1379] : memref<2x512xi32, #tpu.memory_space<vmem>> -> memref<1x512xi32, #tpu.memory_space<vmem>>
      %dma_wait3A_1381 = tpu.memref_squeeze %dma_wait3A_1380 : memref<1x512xi32, #tpu.memory_space<vmem>> -> memref<512xi32, #tpu.memory_space<vmem>>
      %dma_wait3A_1382 = arith.constant 0 : i32
      %dma_wait3A_1383 = tpu.memref_slice %dma_wait3A_1381[%dma_wait3A_1382] : memref<512xi32, #tpu.memory_space<vmem>> -> memref<128xi32, #tpu.memory_space<vmem>>
      %dma_wait3A_1384 = arith.constant 0 : i32
      %dma_wait3A_1385 = arith.constant 0 : i32
      %dma_wait3A_1386 = tpu.memref_slice %arg2[%dma_wait3A_1384, %dma_wait3A_1385] : memref<1000000x64xf32, #tpu.memory_space<hbm>> -> memref<1000000x64xf32, #tpu.memory_space<hbm>>
      tpu.wait_indirect_dma semaphore(%arg12 : memref<!tpu.dma_semaphore, #tpu.memory_space<semaphore_mem>>) src(%dma_wait3A_1386 : memref<1000000x64xf32, #tpu.memory_space<hbm>>) dst(%dma_wait3A_1378 : memref<128x64xf32, #tpu.memory_space<vmem>>)
      %add3A_1387 = arith.constant 0 : i32
      %add3A_1388 = arith.addi %mul3A_2, %add3A_1387 : i32
      %dma_start3A_1389 = arith.constant 1 : i32
      %dma_start3A_1390 = arith.constant 0 : i32
      %dma_start3A_1391 = arith.constant 0 : i32
      %dma_start3A_1392 = arith.constant 0 : i32
      %dma_start3A_1393 = tpu.memref_slice %arg7[%dma_start3A_1389, %dma_start3A_1390, %dma_start3A_1391, %dma_start3A_1392] : memref<2x4x128x64xf32, #tpu.memory_space<vmem>> -> memref<1x1x128x64xf32, #tpu.memory_space<vmem>>
      %dma_start3A_1394 = tpu.memref_squeeze %dma_start3A_1393 : memref<1x1x128x64xf32, #tpu.memory_space<vmem>> -> memref<128x64xf32, #tpu.memory_space<vmem>>
      %dma_start3A_1395 = arith.constant 0 : i32
      %dma_start3A_1396 = tpu.memref_slice %arg4[%add3A_1371, %add3A_1388, %dma_start3A_1395] : memref<50x16384x64xf32, #tpu.memory_space<hbm>> -> memref<1x128x64xf32, #tpu.memory_space<hbm>>
      %dma_start3A_1397 = tpu.memref_squeeze %dma_start3A_1396 : memref<1x128x64xf32, #tpu.memory_space<hbm>> -> memref<128x64xf32, #tpu.memory_space<hbm>>
      %dma_start3A_1398 = arith.constant 0 : i32
      %dma_start3A_1399 = tpu.memref_slice %arg4[%add3A_1371, %add3A_1388, %dma_start3A_1398] : memref<50x16384x64xf32, #tpu.memory_space<hbm>> -> memref<1x128x64xf32, #tpu.memory_space<hbm>>
      %dma_start3A_1400 = tpu.memref_squeeze %dma_start3A_1399 : memref<1x128x64xf32, #tpu.memory_space<hbm>> -> memref<128x64xf32, #tpu.memory_space<hbm>>
      %dma_start3A_1401 = arith.constant 0 : i32
      %dma_start3A_1402 = arith.constant 0 : i32
      %dma_start3A_1403 = tpu.memref_slice %arg7[%dma_start3A_1389, %dma_start3A_1390, %dma_start3A_1401, %dma_start3A_1402] : memref<2x4x128x64xf32, #tpu.memory_space<vmem>> -> memref<1x1x128x64xf32, #tpu.memory_space<vmem>>
      %dma_start3A_1404 = tpu.memref_squeeze %dma_start3A_1403 : memref<1x1x128x64xf32, #tpu.memory_space<vmem>> -> memref<128x64xf32, #tpu.memory_space<vmem>>
      tpu.enqueue_dma source(%dma_start3A_1404 : memref<128x64xf32, #tpu.memory_space<vmem>>) target(%dma_start3A_1400 : memref<128x64xf32, #tpu.memory_space<hbm>>) target_semaphore(%arg20 : memref<!tpu.dma_semaphore, #tpu.memory_space<semaphore_mem>>)
      %dma_wait3A_1405 = arith.constant 0 : i32
      %dma_wait3A_1406 = arith.constant 0 : i32
      %dma_wait3A_1407 = arith.constant 0 : i32
      %dma_wait3A_1408 = arith.constant 0 : i32
      %dma_wait3A_1409 = arith.constant 0 : i32
      %dma_wait3A_1410 = tpu.memref_slice %arg7[%dma_wait3A_1405, %dma_wait3A_1406, %dma_wait3A_1408, %dma_wait3A_1409] : memref<2x4x128x64xf32, #tpu.memory_space<vmem>> -> memref<1x1x128x64xf32, #tpu.memory_space<vmem>>
      %dma_wait3A_1411 = tpu.memref_squeeze %dma_wait3A_1410 : memref<1x1x128x64xf32, #tpu.memory_space<vmem>> -> memref<128x64xf32, #tpu.memory_space<vmem>>
      %dma_wait3A_1412 = arith.constant 0 : i32
      %dma_wait3A_1413 = tpu.memref_slice %arg4[%dma_wait3A_1407, %mul3A_2, %dma_wait3A_1412] : memref<50x16384x64xf32, #tpu.memory_space<hbm>> -> memref<1x128x64xf32, #tpu.memory_space<hbm>>
      %dma_wait3A_1414 = tpu.memref_squeeze %dma_wait3A_1413 : memref<1x128x64xf32, #tpu.memory_space<hbm>> -> memref<128x64xf32, #tpu.memory_space<hbm>>
      %dma_wait3A_1415 = arith.constant 0 : i32
      %dma_wait3A_1416 = tpu.memref_slice %arg4[%dma_wait3A_1407, %mul3A_2, %dma_wait3A_1415] : memref<50x16384x64xf32, #tpu.memory_space<hbm>> -> memref<1x128x64xf32, #tpu.memory_space<hbm>>
      %dma_wait3A_1417 = tpu.memref_squeeze %dma_wait3A_1416 : memref<1x128x64xf32, #tpu.memory_space<hbm>> -> memref<128x64xf32, #tpu.memory_space<hbm>>
      %dma_wait3A_1418 = arith.constant 0 : i32
      %dma_wait3A_1419 = arith.constant 0 : i32
      %dma_wait3A_1420 = tpu.memref_slice %arg7[%dma_wait3A_1405, %dma_wait3A_1406, %dma_wait3A_1418, %dma_wait3A_1419] : memref<2x4x128x64xf32, #tpu.memory_space<vmem>> -> memref<1x1x128x64xf32, #tpu.memory_space<vmem>>
      %dma_wait3A_1421 = tpu.memref_squeeze %dma_wait3A_1420 : memref<1x1x128x64xf32, #tpu.memory_space<vmem>> -> memref<128x64xf32, #tpu.memory_space<vmem>>
      tpu.wait_dma2 semaphore(%arg16 : memref<!tpu.dma_semaphore, #tpu.memory_space<semaphore_mem>>) src(%dma_wait3A_1421 : memref<128x64xf32, #tpu.memory_space<vmem>>) dst(%dma_wait3A_1417 : memref<128x64xf32, #tpu.memory_space<hbm>>)
      %add3A_1422 = arith.constant 1 : i32
      %add3A_1423 = arith.addi %add3A_1371, %add3A_1422 : i32
      %dma_start3A_1424 = arith.constant 0 : i32
      %dma_start3A_1425 = arith.constant 0 : i32
      %dma_start3A_1426 = arith.constant 0 : i32
      %dma_start3A_1427 = arith.constant 0 : i32
      %dma_start3A_1428 = arith.constant 0 : i32
      %dma_start3A_1429 = tpu.memref_slice %arg7[%dma_start3A_1425, %dma_start3A_1426, %dma_start3A_1427, %dma_start3A_1428] : memref<2x4x128x64xf32, #tpu.memory_space<vmem>> -> memref<1x1x128x64xf32, #tpu.memory_space<vmem>>
      %dma_start3A_1430 = tpu.memref_squeeze %dma_start3A_1429 : memref<1x1x128x64xf32, #tpu.memory_space<vmem>> -> memref<128x64xf32, #tpu.memory_space<vmem>>
      %dma_start3A_1431 = arith.constant 0 : i32
      %dma_start3A_1432 = tpu.memref_slice %arg6[%dma_start3A_1424, %dma_start3A_1431] : memref<2x512xi32, #tpu.memory_space<vmem>> -> memref<1x512xi32, #tpu.memory_space<vmem>>
      %dma_start3A_1433 = tpu.memref_squeeze %dma_start3A_1432 : memref<1x512xi32, #tpu.memory_space<vmem>> -> memref<512xi32, #tpu.memory_space<vmem>>
      %dma_start3A_1434 = arith.constant 0 : i32
      %dma_start3A_1435 = tpu.memref_slice %dma_start3A_1433[%dma_start3A_1434] : memref<512xi32, #tpu.memory_space<vmem>> -> memref<128xi32, #tpu.memory_space<vmem>>
      %dma_start3A_1436 = arith.constant 0 : i32
      %dma_start3A_1437 = arith.constant 0 : i32
      %dma_start3A_1438 = tpu.memref_slice %arg2[%dma_start3A_1436, %dma_start3A_1437] : memref<1000000x64xf32, #tpu.memory_space<hbm>> -> memref<1000000x64xf32, #tpu.memory_space<hbm>>
      tpu.enqueue_indirect_dma source(%dma_start3A_1438 : memref<1000000x64xf32, #tpu.memory_space<hbm>>) target(%dma_start3A_1430 : memref<128x64xf32, #tpu.memory_space<vmem>>) offsets(%dma_start3A_1435 : memref<128xi32, #tpu.memory_space<vmem>>) semaphore(%arg8 : memref<!tpu.dma_semaphore, #tpu.memory_space<semaphore_mem>>)
      %dma_wait3A_1439 = arith.constant 0 : i32
      %dma_wait3A_1440 = arith.constant 1 : i32
      %dma_wait3A_1441 = arith.constant 1 : i32
      %dma_wait3A_1442 = arith.constant 0 : i32
      %dma_wait3A_1443 = arith.constant 0 : i32
      %dma_wait3A_1444 = tpu.memref_slice %arg7[%dma_wait3A_1440, %dma_wait3A_1441, %dma_wait3A_1442, %dma_wait3A_1443] : memref<2x4x128x64xf32, #tpu.memory_space<vmem>> -> memref<1x1x128x64xf32, #tpu.memory_space<vmem>>
      %dma_wait3A_1445 = tpu.memref_squeeze %dma_wait3A_1444 : memref<1x1x128x64xf32, #tpu.memory_space<vmem>> -> memref<128x64xf32, #tpu.memory_space<vmem>>
      %dma_wait3A_1446 = arith.constant 0 : i32
      %dma_wait3A_1447 = tpu.memref_slice %arg6[%dma_wait3A_1439, %dma_wait3A_1446] : memref<2x512xi32, #tpu.memory_space<vmem>> -> memref<1x512xi32, #tpu.memory_space<vmem>>
      %dma_wait3A_1448 = tpu.memref_squeeze %dma_wait3A_1447 : memref<1x512xi32, #tpu.memory_space<vmem>> -> memref<512xi32, #tpu.memory_space<vmem>>
      %dma_wait3A_1449 = arith.constant 0 : i32
      %dma_wait3A_1450 = tpu.memref_slice %dma_wait3A_1448[%dma_wait3A_1449] : memref<512xi32, #tpu.memory_space<vmem>> -> memref<128xi32, #tpu.memory_space<vmem>>
      %dma_wait3A_1451 = arith.constant 0 : i32
      %dma_wait3A_1452 = arith.constant 0 : i32
      %dma_wait3A_1453 = tpu.memref_slice %arg2[%dma_wait3A_1451, %dma_wait3A_1452] : memref<1000000x64xf32, #tpu.memory_space<hbm>> -> memref<1000000x64xf32, #tpu.memory_space<hbm>>
      tpu.wait_indirect_dma semaphore(%arg13 : memref<!tpu.dma_semaphore, #tpu.memory_space<semaphore_mem>>) src(%dma_wait3A_1453 : memref<1000000x64xf32, #tpu.memory_space<hbm>>) dst(%dma_wait3A_1445 : memref<128x64xf32, #tpu.memory_space<vmem>>)
      %add3A_1454 = arith.constant 128 : i32
      %add3A_1455 = arith.addi %mul3A_2, %add3A_1454 : i32
      %dma_start3A_1456 = arith.constant 1 : i32
      %dma_start3A_1457 = arith.constant 1 : i32
      %dma_start3A_1458 = arith.constant 0 : i32
      %dma_start3A_1459 = arith.constant 0 : i32
      %dma_start3A_1460 = tpu.memref_slice %arg7[%dma_start3A_1456, %dma_start3A_1457, %dma_start3A_1458, %dma_start3A_1459] : memref<2x4x128x64xf32, #tpu.memory_space<vmem>> -> memref<1x1x128x64xf32, #tpu.memory_space<vmem>>
      %dma_start3A_1461 = tpu.memref_squeeze %dma_start3A_1460 : memref<1x1x128x64xf32, #tpu.memory_space<vmem>> -> memref<128x64xf32, #tpu.memory_space<vmem>>
      %dma_start3A_1462 = arith.constant 0 : i32
      %dma_start3A_1463 = tpu.memref_slice %arg4[%add3A_1371, %add3A_1455, %dma_start3A_1462] : memref<50x16384x64xf32, #tpu.memory_space<hbm>> -> memref<1x128x64xf32, #tpu.memory_space<hbm>>
      %dma_start3A_1464 = tpu.memref_squeeze %dma_start3A_1463 : memref<1x128x64xf32, #tpu.memory_space<hbm>> -> memref<128x64xf32, #tpu.memory_space<hbm>>
      %dma_start3A_1465 = arith.constant 0 : i32
      %dma_start3A_1466 = tpu.memref_slice %arg4[%add3A_1371, %add3A_1455, %dma_start3A_1465] : memref<50x16384x64xf32, #tpu.memory_space<hbm>> -> memref<1x128x64xf32, #tpu.memory_space<hbm>>
      %dma_start3A_1467 = tpu.memref_squeeze %dma_start3A_1466 : memref<1x128x64xf32, #tpu.memory_space<hbm>> -> memref<128x64xf32, #tpu.memory_space<hbm>>
      %dma_start3A_1468 = arith.constant 0 : i32
      %dma_start3A_1469 = arith.constant 0 : i32
      %dma_start3A_1470 = tpu.memref_slice %arg7[%dma_start3A_1456, %dma_start3A_1457, %dma_start3A_1468, %dma_start3A_1469] : memref<2x4x128x64xf32, #tpu.memory_space<vmem>> -> memref<1x1x128x64xf32, #tpu.memory_space<vmem>>
      %dma_start3A_1471 = tpu.memref_squeeze %dma_start3A_1470 : memref<1x1x128x64xf32, #tpu.memory_space<vmem>> -> memref<128x64xf32, #tpu.memory_space<vmem>>
      tpu.enqueue_dma source(%dma_start3A_1471 : memref<128x64xf32, #tpu.memory_space<vmem>>) target(%dma_start3A_1467 : memref<128x64xf32, #tpu.memory_space<hbm>>) target_semaphore(%arg21 : memref<!tpu.dma_semaphore, #tpu.memory_space<semaphore_mem>>)
      %dma_wait3A_1472 = arith.constant 0 : i32
      %dma_wait3A_1473 = arith.constant 1 : i32
      %dma_wait3A_1474 = arith.constant 0 : i32
      %dma_wait3A_1475 = arith.constant 0 : i32
      %dma_wait3A_1476 = arith.constant 0 : i32
      %dma_wait3A_1477 = tpu.memref_slice %arg7[%dma_wait3A_1472, %dma_wait3A_1473, %dma_wait3A_1475, %dma_wait3A_1476] : memref<2x4x128x64xf32, #tpu.memory_space<vmem>> -> memref<1x1x128x64xf32, #tpu.memory_space<vmem>>
      %dma_wait3A_1478 = tpu.memref_squeeze %dma_wait3A_1477 : memref<1x1x128x64xf32, #tpu.memory_space<vmem>> -> memref<128x64xf32, #tpu.memory_space<vmem>>
      %dma_wait3A_1479 = arith.constant 0 : i32
      %dma_wait3A_1480 = tpu.memref_slice %arg4[%dma_wait3A_1474, %mul3A_2, %dma_wait3A_1479] : memref<50x16384x64xf32, #tpu.memory_space<hbm>> -> memref<1x128x64xf32, #tpu.memory_space<hbm>>
      %dma_wait3A_1481 = tpu.memref_squeeze %dma_wait3A_1480 : memref<1x128x64xf32, #tpu.memory_space<hbm>> -> memref<128x64xf32, #tpu.memory_space<hbm>>
      %dma_wait3A_1482 = arith.constant 0 : i32
      %dma_wait3A_1483 = tpu.memref_slice %arg4[%dma_wait3A_1474, %mul3A_2, %dma_wait3A_1482] : memref<50x16384x64xf32, #tpu.memory_space<hbm>> -> memref<1x128x64xf32, #tpu.memory_space<hbm>>
      %dma_wait3A_1484 = tpu.memref_squeeze %dma_wait3A_1483 : memref<1x128x64xf32, #tpu.memory_space<hbm>> -> memref<128x64xf32, #tpu.memory_space<hbm>>
      %dma_wait3A_1485 = arith.constant 0 : i32
      %dma_wait3A_1486 = arith.constant 0 : i32
      %dma_wait3A_1487 = tpu.memref_slice %arg7[%dma_wait3A_1472, %dma_wait3A_1473, %dma_wait3A_1485, %dma_wait3A_1486] : memref<2x4x128x64xf32, #tpu.memory_space<vmem>> -> memref<1x1x128x64xf32, #tpu.memory_space<vmem>>
      %dma_wait3A_1488 = tpu.memref_squeeze %dma_wait3A_1487 : memref<1x1x128x64xf32, #tpu.memory_space<vmem>> -> memref<128x64xf32, #tpu.memory_space<vmem>>
      tpu.wait_dma2 semaphore(%arg17 : memref<!tpu.dma_semaphore, #tpu.memory_space<semaphore_mem>>) src(%dma_wait3A_1488 : memref<128x64xf32, #tpu.memory_space<vmem>>) dst(%dma_wait3A_1484 : memref<128x64xf32, #tpu.memory_space<hbm>>)
      %add3A_1489 = arith.constant 1 : i32
      %add3A_1490 = arith.addi %add3A_1371, %add3A_1489 : i32
      %dma_start3A_1491 = arith.constant 0 : i32
      %dma_start3A_1492 = arith.constant 0 : i32
      %dma_start3A_1493 = arith.constant 1 : i32
      %dma_start3A_1494 = arith.constant 0 : i32
      %dma_start3A_1495 = arith.constant 0 : i32
      %dma_start3A_1496 = tpu.memref_slice %arg7[%dma_start3A_1492, %dma_start3A_1493, %dma_start3A_1494, %dma_start3A_1495] : memref<2x4x128x64xf32, #tpu.memory_space<vmem>> -> memref<1x1x128x64xf32, #tpu.memory_space<vmem>>
      %dma_start3A_1497 = tpu.memref_squeeze %dma_start3A_1496 : memref<1x1x128x64xf32, #tpu.memory_space<vmem>> -> memref<128x64xf32, #tpu.memory_space<vmem>>
      %dma_start3A_1498 = arith.constant 0 : i32
      %dma_start3A_1499 = tpu.memref_slice %arg6[%dma_start3A_1491, %dma_start3A_1498] : memref<2x512xi32, #tpu.memory_space<vmem>> -> memref<1x512xi32, #tpu.memory_space<vmem>>
      %dma_start3A_1500 = tpu.memref_squeeze %dma_start3A_1499 : memref<1x512xi32, #tpu.memory_space<vmem>> -> memref<512xi32, #tpu.memory_space<vmem>>
      %dma_start3A_1501 = arith.constant 128 : i32
      %dma_start3A_1502 = tpu.memref_slice %dma_start3A_1500[%dma_start3A_1501] : memref<512xi32, #tpu.memory_space<vmem>> -> memref<128xi32, #tpu.memory_space<vmem>>
      %dma_start3A_1503 = arith.constant 0 : i32
      %dma_start3A_1504 = arith.constant 0 : i32
      %dma_start3A_1505 = tpu.memref_slice %arg2[%dma_start3A_1503, %dma_start3A_1504] : memref<1000000x64xf32, #tpu.memory_space<hbm>> -> memref<1000000x64xf32, #tpu.memory_space<hbm>>
      tpu.enqueue_indirect_dma source(%dma_start3A_1505 : memref<1000000x64xf32, #tpu.memory_space<hbm>>) target(%dma_start3A_1497 : memref<128x64xf32, #tpu.memory_space<vmem>>) offsets(%dma_start3A_1502 : memref<128xi32, #tpu.memory_space<vmem>>) semaphore(%arg9 : memref<!tpu.dma_semaphore, #tpu.memory_space<semaphore_mem>>)
      %dma_wait3A_1506 = arith.constant 0 : i32
      %dma_wait3A_1507 = arith.constant 1 : i32
      %dma_wait3A_1508 = arith.constant 2 : i32
      %dma_wait3A_1509 = arith.constant 0 : i32
      %dma_wait3A_1510 = arith.constant 0 : i32
      %dma_wait3A_1511 = tpu.memref_slice %arg7[%dma_wait3A_1507, %dma_wait3A_1508, %dma_wait3A_1509, %dma_wait3A_1510] : memref<2x4x128x64xf32, #tpu.memory_space<vmem>> -> memref<1x1x128x64xf32, #tpu.memory_space<vmem>>
      %dma_wait3A_1512 = tpu.memref_squeeze %dma_wait3A_1511 : memref<1x1x128x64xf32, #tpu.memory_space<vmem>> -> memref<128x64xf32, #tpu.memory_space<vmem>>
      %dma_wait3A_1513 = arith.constant 0 : i32
      %dma_wait3A_1514 = tpu.memref_slice %arg6[%dma_wait3A_1506, %dma_wait3A_1513] : memref<2x512xi32, #tpu.memory_space<vmem>> -> memref<1x512xi32, #tpu.memory_space<vmem>>
      %dma_wait3A_1515 = tpu.memref_squeeze %dma_wait3A_1514 : memref<1x512xi32, #tpu.memory_space<vmem>> -> memref<512xi32, #tpu.memory_space<vmem>>
      %dma_wait3A_1516 = arith.constant 0 : i32
      %dma_wait3A_1517 = tpu.memref_slice %dma_wait3A_1515[%dma_wait3A_1516] : memref<512xi32, #tpu.memory_space<vmem>> -> memref<128xi32, #tpu.memory_space<vmem>>
      %dma_wait3A_1518 = arith.constant 0 : i32
      %dma_wait3A_1519 = arith.constant 0 : i32
      %dma_wait3A_1520 = tpu.memref_slice %arg2[%dma_wait3A_1518, %dma_wait3A_1519] : memref<1000000x64xf32, #tpu.memory_space<hbm>> -> memref<1000000x64xf32, #tpu.memory_space<hbm>>
      tpu.wait_indirect_dma semaphore(%arg14 : memref<!tpu.dma_semaphore, #tpu.memory_space<semaphore_mem>>) src(%dma_wait3A_1520 : memref<1000000x64xf32, #tpu.memory_space<hbm>>) dst(%dma_wait3A_1512 : memref<128x64xf32, #tpu.memory_space<vmem>>)
      %add3A_1521 = arith.constant 256 : i32
      %add3A_1522 = arith.addi %mul3A_2, %add3A_1521 : i32
      %dma_start3A_1523 = arith.constant 1 : i32
      %dma_start3A_1524 = arith.constant 2 : i32
      %dma_start3A_1525 = arith.constant 0 : i32
      %dma_start3A_1526 = arith.constant 0 : i32
      %dma_start3A_1527 = tpu.memref_slice %arg7[%dma_start3A_1523, %dma_start3A_1524, %dma_start3A_1525, %dma_start3A_1526] : memref<2x4x128x64xf32, #tpu.memory_space<vmem>> -> memref<1x1x128x64xf32, #tpu.memory_space<vmem>>
      %dma_start3A_1528 = tpu.memref_squeeze %dma_start3A_1527 : memref<1x1x128x64xf32, #tpu.memory_space<vmem>> -> memref<128x64xf32, #tpu.memory_space<vmem>>
      %dma_start3A_1529 = arith.constant 0 : i32
      %dma_start3A_1530 = tpu.memref_slice %arg4[%add3A_1371, %add3A_1522, %dma_start3A_1529] : memref<50x16384x64xf32, #tpu.memory_space<hbm>> -> memref<1x128x64xf32, #tpu.memory_space<hbm>>
      %dma_start3A_1531 = tpu.memref_squeeze %dma_start3A_1530 : memref<1x128x64xf32, #tpu.memory_space<hbm>> -> memref<128x64xf32, #tpu.memory_space<hbm>>
      %dma_start3A_1532 = arith.constant 0 : i32
      %dma_start3A_1533 = tpu.memref_slice %arg4[%add3A_1371, %add3A_1522, %dma_start3A_1532] : memref<50x16384x64xf32, #tpu.memory_space<hbm>> -> memref<1x128x64xf32, #tpu.memory_space<hbm>>
      %dma_start3A_1534 = tpu.memref_squeeze %dma_start3A_1533 : memref<1x128x64xf32, #tpu.memory_space<hbm>> -> memref<128x64xf32, #tpu.memory_space<hbm>>
      %dma_start3A_1535 = arith.constant 0 : i32
      %dma_start3A_1536 = arith.constant 0 : i32
      %dma_start3A_1537 = tpu.memref_slice %arg7[%dma_start3A_1523, %dma_start3A_1524, %dma_start3A_1535, %dma_start3A_1536] : memref<2x4x128x64xf32, #tpu.memory_space<vmem>> -> memref<1x1x128x64xf32, #tpu.memory_space<vmem>>
      %dma_start3A_1538 = tpu.memref_squeeze %dma_start3A_1537 : memref<1x1x128x64xf32, #tpu.memory_space<vmem>> -> memref<128x64xf32, #tpu.memory_space<vmem>>
      tpu.enqueue_dma source(%dma_start3A_1538 : memref<128x64xf32, #tpu.memory_space<vmem>>) target(%dma_start3A_1534 : memref<128x64xf32, #tpu.memory_space<hbm>>) target_semaphore(%arg22 : memref<!tpu.dma_semaphore, #tpu.memory_space<semaphore_mem>>)
      %dma_wait3A_1539 = arith.constant 0 : i32
      %dma_wait3A_1540 = arith.constant 2 : i32
      %dma_wait3A_1541 = arith.constant 0 : i32
      %dma_wait3A_1542 = arith.constant 0 : i32
      %dma_wait3A_1543 = arith.constant 0 : i32
      %dma_wait3A_1544 = tpu.memref_slice %arg7[%dma_wait3A_1539, %dma_wait3A_1540, %dma_wait3A_1542, %dma_wait3A_1543] : memref<2x4x128x64xf32, #tpu.memory_space<vmem>> -> memref<1x1x128x64xf32, #tpu.memory_space<vmem>>
      %dma_wait3A_1545 = tpu.memref_squeeze %dma_wait3A_1544 : memref<1x1x128x64xf32, #tpu.memory_space<vmem>> -> memref<128x64xf32, #tpu.memory_space<vmem>>
      %dma_wait3A_1546 = arith.constant 0 : i32
      %dma_wait3A_1547 = tpu.memref_slice %arg4[%dma_wait3A_1541, %mul3A_2, %dma_wait3A_1546] : memref<50x16384x64xf32, #tpu.memory_space<hbm>> -> memref<1x128x64xf32, #tpu.memory_space<hbm>>
      %dma_wait3A_1548 = tpu.memref_squeeze %dma_wait3A_1547 : memref<1x128x64xf32, #tpu.memory_space<hbm>> -> memref<128x64xf32, #tpu.memory_space<hbm>>
      %dma_wait3A_1549 = arith.constant 0 : i32
      %dma_wait3A_1550 = tpu.memref_slice %arg4[%dma_wait3A_1541, %mul3A_2, %dma_wait3A_1549] : memref<50x16384x64xf32, #tpu.memory_space<hbm>> -> memref<1x128x64xf32, #tpu.memory_space<hbm>>
      %dma_wait3A_1551 = tpu.memref_squeeze %dma_wait3A_1550 : memref<1x128x64xf32, #tpu.memory_space<hbm>> -> memref<128x64xf32, #tpu.memory_space<hbm>>
      %dma_wait3A_1552 = arith.constant 0 : i32
      %dma_wait3A_1553 = arith.constant 0 : i32
      %dma_wait3A_1554 = tpu.memref_slice %arg7[%dma_wait3A_1539, %dma_wait3A_1540, %dma_wait3A_1552, %dma_wait3A_1553] : memref<2x4x128x64xf32, #tpu.memory_space<vmem>> -> memref<1x1x128x64xf32, #tpu.memory_space<vmem>>
      %dma_wait3A_1555 = tpu.memref_squeeze %dma_wait3A_1554 : memref<1x1x128x64xf32, #tpu.memory_space<vmem>> -> memref<128x64xf32, #tpu.memory_space<vmem>>
      tpu.wait_dma2 semaphore(%arg18 : memref<!tpu.dma_semaphore, #tpu.memory_space<semaphore_mem>>) src(%dma_wait3A_1555 : memref<128x64xf32, #tpu.memory_space<vmem>>) dst(%dma_wait3A_1551 : memref<128x64xf32, #tpu.memory_space<hbm>>)
      %add3A_1556 = arith.constant 1 : i32
      %add3A_1557 = arith.addi %add3A_1371, %add3A_1556 : i32
      %dma_start3A_1558 = arith.constant 0 : i32
      %dma_start3A_1559 = arith.constant 0 : i32
      %dma_start3A_1560 = arith.constant 2 : i32
      %dma_start3A_1561 = arith.constant 0 : i32
      %dma_start3A_1562 = arith.constant 0 : i32
      %dma_start3A_1563 = tpu.memref_slice %arg7[%dma_start3A_1559, %dma_start3A_1560, %dma_start3A_1561, %dma_start3A_1562] : memref<2x4x128x64xf32, #tpu.memory_space<vmem>> -> memref<1x1x128x64xf32, #tpu.memory_space<vmem>>
      %dma_start3A_1564 = tpu.memref_squeeze %dma_start3A_1563 : memref<1x1x128x64xf32, #tpu.memory_space<vmem>> -> memref<128x64xf32, #tpu.memory_space<vmem>>
      %dma_start3A_1565 = arith.constant 0 : i32
      %dma_start3A_1566 = tpu.memref_slice %arg6[%dma_start3A_1558, %dma_start3A_1565] : memref<2x512xi32, #tpu.memory_space<vmem>> -> memref<1x512xi32, #tpu.memory_space<vmem>>
      %dma_start3A_1567 = tpu.memref_squeeze %dma_start3A_1566 : memref<1x512xi32, #tpu.memory_space<vmem>> -> memref<512xi32, #tpu.memory_space<vmem>>
      %dma_start3A_1568 = arith.constant 256 : i32
      %dma_start3A_1569 = tpu.memref_slice %dma_start3A_1567[%dma_start3A_1568] : memref<512xi32, #tpu.memory_space<vmem>> -> memref<128xi32, #tpu.memory_space<vmem>>
      %dma_start3A_1570 = arith.constant 0 : i32
      %dma_start3A_1571 = arith.constant 0 : i32
      %dma_start3A_1572 = tpu.memref_slice %arg2[%dma_start3A_1570, %dma_start3A_1571] : memref<1000000x64xf32, #tpu.memory_space<hbm>> -> memref<1000000x64xf32, #tpu.memory_space<hbm>>
      tpu.enqueue_indirect_dma source(%dma_start3A_1572 : memref<1000000x64xf32, #tpu.memory_space<hbm>>) target(%dma_start3A_1564 : memref<128x64xf32, #tpu.memory_space<vmem>>) offsets(%dma_start3A_1569 : memref<128xi32, #tpu.memory_space<vmem>>) semaphore(%arg10 : memref<!tpu.dma_semaphore, #tpu.memory_space<semaphore_mem>>)
      %dma_wait3A_1573 = arith.constant 0 : i32
      %dma_wait3A_1574 = arith.constant 1 : i32
      %dma_wait3A_1575 = arith.constant 3 : i32
      %dma_wait3A_1576 = arith.constant 0 : i32
      %dma_wait3A_1577 = arith.constant 0 : i32
      %dma_wait3A_1578 = tpu.memref_slice %arg7[%dma_wait3A_1574, %dma_wait3A_1575, %dma_wait3A_1576, %dma_wait3A_1577] : memref<2x4x128x64xf32, #tpu.memory_space<vmem>> -> memref<1x1x128x64xf32, #tpu.memory_space<vmem>>
      %dma_wait3A_1579 = tpu.memref_squeeze %dma_wait3A_1578 : memref<1x1x128x64xf32, #tpu.memory_space<vmem>> -> memref<128x64xf32, #tpu.memory_space<vmem>>
      %dma_wait3A_1580 = arith.constant 0 : i32
      %dma_wait3A_1581 = tpu.memref_slice %arg6[%dma_wait3A_1573, %dma_wait3A_1580] : memref<2x512xi32, #tpu.memory_space<vmem>> -> memref<1x512xi32, #tpu.memory_space<vmem>>
      %dma_wait3A_1582 = tpu.memref_squeeze %dma_wait3A_1581 : memref<1x512xi32, #tpu.memory_space<vmem>> -> memref<512xi32, #tpu.memory_space<vmem>>
      %dma_wait3A_1583 = arith.constant 0 : i32
      %dma_wait3A_1584 = tpu.memref_slice %dma_wait3A_1582[%dma_wait3A_1583] : memref<512xi32, #tpu.memory_space<vmem>> -> memref<128xi32, #tpu.memory_space<vmem>>
      %dma_wait3A_1585 = arith.constant 0 : i32
      %dma_wait3A_1586 = arith.constant 0 : i32
      %dma_wait3A_1587 = tpu.memref_slice %arg2[%dma_wait3A_1585, %dma_wait3A_1586] : memref<1000000x64xf32, #tpu.memory_space<hbm>> -> memref<1000000x64xf32, #tpu.memory_space<hbm>>
      tpu.wait_indirect_dma semaphore(%arg15 : memref<!tpu.dma_semaphore, #tpu.memory_space<semaphore_mem>>) src(%dma_wait3A_1587 : memref<1000000x64xf32, #tpu.memory_space<hbm>>) dst(%dma_wait3A_1579 : memref<128x64xf32, #tpu.memory_space<vmem>>)
      %add3A_1588 = arith.constant 384 : i32
      %add3A_1589 = arith.addi %mul3A_2, %add3A_1588 : i32
      %dma_start3A_1590 = arith.constant 1 : i32
      %dma_start3A_1591 = arith.constant 3 : i32
      %dma_start3A_1592 = arith.constant 0 : i32
      %dma_start3A_1593 = arith.constant 0 : i32
      %dma_start3A_1594 = tpu.memref_slice %arg7[%dma_start3A_1590, %dma_start3A_1591, %dma_start3A_1592, %dma_start3A_1593] : memref<2x4x128x64xf32, #tpu.memory_space<vmem>> -> memref<1x1x128x64xf32, #tpu.memory_space<vmem>>
      %dma_start3A_1595 = tpu.memref_squeeze %dma_start3A_1594 : memref<1x1x128x64xf32, #tpu.memory_space<vmem>> -> memref<128x64xf32, #tpu.memory_space<vmem>>
      %dma_start3A_1596 = arith.constant 0 : i32
      %dma_start3A_1597 = tpu.memref_slice %arg4[%add3A_1371, %add3A_1589, %dma_start3A_1596] : memref<50x16384x64xf32, #tpu.memory_space<hbm>> -> memref<1x128x64xf32, #tpu.memory_space<hbm>>
      %dma_start3A_1598 = tpu.memref_squeeze %dma_start3A_1597 : memref<1x128x64xf32, #tpu.memory_space<hbm>> -> memref<128x64xf32, #tpu.memory_space<hbm>>
      %dma_start3A_1599 = arith.constant 0 : i32
      %dma_start3A_1600 = tpu.memref_slice %arg4[%add3A_1371, %add3A_1589, %dma_start3A_1599] : memref<50x16384x64xf32, #tpu.memory_space<hbm>> -> memref<1x128x64xf32, #tpu.memory_space<hbm>>
      %dma_start3A_1601 = tpu.memref_squeeze %dma_start3A_1600 : memref<1x128x64xf32, #tpu.memory_space<hbm>> -> memref<128x64xf32, #tpu.memory_space<hbm>>
      %dma_start3A_1602 = arith.constant 0 : i32
      %dma_start3A_1603 = arith.constant 0 : i32
      %dma_start3A_1604 = tpu.memref_slice %arg7[%dma_start3A_1590, %dma_start3A_1591, %dma_start3A_1602, %dma_start3A_1603] : memref<2x4x128x64xf32, #tpu.memory_space<vmem>> -> memref<1x1x128x64xf32, #tpu.memory_space<vmem>>
      %dma_start3A_1605 = tpu.memref_squeeze %dma_start3A_1604 : memref<1x1x128x64xf32, #tpu.memory_space<vmem>> -> memref<128x64xf32, #tpu.memory_space<vmem>>
      tpu.enqueue_dma source(%dma_start3A_1605 : memref<128x64xf32, #tpu.memory_space<vmem>>) target(%dma_start3A_1601 : memref<128x64xf32, #tpu.memory_space<hbm>>) target_semaphore(%arg23 : memref<!tpu.dma_semaphore, #tpu.memory_space<semaphore_mem>>)
      %dma_wait3A_1606 = arith.constant 0 : i32
      %dma_wait3A_1607 = arith.constant 3 : i32
      %dma_wait3A_1608 = arith.constant 0 : i32
      %dma_wait3A_1609 = arith.constant 0 : i32
      %dma_wait3A_1610 = arith.constant 0 : i32
      %dma_wait3A_1611 = tpu.memref_slice %arg7[%dma_wait3A_1606, %dma_wait3A_1607, %dma_wait3A_1609, %dma_wait3A_1610] : memref<2x4x128x64xf32, #tpu.memory_space<vmem>> -> memref<1x1x128x64xf32, #tpu.memory_space<vmem>>
      %dma_wait3A_1612 = tpu.memref_squeeze %dma_wait3A_1611 : memref<1x1x128x64xf32, #tpu.memory_space<vmem>> -> memref<128x64xf32, #tpu.memory_space<vmem>>
      %dma_wait3A_1613 = arith.constant 0 : i32
      %dma_wait3A_1614 = tpu.memref_slice %arg4[%dma_wait3A_1608, %mul3A_2, %dma_wait3A_1613] : memref<50x16384x64xf32, #tpu.memory_space<hbm>> -> memref<1x128x64xf32, #tpu.memory_space<hbm>>
      %dma_wait3A_1615 = tpu.memref_squeeze %dma_wait3A_1614 : memref<1x128x64xf32, #tpu.memory_space<hbm>> -> memref<128x64xf32, #tpu.memory_space<hbm>>
      %dma_wait3A_1616 = arith.constant 0 : i32
      %dma_wait3A_1617 = tpu.memref_slice %arg4[%dma_wait3A_1608, %mul3A_2, %dma_wait3A_1616] : memref<50x16384x64xf32, #tpu.memory_space<hbm>> -> memref<1x128x64xf32, #tpu.memory_space<hbm>>
      %dma_wait3A_1618 = tpu.memref_squeeze %dma_wait3A_1617 : memref<1x128x64xf32, #tpu.memory_space<hbm>> -> memref<128x64xf32, #tpu.memory_space<hbm>>
      %dma_wait3A_1619 = arith.constant 0 : i32
      %dma_wait3A_1620 = arith.constant 0 : i32
      %dma_wait3A_1621 = tpu.memref_slice %arg7[%dma_wait3A_1606, %dma_wait3A_1607, %dma_wait3A_1619, %dma_wait3A_1620] : memref<2x4x128x64xf32, #tpu.memory_space<vmem>> -> memref<1x1x128x64xf32, #tpu.memory_space<vmem>>
      %dma_wait3A_1622 = tpu.memref_squeeze %dma_wait3A_1621 : memref<1x1x128x64xf32, #tpu.memory_space<vmem>> -> memref<128x64xf32, #tpu.memory_space<vmem>>
      tpu.wait_dma2 semaphore(%arg19 : memref<!tpu.dma_semaphore, #tpu.memory_space<semaphore_mem>>) src(%dma_wait3A_1622 : memref<128x64xf32, #tpu.memory_space<vmem>>) dst(%dma_wait3A_1618 : memref<128x64xf32, #tpu.memory_space<hbm>>)
      %add3A_1623 = arith.constant 1 : i32
      %add3A_1624 = arith.addi %add3A_1371, %add3A_1623 : i32
      %dma_start3A_1625 = arith.constant 0 : i32
      %dma_start3A_1626 = arith.constant 0 : i32
      %dma_start3A_1627 = arith.constant 3 : i32
      %dma_start3A_1628 = arith.constant 0 : i32
      %dma_start3A_1629 = arith.constant 0 : i32
      %dma_start3A_1630 = tpu.memref_slice %arg7[%dma_start3A_1626, %dma_start3A_1627, %dma_start3A_1628, %dma_start3A_1629] : memref<2x4x128x64xf32, #tpu.memory_space<vmem>> -> memref<1x1x128x64xf32, #tpu.memory_space<vmem>>
      %dma_start3A_1631 = tpu.memref_squeeze %dma_start3A_1630 : memref<1x1x128x64xf32, #tpu.memory_space<vmem>> -> memref<128x64xf32, #tpu.memory_space<vmem>>
      %dma_start3A_1632 = arith.constant 0 : i32
      %dma_start3A_1633 = tpu.memref_slice %arg6[%dma_start3A_1625, %dma_start3A_1632] : memref<2x512xi32, #tpu.memory_space<vmem>> -> memref<1x512xi32, #tpu.memory_space<vmem>>
      %dma_start3A_1634 = tpu.memref_squeeze %dma_start3A_1633 : memref<1x512xi32, #tpu.memory_space<vmem>> -> memref<512xi32, #tpu.memory_space<vmem>>
      %dma_start3A_1635 = arith.constant 384 : i32
      %dma_start3A_1636 = tpu.memref_slice %dma_start3A_1634[%dma_start3A_1635] : memref<512xi32, #tpu.memory_space<vmem>> -> memref<128xi32, #tpu.memory_space<vmem>>
      %dma_start3A_1637 = arith.constant 0 : i32
      %dma_start3A_1638 = arith.constant 0 : i32
      %dma_start3A_1639 = tpu.memref_slice %arg2[%dma_start3A_1637, %dma_start3A_1638] : memref<1000000x64xf32, #tpu.memory_space<hbm>> -> memref<1000000x64xf32, #tpu.memory_space<hbm>>
      tpu.enqueue_indirect_dma source(%dma_start3A_1639 : memref<1000000x64xf32, #tpu.memory_space<hbm>>) target(%dma_start3A_1631 : memref<128x64xf32, #tpu.memory_space<vmem>>) offsets(%dma_start3A_1636 : memref<128xi32, #tpu.memory_space<vmem>>) semaphore(%arg11 : memref<!tpu.dma_semaphore, #tpu.memory_space<semaphore_mem>>)
      %add3A_1640 = arith.constant 2 : i32
      %add3A_1641 = arith.addi %add3A_1371, %add3A_1640 : i32
      %scan3A_1642 = arith.constant 0 : i32
      %scan3A_1643 = arith.constant 0 : i32
      %scan3A_1644 = arith.constant 32 : i32
      %scan3A_1645 = arith.addi %scan3A_1643, %scan3A_1644 : i32
      %scan3A_1646 = arith.constant 1 : i32
      scf.for %scan3A_1648 = %scan3A_1643 to %scan3A_1645 step %scan3A_1646  : i32 {
        %mul3A_1649 = arith.constant 16 : i32
        %mul3A_1650 = arith.muli %scan3A_1648, %mul3A_1649 : i32
        %mul3A_1651 = arith.constant 50 : i32
        %mul3A_1652 = arith.muli %mul3A_1650, %mul3A_1651 : i32
        %add3A_1653 = arith.addi %mul3A_1652, %add3A_1641 : i32
        %add3A_1654 = vector.broadcast %add3A_1653 : i32 to vector<16xi32>
        %add3A_1655 = arith.addi %mul3A_7, %add3A_1654 : vector<16xi32>
        %gather3A = tpu.vector_load_idx %arg5[%add3A_1655] : memref<25600xi32, #tpu.memory_space<vmem>>[vector<16xi32>], vector<16xi32>,
        %mul3A_1656 = arith.constant 16 : i32
        %mul3A_1657 = arith.muli %scan3A_1648, %mul3A_1656 : i32
        %swap3A = arith.constant 1 : i32
        %swap3A_1658 = arith.index_cast %swap3A : i32 to index
        %swap3A_1659 = arith.index_cast %mul3A_1657 : i32 to index
        %swap3A_1660 = tpu.vector_load %arg6[%swap3A_1658, %swap3A_1659] {strides = array<i32>} : memref<2x512xi32, #tpu.memory_space<vmem>>, vector<16xi32>,
        tpu.vector_store %arg6[%swap3A_1658, %swap3A_1659], %gather3A {strides = array<i32>} : memref<2x512xi32, #tpu.memory_space<vmem>>, vector<16xi32>,
      }
      %scan3A_1647 = arith.constant 32 : i32
    }
    %scan3A_554 = arith.constant 23 : i32
    %dma_wait3A_555 = arith.constant 0 : i32
    %dma_wait3A_556 = arith.constant 0 : i32
    %dma_wait3A_557 = arith.constant 0 : i32
    %dma_wait3A_558 = arith.constant 0 : i32
    %dma_wait3A_559 = arith.constant 0 : i32
    %dma_wait3A_560 = tpu.memref_slice %arg7[%dma_wait3A_556, %dma_wait3A_557, %dma_wait3A_558, %dma_wait3A_559] : memref<2x4x128x64xf32, #tpu.memory_space<vmem>> -> memref<1x1x128x64xf32, #tpu.memory_space<vmem>>
    %dma_wait3A_561 = tpu.memref_squeeze %dma_wait3A_560 : memref<1x1x128x64xf32, #tpu.memory_space<vmem>> -> memref<128x64xf32, #tpu.memory_space<vmem>>
    %dma_wait3A_562 = arith.constant 0 : i32
    %dma_wait3A_563 = tpu.memref_slice %arg6[%dma_wait3A_555, %dma_wait3A_562] : memref<2x512xi32, #tpu.memory_space<vmem>> -> memref<1x512xi32, #tpu.memory_space<vmem>>
    %dma_wait3A_564 = tpu.memref_squeeze %dma_wait3A_563 : memref<1x512xi32, #tpu.memory_space<vmem>> -> memref<512xi32, #tpu.memory_space<vmem>>
    %dma_wait3A_565 = arith.constant 0 : i32
    %dma_wait3A_566 = tpu.memref_slice %dma_wait3A_564[%dma_wait3A_565] : memref<512xi32, #tpu.memory_space<vmem>> -> memref<128xi32, #tpu.memory_space<vmem>>
    %dma_wait3A_567 = arith.constant 0 : i32
    %dma_wait3A_568 = arith.constant 0 : i32
    %dma_wait3A_569 = tpu.memref_slice %arg2[%dma_wait3A_567, %dma_wait3A_568] : memref<1000000x64xf32, #tpu.memory_space<hbm>> -> memref<1000000x64xf32, #tpu.memory_space<hbm>>
    tpu.wait_indirect_dma semaphore(%arg8 : memref<!tpu.dma_semaphore, #tpu.memory_space<semaphore_mem>>) src(%dma_wait3A_569 : memref<1000000x64xf32, #tpu.memory_space<hbm>>) dst(%dma_wait3A_561 : memref<128x64xf32, #tpu.memory_space<vmem>>)
    %add3A_570 = arith.constant 0 : i32
    %add3A_571 = arith.addi %mul3A_2, %add3A_570 : i32
    %dma_start3A_572 = arith.constant 0 : i32
    %dma_start3A_573 = arith.constant 0 : i32
    %dma_start3A_574 = arith.constant 48 : i32
    %dma_start3A_575 = arith.constant 0 : i32
    %dma_start3A_576 = arith.constant 0 : i32
    %dma_start3A_577 = tpu.memref_slice %arg7[%dma_start3A_572, %dma_start3A_573, %dma_start3A_575, %dma_start3A_576] : memref<2x4x128x64xf32, #tpu.memory_space<vmem>> -> memref<1x1x128x64xf32, #tpu.memory_space<vmem>>
    %dma_start3A_578 = tpu.memref_squeeze %dma_start3A_577 : memref<1x1x128x64xf32, #tpu.memory_space<vmem>> -> memref<128x64xf32, #tpu.memory_space<vmem>>
    %dma_start3A_579 = arith.constant 0 : i32
    %dma_start3A_580 = tpu.memref_slice %arg4[%dma_start3A_574, %add3A_571, %dma_start3A_579] : memref<50x16384x64xf32, #tpu.memory_space<hbm>> -> memref<1x128x64xf32, #tpu.memory_space<hbm>>
    %dma_start3A_581 = tpu.memref_squeeze %dma_start3A_580 : memref<1x128x64xf32, #tpu.memory_space<hbm>> -> memref<128x64xf32, #tpu.memory_space<hbm>>
    %dma_start3A_582 = arith.constant 0 : i32
    %dma_start3A_583 = tpu.memref_slice %arg4[%dma_start3A_574, %add3A_571, %dma_start3A_582] : memref<50x16384x64xf32, #tpu.memory_space<hbm>> -> memref<1x128x64xf32, #tpu.memory_space<hbm>>
    %dma_start3A_584 = tpu.memref_squeeze %dma_start3A_583 : memref<1x128x64xf32, #tpu.memory_space<hbm>> -> memref<128x64xf32, #tpu.memory_space<hbm>>
    %dma_start3A_585 = arith.constant 0 : i32
    %dma_start3A_586 = arith.constant 0 : i32
    %dma_start3A_587 = tpu.memref_slice %arg7[%dma_start3A_572, %dma_start3A_573, %dma_start3A_585, %dma_start3A_586] : memref<2x4x128x64xf32, #tpu.memory_space<vmem>> -> memref<1x1x128x64xf32, #tpu.memory_space<vmem>>
    %dma_start3A_588 = tpu.memref_squeeze %dma_start3A_587 : memref<1x1x128x64xf32, #tpu.memory_space<vmem>> -> memref<128x64xf32, #tpu.memory_space<vmem>>
    tpu.enqueue_dma source(%dma_start3A_588 : memref<128x64xf32, #tpu.memory_space<vmem>>) target(%dma_start3A_584 : memref<128x64xf32, #tpu.memory_space<hbm>>) target_semaphore(%arg16 : memref<!tpu.dma_semaphore, #tpu.memory_space<semaphore_mem>>)
    %dma_wait3A_589 = arith.constant 1 : i32
    %dma_wait3A_590 = arith.constant 0 : i32
    %dma_wait3A_591 = arith.constant 0 : i32
    %dma_wait3A_592 = arith.constant 0 : i32
    %dma_wait3A_593 = arith.constant 0 : i32
    %dma_wait3A_594 = tpu.memref_slice %arg7[%dma_wait3A_589, %dma_wait3A_590, %dma_wait3A_592, %dma_wait3A_593] : memref<2x4x128x64xf32, #tpu.memory_space<vmem>> -> memref<1x1x128x64xf32, #tpu.memory_space<vmem>>
    %dma_wait3A_595 = tpu.memref_squeeze %dma_wait3A_594 : memref<1x1x128x64xf32, #tpu.memory_space<vmem>> -> memref<128x64xf32, #tpu.memory_space<vmem>>
    %dma_wait3A_596 = arith.constant 0 : i32
    %dma_wait3A_597 = tpu.memref_slice %arg4[%dma_wait3A_591, %mul3A_2, %dma_wait3A_596] : memref<50x16384x64xf32, #tpu.memory_space<hbm>> -> memref<1x128x64xf32, #tpu.memory_space<hbm>>
    %dma_wait3A_598 = tpu.memref_squeeze %dma_wait3A_597 : memref<1x128x64xf32, #tpu.memory_space<hbm>> -> memref<128x64xf32, #tpu.memory_space<hbm>>
    %dma_wait3A_599 = arith.constant 0 : i32
    %dma_wait3A_600 = tpu.memref_slice %arg4[%dma_wait3A_591, %mul3A_2, %dma_wait3A_599] : memref<50x16384x64xf32, #tpu.memory_space<hbm>> -> memref<1x128x64xf32, #tpu.memory_space<hbm>>
    %dma_wait3A_601 = tpu.memref_squeeze %dma_wait3A_600 : memref<1x128x64xf32, #tpu.memory_space<hbm>> -> memref<128x64xf32, #tpu.memory_space<hbm>>
    %dma_wait3A_602 = arith.constant 0 : i32
    %dma_wait3A_603 = arith.constant 0 : i32
    %dma_wait3A_604 = tpu.memref_slice %arg7[%dma_wait3A_589, %dma_wait3A_590, %dma_wait3A_602, %dma_wait3A_603] : memref<2x4x128x64xf32, #tpu.memory_space<vmem>> -> memref<1x1x128x64xf32, #tpu.memory_space<vmem>>
    %dma_wait3A_605 = tpu.memref_squeeze %dma_wait3A_604 : memref<1x1x128x64xf32, #tpu.memory_space<vmem>> -> memref<128x64xf32, #tpu.memory_space<vmem>>
    tpu.wait_dma2 semaphore(%arg20 : memref<!tpu.dma_semaphore, #tpu.memory_space<semaphore_mem>>) src(%dma_wait3A_605 : memref<128x64xf32, #tpu.memory_space<vmem>>) dst(%dma_wait3A_601 : memref<128x64xf32, #tpu.memory_space<hbm>>)
    %dma_start3A_606 = arith.constant 1 : i32
    %dma_start3A_607 = arith.constant 1 : i32
    %dma_start3A_608 = arith.constant 0 : i32
    %dma_start3A_609 = arith.constant 0 : i32
    %dma_start3A_610 = arith.constant 0 : i32
    %dma_start3A_611 = tpu.memref_slice %arg7[%dma_start3A_607, %dma_start3A_608, %dma_start3A_609, %dma_start3A_610] : memref<2x4x128x64xf32, #tpu.memory_space<vmem>> -> memref<1x1x128x64xf32, #tpu.memory_space<vmem>>
    %dma_start3A_612 = tpu.memref_squeeze %dma_start3A_611 : memref<1x1x128x64xf32, #tpu.memory_space<vmem>> -> memref<128x64xf32, #tpu.memory_space<vmem>>
    %dma_start3A_613 = arith.constant 0 : i32
    %dma_start3A_614 = tpu.memref_slice %arg6[%dma_start3A_606, %dma_start3A_613] : memref<2x512xi32, #tpu.memory_space<vmem>> -> memref<1x512xi32, #tpu.memory_space<vmem>>
    %dma_start3A_615 = tpu.memref_squeeze %dma_start3A_614 : memref<1x512xi32, #tpu.memory_space<vmem>> -> memref<512xi32, #tpu.memory_space<vmem>>
    %dma_start3A_616 = arith.constant 0 : i32
    %dma_start3A_617 = tpu.memref_slice %dma_start3A_615[%dma_start3A_616] : memref<512xi32, #tpu.memory_space<vmem>> -> memref<128xi32, #tpu.memory_space<vmem>>
    %dma_start3A_618 = arith.constant 0 : i32
    %dma_start3A_619 = arith.constant 0 : i32
    %dma_start3A_620 = tpu.memref_slice %arg2[%dma_start3A_618, %dma_start3A_619] : memref<1000000x64xf32, #tpu.memory_space<hbm>> -> memref<1000000x64xf32, #tpu.memory_space<hbm>>
    tpu.enqueue_indirect_dma source(%dma_start3A_620 : memref<1000000x64xf32, #tpu.memory_space<hbm>>) target(%dma_start3A_612 : memref<128x64xf32, #tpu.memory_space<vmem>>) offsets(%dma_start3A_617 : memref<128xi32, #tpu.memory_space<vmem>>) semaphore(%arg12 : memref<!tpu.dma_semaphore, #tpu.memory_space<semaphore_mem>>)
    %dma_wait3A_621 = arith.constant 0 : i32
    %dma_wait3A_622 = arith.constant 0 : i32
    %dma_wait3A_623 = arith.constant 1 : i32
    %dma_wait3A_624 = arith.constant 0 : i32
    %dma_wait3A_625 = arith.constant 0 : i32
    %dma_wait3A_626 = tpu.memref_slice %arg7[%dma_wait3A_622, %dma_wait3A_623, %dma_wait3A_624, %dma_wait3A_625] : memref<2x4x128x64xf32, #tpu.memory_space<vmem>> -> memref<1x1x128x64xf32, #tpu.memory_space<vmem>>
    %dma_wait3A_627 = tpu.memref_squeeze %dma_wait3A_626 : memref<1x1x128x64xf32, #tpu.memory_space<vmem>> -> memref<128x64xf32, #tpu.memory_space<vmem>>
    %dma_wait3A_628 = arith.constant 0 : i32
    %dma_wait3A_629 = tpu.memref_slice %arg6[%dma_wait3A_621, %dma_wait3A_628] : memref<2x512xi32, #tpu.memory_space<vmem>> -> memref<1x512xi32, #tpu.memory_space<vmem>>
    %dma_wait3A_630 = tpu.memref_squeeze %dma_wait3A_629 : memref<1x512xi32, #tpu.memory_space<vmem>> -> memref<512xi32, #tpu.memory_space<vmem>>
    %dma_wait3A_631 = arith.constant 0 : i32
    %dma_wait3A_632 = tpu.memref_slice %dma_wait3A_630[%dma_wait3A_631] : memref<512xi32, #tpu.memory_space<vmem>> -> memref<128xi32, #tpu.memory_space<vmem>>
    %dma_wait3A_633 = arith.constant 0 : i32
    %dma_wait3A_634 = arith.constant 0 : i32
    %dma_wait3A_635 = tpu.memref_slice %arg2[%dma_wait3A_633, %dma_wait3A_634] : memref<1000000x64xf32, #tpu.memory_space<hbm>> -> memref<1000000x64xf32, #tpu.memory_space<hbm>>
    tpu.wait_indirect_dma semaphore(%arg9 : memref<!tpu.dma_semaphore, #tpu.memory_space<semaphore_mem>>) src(%dma_wait3A_635 : memref<1000000x64xf32, #tpu.memory_space<hbm>>) dst(%dma_wait3A_627 : memref<128x64xf32, #tpu.memory_space<vmem>>)
    %add3A_636 = arith.constant 128 : i32
    %add3A_637 = arith.addi %mul3A_2, %add3A_636 : i32
    %dma_start3A_638 = arith.constant 0 : i32
    %dma_start3A_639 = arith.constant 1 : i32
    %dma_start3A_640 = arith.constant 48 : i32
    %dma_start3A_641 = arith.constant 0 : i32
    %dma_start3A_642 = arith.constant 0 : i32
    %dma_start3A_643 = tpu.memref_slice %arg7[%dma_start3A_638, %dma_start3A_639, %dma_start3A_641, %dma_start3A_642] : memref<2x4x128x64xf32, #tpu.memory_space<vmem>> -> memref<1x1x128x64xf32, #tpu.memory_space<vmem>>
    %dma_start3A_644 = tpu.memref_squeeze %dma_start3A_643 : memref<1x1x128x64xf32, #tpu.memory_space<vmem>> -> memref<128x64xf32, #tpu.memory_space<vmem>>
    %dma_start3A_645 = arith.constant 0 : i32
    %dma_start3A_646 = tpu.memref_slice %arg4[%dma_start3A_640, %add3A_637, %dma_start3A_645] : memref<50x16384x64xf32, #tpu.memory_space<hbm>> -> memref<1x128x64xf32, #tpu.memory_space<hbm>>
    %dma_start3A_647 = tpu.memref_squeeze %dma_start3A_646 : memref<1x128x64xf32, #tpu.memory_space<hbm>> -> memref<128x64xf32, #tpu.memory_space<hbm>>
    %dma_start3A_648 = arith.constant 0 : i32
    %dma_start3A_649 = tpu.memref_slice %arg4[%dma_start3A_640, %add3A_637, %dma_start3A_648] : memref<50x16384x64xf32, #tpu.memory_space<hbm>> -> memref<1x128x64xf32, #tpu.memory_space<hbm>>
    %dma_start3A_650 = tpu.memref_squeeze %dma_start3A_649 : memref<1x128x64xf32, #tpu.memory_space<hbm>> -> memref<128x64xf32, #tpu.memory_space<hbm>>
    %dma_start3A_651 = arith.constant 0 : i32
    %dma_start3A_652 = arith.constant 0 : i32
    %dma_start3A_653 = tpu.memref_slice %arg7[%dma_start3A_638, %dma_start3A_639, %dma_start3A_651, %dma_start3A_652] : memref<2x4x128x64xf32, #tpu.memory_space<vmem>> -> memref<1x1x128x64xf32, #tpu.memory_space<vmem>>
    %dma_start3A_654 = tpu.memref_squeeze %dma_start3A_653 : memref<1x1x128x64xf32, #tpu.memory_space<vmem>> -> memref<128x64xf32, #tpu.memory_space<vmem>>
    tpu.enqueue_dma source(%dma_start3A_654 : memref<128x64xf32, #tpu.memory_space<vmem>>) target(%dma_start3A_650 : memref<128x64xf32, #tpu.memory_space<hbm>>) target_semaphore(%arg17 : memref<!tpu.dma_semaphore, #tpu.memory_space<semaphore_mem>>)
    %dma_wait3A_655 = arith.constant 1 : i32
    %dma_wait3A_656 = arith.constant 1 : i32
    %dma_wait3A_657 = arith.constant 0 : i32
    %dma_wait3A_658 = arith.constant 0 : i32
    %dma_wait3A_659 = arith.constant 0 : i32
    %dma_wait3A_660 = tpu.memref_slice %arg7[%dma_wait3A_655, %dma_wait3A_656, %dma_wait3A_658, %dma_wait3A_659] : memref<2x4x128x64xf32, #tpu.memory_space<vmem>> -> memref<1x1x128x64xf32, #tpu.memory_space<vmem>>
    %dma_wait3A_661 = tpu.memref_squeeze %dma_wait3A_660 : memref<1x1x128x64xf32, #tpu.memory_space<vmem>> -> memref<128x64xf32, #tpu.memory_space<vmem>>
    %dma_wait3A_662 = arith.constant 0 : i32
    %dma_wait3A_663 = tpu.memref_slice %arg4[%dma_wait3A_657, %mul3A_2, %dma_wait3A_662] : memref<50x16384x64xf32, #tpu.memory_space<hbm>> -> memref<1x128x64xf32, #tpu.memory_space<hbm>>
    %dma_wait3A_664 = tpu.memref_squeeze %dma_wait3A_663 : memref<1x128x64xf32, #tpu.memory_space<hbm>> -> memref<128x64xf32, #tpu.memory_space<hbm>>
    %dma_wait3A_665 = arith.constant 0 : i32
    %dma_wait3A_666 = tpu.memref_slice %arg4[%dma_wait3A_657, %mul3A_2, %dma_wait3A_665] : memref<50x16384x64xf32, #tpu.memory_space<hbm>> -> memref<1x128x64xf32, #tpu.memory_space<hbm>>
    %dma_wait3A_667 = tpu.memref_squeeze %dma_wait3A_666 : memref<1x128x64xf32, #tpu.memory_space<hbm>> -> memref<128x64xf32, #tpu.memory_space<hbm>>
    %dma_wait3A_668 = arith.constant 0 : i32
    %dma_wait3A_669 = arith.constant 0 : i32
    %dma_wait3A_670 = tpu.memref_slice %arg7[%dma_wait3A_655, %dma_wait3A_656, %dma_wait3A_668, %dma_wait3A_669] : memref<2x4x128x64xf32, #tpu.memory_space<vmem>> -> memref<1x1x128x64xf32, #tpu.memory_space<vmem>>
    %dma_wait3A_671 = tpu.memref_squeeze %dma_wait3A_670 : memref<1x1x128x64xf32, #tpu.memory_space<vmem>> -> memref<128x64xf32, #tpu.memory_space<vmem>>
    tpu.wait_dma2 semaphore(%arg21 : memref<!tpu.dma_semaphore, #tpu.memory_space<semaphore_mem>>) src(%dma_wait3A_671 : memref<128x64xf32, #tpu.memory_space<vmem>>) dst(%dma_wait3A_667 : memref<128x64xf32, #tpu.memory_space<hbm>>)
    %dma_start3A_672 = arith.constant 1 : i32
    %dma_start3A_673 = arith.constant 1 : i32
    %dma_start3A_674 = arith.constant 1 : i32
    %dma_start3A_675 = arith.constant 0 : i32
    %dma_start3A_676 = arith.constant 0 : i32
    %dma_start3A_677 = tpu.memref_slice %arg7[%dma_start3A_673, %dma_start3A_674, %dma_start3A_675, %dma_start3A_676] : memref<2x4x128x64xf32, #tpu.memory_space<vmem>> -> memref<1x1x128x64xf32, #tpu.memory_space<vmem>>
    %dma_start3A_678 = tpu.memref_squeeze %dma_start3A_677 : memref<1x1x128x64xf32, #tpu.memory_space<vmem>> -> memref<128x64xf32, #tpu.memory_space<vmem>>
    %dma_start3A_679 = arith.constant 0 : i32
    %dma_start3A_680 = tpu.memref_slice %arg6[%dma_start3A_672, %dma_start3A_679] : memref<2x512xi32, #tpu.memory_space<vmem>> -> memref<1x512xi32, #tpu.memory_space<vmem>>
    %dma_start3A_681 = tpu.memref_squeeze %dma_start3A_680 : memref<1x512xi32, #tpu.memory_space<vmem>> -> memref<512xi32, #tpu.memory_space<vmem>>
    %dma_start3A_682 = arith.constant 128 : i32
    %dma_start3A_683 = tpu.memref_slice %dma_start3A_681[%dma_start3A_682] : memref<512xi32, #tpu.memory_space<vmem>> -> memref<128xi32, #tpu.memory_space<vmem>>
    %dma_start3A_684 = arith.constant 0 : i32
    %dma_start3A_685 = arith.constant 0 : i32
    %dma_start3A_686 = tpu.memref_slice %arg2[%dma_start3A_684, %dma_start3A_685] : memref<1000000x64xf32, #tpu.memory_space<hbm>> -> memref<1000000x64xf32, #tpu.memory_space<hbm>>
    tpu.enqueue_indirect_dma source(%dma_start3A_686 : memref<1000000x64xf32, #tpu.memory_space<hbm>>) target(%dma_start3A_678 : memref<128x64xf32, #tpu.memory_space<vmem>>) offsets(%dma_start3A_683 : memref<128xi32, #tpu.memory_space<vmem>>) semaphore(%arg13 : memref<!tpu.dma_semaphore, #tpu.memory_space<semaphore_mem>>)
    %dma_wait3A_687 = arith.constant 0 : i32
    %dma_wait3A_688 = arith.constant 0 : i32
    %dma_wait3A_689 = arith.constant 2 : i32
    %dma_wait3A_690 = arith.constant 0 : i32
    %dma_wait3A_691 = arith.constant 0 : i32
    %dma_wait3A_692 = tpu.memref_slice %arg7[%dma_wait3A_688, %dma_wait3A_689, %dma_wait3A_690, %dma_wait3A_691] : memref<2x4x128x64xf32, #tpu.memory_space<vmem>> -> memref<1x1x128x64xf32, #tpu.memory_space<vmem>>
    %dma_wait3A_693 = tpu.memref_squeeze %dma_wait3A_692 : memref<1x1x128x64xf32, #tpu.memory_space<vmem>> -> memref<128x64xf32, #tpu.memory_space<vmem>>
    %dma_wait3A_694 = arith.constant 0 : i32
    %dma_wait3A_695 = tpu.memref_slice %arg6[%dma_wait3A_687, %dma_wait3A_694] : memref<2x512xi32, #tpu.memory_space<vmem>> -> memref<1x512xi32, #tpu.memory_space<vmem>>
    %dma_wait3A_696 = tpu.memref_squeeze %dma_wait3A_695 : memref<1x512xi32, #tpu.memory_space<vmem>> -> memref<512xi32, #tpu.memory_space<vmem>>
    %dma_wait3A_697 = arith.constant 0 : i32
    %dma_wait3A_698 = tpu.memref_slice %dma_wait3A_696[%dma_wait3A_697] : memref<512xi32, #tpu.memory_space<vmem>> -> memref<128xi32, #tpu.memory_space<vmem>>
    %dma_wait3A_699 = arith.constant 0 : i32
    %dma_wait3A_700 = arith.constant 0 : i32
    %dma_wait3A_701 = tpu.memref_slice %arg2[%dma_wait3A_699, %dma_wait3A_700] : memref<1000000x64xf32, #tpu.memory_space<hbm>> -> memref<1000000x64xf32, #tpu.memory_space<hbm>>
    tpu.wait_indirect_dma semaphore(%arg10 : memref<!tpu.dma_semaphore, #tpu.memory_space<semaphore_mem>>) src(%dma_wait3A_701 : memref<1000000x64xf32, #tpu.memory_space<hbm>>) dst(%dma_wait3A_693 : memref<128x64xf32, #tpu.memory_space<vmem>>)
    %add3A_702 = arith.constant 256 : i32
    %add3A_703 = arith.addi %mul3A_2, %add3A_702 : i32
    %dma_start3A_704 = arith.constant 0 : i32
    %dma_start3A_705 = arith.constant 2 : i32
    %dma_start3A_706 = arith.constant 48 : i32
    %dma_start3A_707 = arith.constant 0 : i32
    %dma_start3A_708 = arith.constant 0 : i32
    %dma_start3A_709 = tpu.memref_slice %arg7[%dma_start3A_704, %dma_start3A_705, %dma_start3A_707, %dma_start3A_708] : memref<2x4x128x64xf32, #tpu.memory_space<vmem>> -> memref<1x1x128x64xf32, #tpu.memory_space<vmem>>
    %dma_start3A_710 = tpu.memref_squeeze %dma_start3A_709 : memref<1x1x128x64xf32, #tpu.memory_space<vmem>> -> memref<128x64xf32, #tpu.memory_space<vmem>>
    %dma_start3A_711 = arith.constant 0 : i32
    %dma_start3A_712 = tpu.memref_slice %arg4[%dma_start3A_706, %add3A_703, %dma_start3A_711] : memref<50x16384x64xf32, #tpu.memory_space<hbm>> -> memref<1x128x64xf32, #tpu.memory_space<hbm>>
    %dma_start3A_713 = tpu.memref_squeeze %dma_start3A_712 : memref<1x128x64xf32, #tpu.memory_space<hbm>> -> memref<128x64xf32, #tpu.memory_space<hbm>>
    %dma_start3A_714 = arith.constant 0 : i32
    %dma_start3A_715 = tpu.memref_slice %arg4[%dma_start3A_706, %add3A_703, %dma_start3A_714] : memref<50x16384x64xf32, #tpu.memory_space<hbm>> -> memref<1x128x64xf32, #tpu.memory_space<hbm>>
    %dma_start3A_716 = tpu.memref_squeeze %dma_start3A_715 : memref<1x128x64xf32, #tpu.memory_space<hbm>> -> memref<128x64xf32, #tpu.memory_space<hbm>>
    %dma_start3A_717 = arith.constant 0 : i32
    %dma_start3A_718 = arith.constant 0 : i32
    %dma_start3A_719 = tpu.memref_slice %arg7[%dma_start3A_704, %dma_start3A_705, %dma_start3A_717, %dma_start3A_718] : memref<2x4x128x64xf32, #tpu.memory_space<vmem>> -> memref<1x1x128x64xf32, #tpu.memory_space<vmem>>
    %dma_start3A_720 = tpu.memref_squeeze %dma_start3A_719 : memref<1x1x128x64xf32, #tpu.memory_space<vmem>> -> memref<128x64xf32, #tpu.memory_space<vmem>>
    tpu.enqueue_dma source(%dma_start3A_720 : memref<128x64xf32, #tpu.memory_space<vmem>>) target(%dma_start3A_716 : memref<128x64xf32, #tpu.memory_space<hbm>>) target_semaphore(%arg18 : memref<!tpu.dma_semaphore, #tpu.memory_space<semaphore_mem>>)
    %dma_wait3A_721 = arith.constant 1 : i32
    %dma_wait3A_722 = arith.constant 2 : i32
    %dma_wait3A_723 = arith.constant 0 : i32
    %dma_wait3A_724 = arith.constant 0 : i32
    %dma_wait3A_725 = arith.constant 0 : i32
    %dma_wait3A_726 = tpu.memref_slice %arg7[%dma_wait3A_721, %dma_wait3A_722, %dma_wait3A_724, %dma_wait3A_725] : memref<2x4x128x64xf32, #tpu.memory_space<vmem>> -> memref<1x1x128x64xf32, #tpu.memory_space<vmem>>
    %dma_wait3A_727 = tpu.memref_squeeze %dma_wait3A_726 : memref<1x1x128x64xf32, #tpu.memory_space<vmem>> -> memref<128x64xf32, #tpu.memory_space<vmem>>
    %dma_wait3A_728 = arith.constant 0 : i32
    %dma_wait3A_729 = tpu.memref_slice %arg4[%dma_wait3A_723, %mul3A_2, %dma_wait3A_728] : memref<50x16384x64xf32, #tpu.memory_space<hbm>> -> memref<1x128x64xf32, #tpu.memory_space<hbm>>
    %dma_wait3A_730 = tpu.memref_squeeze %dma_wait3A_729 : memref<1x128x64xf32, #tpu.memory_space<hbm>> -> memref<128x64xf32, #tpu.memory_space<hbm>>
    %dma_wait3A_731 = arith.constant 0 : i32
    %dma_wait3A_732 = tpu.memref_slice %arg4[%dma_wait3A_723, %mul3A_2, %dma_wait3A_731] : memref<50x16384x64xf32, #tpu.memory_space<hbm>> -> memref<1x128x64xf32, #tpu.memory_space<hbm>>
    %dma_wait3A_733 = tpu.memref_squeeze %dma_wait3A_732 : memref<1x128x64xf32, #tpu.memory_space<hbm>> -> memref<128x64xf32, #tpu.memory_space<hbm>>
    %dma_wait3A_734 = arith.constant 0 : i32
    %dma_wait3A_735 = arith.constant 0 : i32
    %dma_wait3A_736 = tpu.memref_slice %arg7[%dma_wait3A_721, %dma_wait3A_722, %dma_wait3A_734, %dma_wait3A_735] : memref<2x4x128x64xf32, #tpu.memory_space<vmem>> -> memref<1x1x128x64xf32, #tpu.memory_space<vmem>>
    %dma_wait3A_737 = tpu.memref_squeeze %dma_wait3A_736 : memref<1x1x128x64xf32, #tpu.memory_space<vmem>> -> memref<128x64xf32, #tpu.memory_space<vmem>>
    tpu.wait_dma2 semaphore(%arg22 : memref<!tpu.dma_semaphore, #tpu.memory_space<semaphore_mem>>) src(%dma_wait3A_737 : memref<128x64xf32, #tpu.memory_space<vmem>>) dst(%dma_wait3A_733 : memref<128x64xf32, #tpu.memory_space<hbm>>)
    %dma_start3A_738 = arith.constant 1 : i32
    %dma_start3A_739 = arith.constant 1 : i32
    %dma_start3A_740 = arith.constant 2 : i32
    %dma_start3A_741 = arith.constant 0 : i32
    %dma_start3A_742 = arith.constant 0 : i32
    %dma_start3A_743 = tpu.memref_slice %arg7[%dma_start3A_739, %dma_start3A_740, %dma_start3A_741, %dma_start3A_742] : memref<2x4x128x64xf32, #tpu.memory_space<vmem>> -> memref<1x1x128x64xf32, #tpu.memory_space<vmem>>
    %dma_start3A_744 = tpu.memref_squeeze %dma_start3A_743 : memref<1x1x128x64xf32, #tpu.memory_space<vmem>> -> memref<128x64xf32, #tpu.memory_space<vmem>>
    %dma_start3A_745 = arith.constant 0 : i32
    %dma_start3A_746 = tpu.memref_slice %arg6[%dma_start3A_738, %dma_start3A_745] : memref<2x512xi32, #tpu.memory_space<vmem>> -> memref<1x512xi32, #tpu.memory_space<vmem>>
    %dma_start3A_747 = tpu.memref_squeeze %dma_start3A_746 : memref<1x512xi32, #tpu.memory_space<vmem>> -> memref<512xi32, #tpu.memory_space<vmem>>
    %dma_start3A_748 = arith.constant 256 : i32
    %dma_start3A_749 = tpu.memref_slice %dma_start3A_747[%dma_start3A_748] : memref<512xi32, #tpu.memory_space<vmem>> -> memref<128xi32, #tpu.memory_space<vmem>>
    %dma_start3A_750 = arith.constant 0 : i32
    %dma_start3A_751 = arith.constant 0 : i32
    %dma_start3A_752 = tpu.memref_slice %arg2[%dma_start3A_750, %dma_start3A_751] : memref<1000000x64xf32, #tpu.memory_space<hbm>> -> memref<1000000x64xf32, #tpu.memory_space<hbm>>
    tpu.enqueue_indirect_dma source(%dma_start3A_752 : memref<1000000x64xf32, #tpu.memory_space<hbm>>) target(%dma_start3A_744 : memref<128x64xf32, #tpu.memory_space<vmem>>) offsets(%dma_start3A_749 : memref<128xi32, #tpu.memory_space<vmem>>) semaphore(%arg14 : memref<!tpu.dma_semaphore, #tpu.memory_space<semaphore_mem>>)
    %dma_wait3A_753 = arith.constant 0 : i32
    %dma_wait3A_754 = arith.constant 0 : i32
    %dma_wait3A_755 = arith.constant 3 : i32
    %dma_wait3A_756 = arith.constant 0 : i32
    %dma_wait3A_757 = arith.constant 0 : i32
    %dma_wait3A_758 = tpu.memref_slice %arg7[%dma_wait3A_754, %dma_wait3A_755, %dma_wait3A_756, %dma_wait3A_757] : memref<2x4x128x64xf32, #tpu.memory_space<vmem>> -> memref<1x1x128x64xf32, #tpu.memory_space<vmem>>
    %dma_wait3A_759 = tpu.memref_squeeze %dma_wait3A_758 : memref<1x1x128x64xf32, #tpu.memory_space<vmem>> -> memref<128x64xf32, #tpu.memory_space<vmem>>
    %dma_wait3A_760 = arith.constant 0 : i32
    %dma_wait3A_761 = tpu.memref_slice %arg6[%dma_wait3A_753, %dma_wait3A_760] : memref<2x512xi32, #tpu.memory_space<vmem>> -> memref<1x512xi32, #tpu.memory_space<vmem>>
    %dma_wait3A_762 = tpu.memref_squeeze %dma_wait3A_761 : memref<1x512xi32, #tpu.memory_space<vmem>> -> memref<512xi32, #tpu.memory_space<vmem>>
    %dma_wait3A_763 = arith.constant 0 : i32
    %dma_wait3A_764 = tpu.memref_slice %dma_wait3A_762[%dma_wait3A_763] : memref<512xi32, #tpu.memory_space<vmem>> -> memref<128xi32, #tpu.memory_space<vmem>>
    %dma_wait3A_765 = arith.constant 0 : i32
    %dma_wait3A_766 = arith.constant 0 : i32
    %dma_wait3A_767 = tpu.memref_slice %arg2[%dma_wait3A_765, %dma_wait3A_766] : memref<1000000x64xf32, #tpu.memory_space<hbm>> -> memref<1000000x64xf32, #tpu.memory_space<hbm>>
    tpu.wait_indirect_dma semaphore(%arg11 : memref<!tpu.dma_semaphore, #tpu.memory_space<semaphore_mem>>) src(%dma_wait3A_767 : memref<1000000x64xf32, #tpu.memory_space<hbm>>) dst(%dma_wait3A_759 : memref<128x64xf32, #tpu.memory_space<vmem>>)
    %add3A_768 = arith.constant 384 : i32
    %add3A_769 = arith.addi %mul3A_2, %add3A_768 : i32
    %dma_start3A_770 = arith.constant 0 : i32
    %dma_start3A_771 = arith.constant 3 : i32
    %dma_start3A_772 = arith.constant 48 : i32
    %dma_start3A_773 = arith.constant 0 : i32
    %dma_start3A_774 = arith.constant 0 : i32
    %dma_start3A_775 = tpu.memref_slice %arg7[%dma_start3A_770, %dma_start3A_771, %dma_start3A_773, %dma_start3A_774] : memref<2x4x128x64xf32, #tpu.memory_space<vmem>> -> memref<1x1x128x64xf32, #tpu.memory_space<vmem>>
    %dma_start3A_776 = tpu.memref_squeeze %dma_start3A_775 : memref<1x1x128x64xf32, #tpu.memory_space<vmem>> -> memref<128x64xf32, #tpu.memory_space<vmem>>
    %dma_start3A_777 = arith.constant 0 : i32
    %dma_start3A_778 = tpu.memref_slice %arg4[%dma_start3A_772, %add3A_769, %dma_start3A_777] : memref<50x16384x64xf32, #tpu.memory_space<hbm>> -> memref<1x128x64xf32, #tpu.memory_space<hbm>>
    %dma_start3A_779 = tpu.memref_squeeze %dma_start3A_778 : memref<1x128x64xf32, #tpu.memory_space<hbm>> -> memref<128x64xf32, #tpu.memory_space<hbm>>
    %dma_start3A_780 = arith.constant 0 : i32
    %dma_start3A_781 = tpu.memref_slice %arg4[%dma_start3A_772, %add3A_769, %dma_start3A_780] : memref<50x16384x64xf32, #tpu.memory_space<hbm>> -> memref<1x128x64xf32, #tpu.memory_space<hbm>>
    %dma_start3A_782 = tpu.memref_squeeze %dma_start3A_781 : memref<1x128x64xf32, #tpu.memory_space<hbm>> -> memref<128x64xf32, #tpu.memory_space<hbm>>
    %dma_start3A_783 = arith.constant 0 : i32
    %dma_start3A_784 = arith.constant 0 : i32
    %dma_start3A_785 = tpu.memref_slice %arg7[%dma_start3A_770, %dma_start3A_771, %dma_start3A_783, %dma_start3A_784] : memref<2x4x128x64xf32, #tpu.memory_space<vmem>> -> memref<1x1x128x64xf32, #tpu.memory_space<vmem>>
    %dma_start3A_786 = tpu.memref_squeeze %dma_start3A_785 : memref<1x1x128x64xf32, #tpu.memory_space<vmem>> -> memref<128x64xf32, #tpu.memory_space<vmem>>
    tpu.enqueue_dma source(%dma_start3A_786 : memref<128x64xf32, #tpu.memory_space<vmem>>) target(%dma_start3A_782 : memref<128x64xf32, #tpu.memory_space<hbm>>) target_semaphore(%arg19 : memref<!tpu.dma_semaphore, #tpu.memory_space<semaphore_mem>>)
    %dma_wait3A_787 = arith.constant 1 : i32
    %dma_wait3A_788 = arith.constant 3 : i32
    %dma_wait3A_789 = arith.constant 0 : i32
    %dma_wait3A_790 = arith.constant 0 : i32
    %dma_wait3A_791 = arith.constant 0 : i32
    %dma_wait3A_792 = tpu.memref_slice %arg7[%dma_wait3A_787, %dma_wait3A_788, %dma_wait3A_790, %dma_wait3A_791] : memref<2x4x128x64xf32, #tpu.memory_space<vmem>> -> memref<1x1x128x64xf32, #tpu.memory_space<vmem>>
    %dma_wait3A_793 = tpu.memref_squeeze %dma_wait3A_792 : memref<1x1x128x64xf32, #tpu.memory_space<vmem>> -> memref<128x64xf32, #tpu.memory_space<vmem>>
    %dma_wait3A_794 = arith.constant 0 : i32
    %dma_wait3A_795 = tpu.memref_slice %arg4[%dma_wait3A_789, %mul3A_2, %dma_wait3A_794] : memref<50x16384x64xf32, #tpu.memory_space<hbm>> -> memref<1x128x64xf32, #tpu.memory_space<hbm>>
    %dma_wait3A_796 = tpu.memref_squeeze %dma_wait3A_795 : memref<1x128x64xf32, #tpu.memory_space<hbm>> -> memref<128x64xf32, #tpu.memory_space<hbm>>
    %dma_wait3A_797 = arith.constant 0 : i32
    %dma_wait3A_798 = tpu.memref_slice %arg4[%dma_wait3A_789, %mul3A_2, %dma_wait3A_797] : memref<50x16384x64xf32, #tpu.memory_space<hbm>> -> memref<1x128x64xf32, #tpu.memory_space<hbm>>
    %dma_wait3A_799 = tpu.memref_squeeze %dma_wait3A_798 : memref<1x128x64xf32, #tpu.memory_space<hbm>> -> memref<128x64xf32, #tpu.memory_space<hbm>>
    %dma_wait3A_800 = arith.constant 0 : i32
    %dma_wait3A_801 = arith.constant 0 : i32
    %dma_wait3A_802 = tpu.memref_slice %arg7[%dma_wait3A_787, %dma_wait3A_788, %dma_wait3A_800, %dma_wait3A_801] : memref<2x4x128x64xf32, #tpu.memory_space<vmem>> -> memref<1x1x128x64xf32, #tpu.memory_space<vmem>>
    %dma_wait3A_803 = tpu.memref_squeeze %dma_wait3A_802 : memref<1x1x128x64xf32, #tpu.memory_space<vmem>> -> memref<128x64xf32, #tpu.memory_space<vmem>>
    tpu.wait_dma2 semaphore(%arg23 : memref<!tpu.dma_semaphore, #tpu.memory_space<semaphore_mem>>) src(%dma_wait3A_803 : memref<128x64xf32, #tpu.memory_space<vmem>>) dst(%dma_wait3A_799 : memref<128x64xf32, #tpu.memory_space<hbm>>)
    %dma_start3A_804 = arith.constant 1 : i32
    %dma_start3A_805 = arith.constant 1 : i32
    %dma_start3A_806 = arith.constant 3 : i32
    %dma_start3A_807 = arith.constant 0 : i32
    %dma_start3A_808 = arith.constant 0 : i32
    %dma_start3A_809 = tpu.memref_slice %arg7[%dma_start3A_805, %dma_start3A_806, %dma_start3A_807, %dma_start3A_808] : memref<2x4x128x64xf32, #tpu.memory_space<vmem>> -> memref<1x1x128x64xf32, #tpu.memory_space<vmem>>
    %dma_start3A_810 = tpu.memref_squeeze %dma_start3A_809 : memref<1x1x128x64xf32, #tpu.memory_space<vmem>> -> memref<128x64xf32, #tpu.memory_space<vmem>>
    %dma_start3A_811 = arith.constant 0 : i32
    %dma_start3A_812 = tpu.memref_slice %arg6[%dma_start3A_804, %dma_start3A_811] : memref<2x512xi32, #tpu.memory_space<vmem>> -> memref<1x512xi32, #tpu.memory_space<vmem>>
    %dma_start3A_813 = tpu.memref_squeeze %dma_start3A_812 : memref<1x512xi32, #tpu.memory_space<vmem>> -> memref<512xi32, #tpu.memory_space<vmem>>
    %dma_start3A_814 = arith.constant 384 : i32
    %dma_start3A_815 = tpu.memref_slice %dma_start3A_813[%dma_start3A_814] : memref<512xi32, #tpu.memory_space<vmem>> -> memref<128xi32, #tpu.memory_space<vmem>>
    %dma_start3A_816 = arith.constant 0 : i32
    %dma_start3A_817 = arith.constant 0 : i32
    %dma_start3A_818 = tpu.memref_slice %arg2[%dma_start3A_816, %dma_start3A_817] : memref<1000000x64xf32, #tpu.memory_space<hbm>> -> memref<1000000x64xf32, #tpu.memory_space<hbm>>
    tpu.enqueue_indirect_dma source(%dma_start3A_818 : memref<1000000x64xf32, #tpu.memory_space<hbm>>) target(%dma_start3A_810 : memref<128x64xf32, #tpu.memory_space<vmem>>) offsets(%dma_start3A_815 : memref<128xi32, #tpu.memory_space<vmem>>) semaphore(%arg15 : memref<!tpu.dma_semaphore, #tpu.memory_space<semaphore_mem>>)
    %dma_wait3A_819 = arith.constant 0 : i32
    %dma_wait3A_820 = arith.constant 1 : i32
    %dma_wait3A_821 = arith.constant 0 : i32
    %dma_wait3A_822 = arith.constant 0 : i32
    %dma_wait3A_823 = arith.constant 0 : i32
    %dma_wait3A_824 = tpu.memref_slice %arg7[%dma_wait3A_820, %dma_wait3A_821, %dma_wait3A_822, %dma_wait3A_823] : memref<2x4x128x64xf32, #tpu.memory_space<vmem>> -> memref<1x1x128x64xf32, #tpu.memory_space<vmem>>
    %dma_wait3A_825 = tpu.memref_squeeze %dma_wait3A_824 : memref<1x1x128x64xf32, #tpu.memory_space<vmem>> -> memref<128x64xf32, #tpu.memory_space<vmem>>
    %dma_wait3A_826 = arith.constant 0 : i32
    %dma_wait3A_827 = tpu.memref_slice %arg6[%dma_wait3A_819, %dma_wait3A_826] : memref<2x512xi32, #tpu.memory_space<vmem>> -> memref<1x512xi32, #tpu.memory_space<vmem>>
    %dma_wait3A_828 = tpu.memref_squeeze %dma_wait3A_827 : memref<1x512xi32, #tpu.memory_space<vmem>> -> memref<512xi32, #tpu.memory_space<vmem>>
    %dma_wait3A_829 = arith.constant 0 : i32
    %dma_wait3A_830 = tpu.memref_slice %dma_wait3A_828[%dma_wait3A_829] : memref<512xi32, #tpu.memory_space<vmem>> -> memref<128xi32, #tpu.memory_space<vmem>>
    %dma_wait3A_831 = arith.constant 0 : i32
    %dma_wait3A_832 = arith.constant 0 : i32
    %dma_wait3A_833 = tpu.memref_slice %arg2[%dma_wait3A_831, %dma_wait3A_832] : memref<1000000x64xf32, #tpu.memory_space<hbm>> -> memref<1000000x64xf32, #tpu.memory_space<hbm>>
    tpu.wait_indirect_dma semaphore(%arg12 : memref<!tpu.dma_semaphore, #tpu.memory_space<semaphore_mem>>) src(%dma_wait3A_833 : memref<1000000x64xf32, #tpu.memory_space<hbm>>) dst(%dma_wait3A_825 : memref<128x64xf32, #tpu.memory_space<vmem>>)
    %add3A_834 = arith.constant 0 : i32
    %add3A_835 = arith.addi %mul3A_2, %add3A_834 : i32
    %dma_start3A_836 = arith.constant 1 : i32
    %dma_start3A_837 = arith.constant 0 : i32
    %dma_start3A_838 = arith.constant 49 : i32
    %dma_start3A_839 = arith.constant 0 : i32
    %dma_start3A_840 = arith.constant 0 : i32
    %dma_start3A_841 = tpu.memref_slice %arg7[%dma_start3A_836, %dma_start3A_837, %dma_start3A_839, %dma_start3A_840] : memref<2x4x128x64xf32, #tpu.memory_space<vmem>> -> memref<1x1x128x64xf32, #tpu.memory_space<vmem>>
    %dma_start3A_842 = tpu.memref_squeeze %dma_start3A_841 : memref<1x1x128x64xf32, #tpu.memory_space<vmem>> -> memref<128x64xf32, #tpu.memory_space<vmem>>
    %dma_start3A_843 = arith.constant 0 : i32
    %dma_start3A_844 = tpu.memref_slice %arg4[%dma_start3A_838, %add3A_835, %dma_start3A_843] : memref<50x16384x64xf32, #tpu.memory_space<hbm>> -> memref<1x128x64xf32, #tpu.memory_space<hbm>>
    %dma_start3A_845 = tpu.memref_squeeze %dma_start3A_844 : memref<1x128x64xf32, #tpu.memory_space<hbm>> -> memref<128x64xf32, #tpu.memory_space<hbm>>
    %dma_start3A_846 = arith.constant 0 : i32
    %dma_start3A_847 = tpu.memref_slice %arg4[%dma_start3A_838, %add3A_835, %dma_start3A_846] : memref<50x16384x64xf32, #tpu.memory_space<hbm>> -> memref<1x128x64xf32, #tpu.memory_space<hbm>>
    %dma_start3A_848 = tpu.memref_squeeze %dma_start3A_847 : memref<1x128x64xf32, #tpu.memory_space<hbm>> -> memref<128x64xf32, #tpu.memory_space<hbm>>
    %dma_start3A_849 = arith.constant 0 : i32
    %dma_start3A_850 = arith.constant 0 : i32
    %dma_start3A_851 = tpu.memref_slice %arg7[%dma_start3A_836, %dma_start3A_837, %dma_start3A_849, %dma_start3A_850] : memref<2x4x128x64xf32, #tpu.memory_space<vmem>> -> memref<1x1x128x64xf32, #tpu.memory_space<vmem>>
    %dma_start3A_852 = tpu.memref_squeeze %dma_start3A_851 : memref<1x1x128x64xf32, #tpu.memory_space<vmem>> -> memref<128x64xf32, #tpu.memory_space<vmem>>
    tpu.enqueue_dma source(%dma_start3A_852 : memref<128x64xf32, #tpu.memory_space<vmem>>) target(%dma_start3A_848 : memref<128x64xf32, #tpu.memory_space<hbm>>) target_semaphore(%arg20 : memref<!tpu.dma_semaphore, #tpu.memory_space<semaphore_mem>>)
    %dma_wait3A_853 = arith.constant 0 : i32
    %dma_wait3A_854 = arith.constant 1 : i32
    %dma_wait3A_855 = arith.constant 1 : i32
    %dma_wait3A_856 = arith.constant 0 : i32
    %dma_wait3A_857 = arith.constant 0 : i32
    %dma_wait3A_858 = tpu.memref_slice %arg7[%dma_wait3A_854, %dma_wait3A_855, %dma_wait3A_856, %dma_wait3A_857] : memref<2x4x128x64xf32, #tpu.memory_space<vmem>> -> memref<1x1x128x64xf32, #tpu.memory_space<vmem>>
    %dma_wait3A_859 = tpu.memref_squeeze %dma_wait3A_858 : memref<1x1x128x64xf32, #tpu.memory_space<vmem>> -> memref<128x64xf32, #tpu.memory_space<vmem>>
    %dma_wait3A_860 = arith.constant 0 : i32
    %dma_wait3A_861 = tpu.memref_slice %arg6[%dma_wait3A_853, %dma_wait3A_860] : memref<2x512xi32, #tpu.memory_space<vmem>> -> memref<1x512xi32, #tpu.memory_space<vmem>>
    %dma_wait3A_862 = tpu.memref_squeeze %dma_wait3A_861 : memref<1x512xi32, #tpu.memory_space<vmem>> -> memref<512xi32, #tpu.memory_space<vmem>>
    %dma_wait3A_863 = arith.constant 0 : i32
    %dma_wait3A_864 = tpu.memref_slice %dma_wait3A_862[%dma_wait3A_863] : memref<512xi32, #tpu.memory_space<vmem>> -> memref<128xi32, #tpu.memory_space<vmem>>
    %dma_wait3A_865 = arith.constant 0 : i32
    %dma_wait3A_866 = arith.constant 0 : i32
    %dma_wait3A_867 = tpu.memref_slice %arg2[%dma_wait3A_865, %dma_wait3A_866] : memref<1000000x64xf32, #tpu.memory_space<hbm>> -> memref<1000000x64xf32, #tpu.memory_space<hbm>>
    tpu.wait_indirect_dma semaphore(%arg13 : memref<!tpu.dma_semaphore, #tpu.memory_space<semaphore_mem>>) src(%dma_wait3A_867 : memref<1000000x64xf32, #tpu.memory_space<hbm>>) dst(%dma_wait3A_859 : memref<128x64xf32, #tpu.memory_space<vmem>>)
    %add3A_868 = arith.constant 128 : i32
    %add3A_869 = arith.addi %mul3A_2, %add3A_868 : i32
    %dma_start3A_870 = arith.constant 1 : i32
    %dma_start3A_871 = arith.constant 1 : i32
    %dma_start3A_872 = arith.constant 49 : i32
    %dma_start3A_873 = arith.constant 0 : i32
    %dma_start3A_874 = arith.constant 0 : i32
    %dma_start3A_875 = tpu.memref_slice %arg7[%dma_start3A_870, %dma_start3A_871, %dma_start3A_873, %dma_start3A_874] : memref<2x4x128x64xf32, #tpu.memory_space<vmem>> -> memref<1x1x128x64xf32, #tpu.memory_space<vmem>>
    %dma_start3A_876 = tpu.memref_squeeze %dma_start3A_875 : memref<1x1x128x64xf32, #tpu.memory_space<vmem>> -> memref<128x64xf32, #tpu.memory_space<vmem>>
    %dma_start3A_877 = arith.constant 0 : i32
    %dma_start3A_878 = tpu.memref_slice %arg4[%dma_start3A_872, %add3A_869, %dma_start3A_877] : memref<50x16384x64xf32, #tpu.memory_space<hbm>> -> memref<1x128x64xf32, #tpu.memory_space<hbm>>
    %dma_start3A_879 = tpu.memref_squeeze %dma_start3A_878 : memref<1x128x64xf32, #tpu.memory_space<hbm>> -> memref<128x64xf32, #tpu.memory_space<hbm>>
    %dma_start3A_880 = arith.constant 0 : i32
    %dma_start3A_881 = tpu.memref_slice %arg4[%dma_start3A_872, %add3A_869, %dma_start3A_880] : memref<50x16384x64xf32, #tpu.memory_space<hbm>> -> memref<1x128x64xf32, #tpu.memory_space<hbm>>
    %dma_start3A_882 = tpu.memref_squeeze %dma_start3A_881 : memref<1x128x64xf32, #tpu.memory_space<hbm>> -> memref<128x64xf32, #tpu.memory_space<hbm>>
    %dma_start3A_883 = arith.constant 0 : i32
    %dma_start3A_884 = arith.constant 0 : i32
    %dma_start3A_885 = tpu.memref_slice %arg7[%dma_start3A_870, %dma_start3A_871, %dma_start3A_883, %dma_start3A_884] : memref<2x4x128x64xf32, #tpu.memory_space<vmem>> -> memref<1x1x128x64xf32, #tpu.memory_space<vmem>>
    %dma_start3A_886 = tpu.memref_squeeze %dma_start3A_885 : memref<1x1x128x64xf32, #tpu.memory_space<vmem>> -> memref<128x64xf32, #tpu.memory_space<vmem>>
    tpu.enqueue_dma source(%dma_start3A_886 : memref<128x64xf32, #tpu.memory_space<vmem>>) target(%dma_start3A_882 : memref<128x64xf32, #tpu.memory_space<hbm>>) target_semaphore(%arg21 : memref<!tpu.dma_semaphore, #tpu.memory_space<semaphore_mem>>)
    %dma_wait3A_887 = arith.constant 0 : i32
    %dma_wait3A_888 = arith.constant 1 : i32
    %dma_wait3A_889 = arith.constant 2 : i32
    %dma_wait3A_890 = arith.constant 0 : i32
    %dma_wait3A_891 = arith.constant 0 : i32
    %dma_wait3A_892 = tpu.memref_slice %arg7[%dma_wait3A_888, %dma_wait3A_889, %dma_wait3A_890, %dma_wait3A_891] : memref<2x4x128x64xf32, #tpu.memory_space<vmem>> -> memref<1x1x128x64xf32, #tpu.memory_space<vmem>>
    %dma_wait3A_893 = tpu.memref_squeeze %dma_wait3A_892 : memref<1x1x128x64xf32, #tpu.memory_space<vmem>> -> memref<128x64xf32, #tpu.memory_space<vmem>>
    %dma_wait3A_894 = arith.constant 0 : i32
    %dma_wait3A_895 = tpu.memref_slice %arg6[%dma_wait3A_887, %dma_wait3A_894] : memref<2x512xi32, #tpu.memory_space<vmem>> -> memref<1x512xi32, #tpu.memory_space<vmem>>
    %dma_wait3A_896 = tpu.memref_squeeze %dma_wait3A_895 : memref<1x512xi32, #tpu.memory_space<vmem>> -> memref<512xi32, #tpu.memory_space<vmem>>
    %dma_wait3A_897 = arith.constant 0 : i32
    %dma_wait3A_898 = tpu.memref_slice %dma_wait3A_896[%dma_wait3A_897] : memref<512xi32, #tpu.memory_space<vmem>> -> memref<128xi32, #tpu.memory_space<vmem>>
    %dma_wait3A_899 = arith.constant 0 : i32
    %dma_wait3A_900 = arith.constant 0 : i32
    %dma_wait3A_901 = tpu.memref_slice %arg2[%dma_wait3A_899, %dma_wait3A_900] : memref<1000000x64xf32, #tpu.memory_space<hbm>> -> memref<1000000x64xf32, #tpu.memory_space<hbm>>
    tpu.wait_indirect_dma semaphore(%arg14 : memref<!tpu.dma_semaphore, #tpu.memory_space<semaphore_mem>>) src(%dma_wait3A_901 : memref<1000000x64xf32, #tpu.memory_space<hbm>>) dst(%dma_wait3A_893 : memref<128x64xf32, #tpu.memory_space<vmem>>)
    %add3A_902 = arith.constant 256 : i32
    %add3A_903 = arith.addi %mul3A_2, %add3A_902 : i32
    %dma_start3A_904 = arith.constant 1 : i32
    %dma_start3A_905 = arith.constant 2 : i32
    %dma_start3A_906 = arith.constant 49 : i32
    %dma_start3A_907 = arith.constant 0 : i32
    %dma_start3A_908 = arith.constant 0 : i32
    %dma_start3A_909 = tpu.memref_slice %arg7[%dma_start3A_904, %dma_start3A_905, %dma_start3A_907, %dma_start3A_908] : memref<2x4x128x64xf32, #tpu.memory_space<vmem>> -> memref<1x1x128x64xf32, #tpu.memory_space<vmem>>
    %dma_start3A_910 = tpu.memref_squeeze %dma_start3A_909 : memref<1x1x128x64xf32, #tpu.memory_space<vmem>> -> memref<128x64xf32, #tpu.memory_space<vmem>>
    %dma_start3A_911 = arith.constant 0 : i32
    %dma_start3A_912 = tpu.memref_slice %arg4[%dma_start3A_906, %add3A_903, %dma_start3A_911] : memref<50x16384x64xf32, #tpu.memory_space<hbm>> -> memref<1x128x64xf32, #tpu.memory_space<hbm>>
    %dma_start3A_913 = tpu.memref_squeeze %dma_start3A_912 : memref<1x128x64xf32, #tpu.memory_space<hbm>> -> memref<128x64xf32, #tpu.memory_space<hbm>>
    %dma_start3A_914 = arith.constant 0 : i32
    %dma_start3A_915 = tpu.memref_slice %arg4[%dma_start3A_906, %add3A_903, %dma_start3A_914] : memref<50x16384x64xf32, #tpu.memory_space<hbm>> -> memref<1x128x64xf32, #tpu.memory_space<hbm>>
    %dma_start3A_916 = tpu.memref_squeeze %dma_start3A_915 : memref<1x128x64xf32, #tpu.memory_space<hbm>> -> memref<128x64xf32, #tpu.memory_space<hbm>>
    %dma_start3A_917 = arith.constant 0 : i32
    %dma_start3A_918 = arith.constant 0 : i32
    %dma_start3A_919 = tpu.memref_slice %arg7[%dma_start3A_904, %dma_start3A_905, %dma_start3A_917, %dma_start3A_918] : memref<2x4x128x64xf32, #tpu.memory_space<vmem>> -> memref<1x1x128x64xf32, #tpu.memory_space<vmem>>
    %dma_start3A_920 = tpu.memref_squeeze %dma_start3A_919 : memref<1x1x128x64xf32, #tpu.memory_space<vmem>> -> memref<128x64xf32, #tpu.memory_space<vmem>>
    tpu.enqueue_dma source(%dma_start3A_920 : memref<128x64xf32, #tpu.memory_space<vmem>>) target(%dma_start3A_916 : memref<128x64xf32, #tpu.memory_space<hbm>>) target_semaphore(%arg22 : memref<!tpu.dma_semaphore, #tpu.memory_space<semaphore_mem>>)
    %dma_wait3A_921 = arith.constant 0 : i32
    %dma_wait3A_922 = arith.constant 1 : i32
    %dma_wait3A_923 = arith.constant 3 : i32
    %dma_wait3A_924 = arith.constant 0 : i32
    %dma_wait3A_925 = arith.constant 0 : i32
    %dma_wait3A_926 = tpu.memref_slice %arg7[%dma_wait3A_922, %dma_wait3A_923, %dma_wait3A_924, %dma_wait3A_925] : memref<2x4x128x64xf32, #tpu.memory_space<vmem>> -> memref<1x1x128x64xf32, #tpu.memory_space<vmem>>
    %dma_wait3A_927 = tpu.memref_squeeze %dma_wait3A_926 : memref<1x1x128x64xf32, #tpu.memory_space<vmem>> -> memref<128x64xf32, #tpu.memory_space<vmem>>
    %dma_wait3A_928 = arith.constant 0 : i32
    %dma_wait3A_929 = tpu.memref_slice %arg6[%dma_wait3A_921, %dma_wait3A_928] : memref<2x512xi32, #tpu.memory_space<vmem>> -> memref<1x512xi32, #tpu.memory_space<vmem>>
    %dma_wait3A_930 = tpu.memref_squeeze %dma_wait3A_929 : memref<1x512xi32, #tpu.memory_space<vmem>> -> memref<512xi32, #tpu.memory_space<vmem>>
    %dma_wait3A_931 = arith.constant 0 : i32
    %dma_wait3A_932 = tpu.memref_slice %dma_wait3A_930[%dma_wait3A_931] : memref<512xi32, #tpu.memory_space<vmem>> -> memref<128xi32, #tpu.memory_space<vmem>>
    %dma_wait3A_933 = arith.constant 0 : i32
    %dma_wait3A_934 = arith.constant 0 : i32
    %dma_wait3A_935 = tpu.memref_slice %arg2[%dma_wait3A_933, %dma_wait3A_934] : memref<1000000x64xf32, #tpu.memory_space<hbm>> -> memref<1000000x64xf32, #tpu.memory_space<hbm>>
    tpu.wait_indirect_dma semaphore(%arg15 : memref<!tpu.dma_semaphore, #tpu.memory_space<semaphore_mem>>) src(%dma_wait3A_935 : memref<1000000x64xf32, #tpu.memory_space<hbm>>) dst(%dma_wait3A_927 : memref<128x64xf32, #tpu.memory_space<vmem>>)
    %add3A_936 = arith.constant 384 : i32
    %add3A_937 = arith.addi %mul3A_2, %add3A_936 : i32
    %dma_start3A_938 = arith.constant 1 : i32
    %dma_start3A_939 = arith.constant 3 : i32
    %dma_start3A_940 = arith.constant 49 : i32
    %dma_start3A_941 = arith.constant 0 : i32
    %dma_start3A_942 = arith.constant 0 : i32
    %dma_start3A_943 = tpu.memref_slice %arg7[%dma_start3A_938, %dma_start3A_939, %dma_start3A_941, %dma_start3A_942] : memref<2x4x128x64xf32, #tpu.memory_space<vmem>> -> memref<1x1x128x64xf32, #tpu.memory_space<vmem>>
    %dma_start3A_944 = tpu.memref_squeeze %dma_start3A_943 : memref<1x1x128x64xf32, #tpu.memory_space<vmem>> -> memref<128x64xf32, #tpu.memory_space<vmem>>
    %dma_start3A_945 = arith.constant 0 : i32
    %dma_start3A_946 = tpu.memref_slice %arg4[%dma_start3A_940, %add3A_937, %dma_start3A_945] : memref<50x16384x64xf32, #tpu.memory_space<hbm>> -> memref<1x128x64xf32, #tpu.memory_space<hbm>>
    %dma_start3A_947 = tpu.memref_squeeze %dma_start3A_946 : memref<1x128x64xf32, #tpu.memory_space<hbm>> -> memref<128x64xf32, #tpu.memory_space<hbm>>
    %dma_start3A_948 = arith.constant 0 : i32
    %dma_start3A_949 = tpu.memref_slice %arg4[%dma_start3A_940, %add3A_937, %dma_start3A_948] : memref<50x16384x64xf32, #tpu.memory_space<hbm>> -> memref<1x128x64xf32, #tpu.memory_space<hbm>>
    %dma_start3A_950 = tpu.memref_squeeze %dma_start3A_949 : memref<1x128x64xf32, #tpu.memory_space<hbm>> -> memref<128x64xf32, #tpu.memory_space<hbm>>
    %dma_start3A_951 = arith.constant 0 : i32
    %dma_start3A_952 = arith.constant 0 : i32
    %dma_start3A_953 = tpu.memref_slice %arg7[%dma_start3A_938, %dma_start3A_939, %dma_start3A_951, %dma_start3A_952] : memref<2x4x128x64xf32, #tpu.memory_space<vmem>> -> memref<1x1x128x64xf32, #tpu.memory_space<vmem>>
    %dma_start3A_954 = tpu.memref_squeeze %dma_start3A_953 : memref<1x1x128x64xf32, #tpu.memory_space<vmem>> -> memref<128x64xf32, #tpu.memory_space<vmem>>
    tpu.enqueue_dma source(%dma_start3A_954 : memref<128x64xf32, #tpu.memory_space<vmem>>) target(%dma_start3A_950 : memref<128x64xf32, #tpu.memory_space<hbm>>) target_semaphore(%arg23 : memref<!tpu.dma_semaphore, #tpu.memory_space<semaphore_mem>>)
    %dma_wait3A_955 = arith.constant 0 : i32
    %dma_wait3A_956 = arith.constant 0 : i32
    %dma_wait3A_957 = arith.constant 0 : i32
    %dma_wait3A_958 = arith.constant 0 : i32
    %dma_wait3A_959 = arith.constant 0 : i32
    %dma_wait3A_960 = tpu.memref_slice %arg7[%dma_wait3A_955, %dma_wait3A_956, %dma_wait3A_958, %dma_wait3A_959] : memref<2x4x128x64xf32, #tpu.memory_space<vmem>> -> memref<1x1x128x64xf32, #tpu.memory_space<vmem>>
    %dma_wait3A_961 = tpu.memref_squeeze %dma_wait3A_960 : memref<1x1x128x64xf32, #tpu.memory_space<vmem>> -> memref<128x64xf32, #tpu.memory_space<vmem>>
    %dma_wait3A_962 = arith.constant 0 : i32
    %dma_wait3A_963 = tpu.memref_slice %arg4[%dma_wait3A_957, %mul3A_2, %dma_wait3A_962] : memref<50x16384x64xf32, #tpu.memory_space<hbm>> -> memref<1x128x64xf32, #tpu.memory_space<hbm>>
    %dma_wait3A_964 = tpu.memref_squeeze %dma_wait3A_963 : memref<1x128x64xf32, #tpu.memory_space<hbm>> -> memref<128x64xf32, #tpu.memory_space<hbm>>
    %dma_wait3A_965 = arith.constant 0 : i32
    %dma_wait3A_966 = tpu.memref_slice %arg4[%dma_wait3A_957, %mul3A_2, %dma_wait3A_965] : memref<50x16384x64xf32, #tpu.memory_space<hbm>> -> memref<1x128x64xf32, #tpu.memory_space<hbm>>
    %dma_wait3A_967 = tpu.memref_squeeze %dma_wait3A_966 : memref<1x128x64xf32, #tpu.memory_space<hbm>> -> memref<128x64xf32, #tpu.memory_space<hbm>>
    %dma_wait3A_968 = arith.constant 0 : i32
    %dma_wait3A_969 = arith.constant 0 : i32
    %dma_wait3A_970 = tpu.memref_slice %arg7[%dma_wait3A_955, %dma_wait3A_956, %dma_wait3A_968, %dma_wait3A_969] : memref<2x4x128x64xf32, #tpu.memory_space<vmem>> -> memref<1x1x128x64xf32, #tpu.memory_space<vmem>>
    %dma_wait3A_971 = tpu.memref_squeeze %dma_wait3A_970 : memref<1x1x128x64xf32, #tpu.memory_space<vmem>> -> memref<128x64xf32, #tpu.memory_space<vmem>>
    tpu.wait_dma2 semaphore(%arg16 : memref<!tpu.dma_semaphore, #tpu.memory_space<semaphore_mem>>) src(%dma_wait3A_971 : memref<128x64xf32, #tpu.memory_space<vmem>>) dst(%dma_wait3A_967 : memref<128x64xf32, #tpu.memory_space<hbm>>)
    %dma_wait3A_972 = arith.constant 1 : i32
    %dma_wait3A_973 = arith.constant 0 : i32
    %dma_wait3A_974 = arith.constant 0 : i32
    %dma_wait3A_975 = arith.constant 0 : i32
    %dma_wait3A_976 = arith.constant 0 : i32
    %dma_wait3A_977 = tpu.memref_slice %arg7[%dma_wait3A_972, %dma_wait3A_973, %dma_wait3A_975, %dma_wait3A_976] : memref<2x4x128x64xf32, #tpu.memory_space<vmem>> -> memref<1x1x128x64xf32, #tpu.memory_space<vmem>>
    %dma_wait3A_978 = tpu.memref_squeeze %dma_wait3A_977 : memref<1x1x128x64xf32, #tpu.memory_space<vmem>> -> memref<128x64xf32, #tpu.memory_space<vmem>>
    %dma_wait3A_979 = arith.constant 0 : i32
    %dma_wait3A_980 = tpu.memref_slice %arg4[%dma_wait3A_974, %mul3A_2, %dma_wait3A_979] : memref<50x16384x64xf32, #tpu.memory_space<hbm>> -> memref<1x128x64xf32, #tpu.memory_space<hbm>>
    %dma_wait3A_981 = tpu.memref_squeeze %dma_wait3A_980 : memref<1x128x64xf32, #tpu.memory_space<hbm>> -> memref<128x64xf32, #tpu.memory_space<hbm>>
    %dma_wait3A_982 = arith.constant 0 : i32
    %dma_wait3A_983 = tpu.memref_slice %arg4[%dma_wait3A_974, %mul3A_2, %dma_wait3A_982] : memref<50x16384x64xf32, #tpu.memory_space<hbm>> -> memref<1x128x64xf32, #tpu.memory_space<hbm>>
    %dma_wait3A_984 = tpu.memref_squeeze %dma_wait3A_983 : memref<1x128x64xf32, #tpu.memory_space<hbm>> -> memref<128x64xf32, #tpu.memory_space<hbm>>
    %dma_wait3A_985 = arith.constant 0 : i32
    %dma_wait3A_986 = arith.constant 0 : i32
    %dma_wait3A_987 = tpu.memref_slice %arg7[%dma_wait3A_972, %dma_wait3A_973, %dma_wait3A_985, %dma_wait3A_986] : memref<2x4x128x64xf32, #tpu.memory_space<vmem>> -> memref<1x1x128x64xf32, #tpu.memory_space<vmem>>
    %dma_wait3A_988 = tpu.memref_squeeze %dma_wait3A_987 : memref<1x1x128x64xf32, #tpu.memory_space<vmem>> -> memref<128x64xf32, #tpu.memory_space<vmem>>
    tpu.wait_dma2 semaphore(%arg20 : memref<!tpu.dma_semaphore, #tpu.memory_space<semaphore_mem>>) src(%dma_wait3A_988 : memref<128x64xf32, #tpu.memory_space<vmem>>) dst(%dma_wait3A_984 : memref<128x64xf32, #tpu.memory_space<hbm>>)
    %dma_wait3A_989 = arith.constant 0 : i32
    %dma_wait3A_990 = arith.constant 1 : i32
    %dma_wait3A_991 = arith.constant 0 : i32
    %dma_wait3A_992 = arith.constant 0 : i32
    %dma_wait3A_993 = arith.constant 0 : i32
    %dma_wait3A_994 = tpu.memref_slice %arg7[%dma_wait3A_989, %dma_wait3A_990, %dma_wait3A_992, %dma_wait3A_993] : memref<2x4x128x64xf32, #tpu.memory_space<vmem>> -> memref<1x1x128x64xf32, #tpu.memory_space<vmem>>
    %dma_wait3A_995 = tpu.memref_squeeze %dma_wait3A_994 : memref<1x1x128x64xf32, #tpu.memory_space<vmem>> -> memref<128x64xf32, #tpu.memory_space<vmem>>
    %dma_wait3A_996 = arith.constant 0 : i32
    %dma_wait3A_997 = tpu.memref_slice %arg4[%dma_wait3A_991, %mul3A_2, %dma_wait3A_996] : memref<50x16384x64xf32, #tpu.memory_space<hbm>> -> memref<1x128x64xf32, #tpu.memory_space<hbm>>
    %dma_wait3A_998 = tpu.memref_squeeze %dma_wait3A_997 : memref<1x128x64xf32, #tpu.memory_space<hbm>> -> memref<128x64xf32, #tpu.memory_space<hbm>>
    %dma_wait3A_999 = arith.constant 0 : i32
    %dma_wait3A_1000 = tpu.memref_slice %arg4[%dma_wait3A_991, %mul3A_2, %dma_wait3A_999] : memref<50x16384x64xf32, #tpu.memory_space<hbm>> -> memref<1x128x64xf32, #tpu.memory_space<hbm>>
    %dma_wait3A_1001 = tpu.memref_squeeze %dma_wait3A_1000 : memref<1x128x64xf32, #tpu.memory_space<hbm>> -> memref<128x64xf32, #tpu.memory_space<hbm>>
    %dma_wait3A_1002 = arith.constant 0 : i32
    %dma_wait3A_1003 = arith.constant 0 : i32
    %dma_wait3A_1004 = tpu.memref_slice %arg7[%dma_wait3A_989, %dma_wait3A_990, %dma_wait3A_1002, %dma_wait3A_1003] : memref<2x4x128x64xf32, #tpu.memory_space<vmem>> -> memref<1x1x128x64xf32, #tpu.memory_space<vmem>>
    %dma_wait3A_1005 = tpu.memref_squeeze %dma_wait3A_1004 : memref<1x1x128x64xf32, #tpu.memory_space<vmem>> -> memref<128x64xf32, #tpu.memory_space<vmem>>
    tpu.wait_dma2 semaphore(%arg17 : memref<!tpu.dma_semaphore, #tpu.memory_space<semaphore_mem>>) src(%dma_wait3A_1005 : memref<128x64xf32, #tpu.memory_space<vmem>>) dst(%dma_wait3A_1001 : memref<128x64xf32, #tpu.memory_space<hbm>>)
    %dma_wait3A_1006 = arith.constant 1 : i32
    %dma_wait3A_1007 = arith.constant 1 : i32
    %dma_wait3A_1008 = arith.constant 0 : i32
    %dma_wait3A_1009 = arith.constant 0 : i32
    %dma_wait3A_1010 = arith.constant 0 : i32
    %dma_wait3A_1011 = tpu.memref_slice %arg7[%dma_wait3A_1006, %dma_wait3A_1007, %dma_wait3A_1009, %dma_wait3A_1010] : memref<2x4x128x64xf32, #tpu.memory_space<vmem>> -> memref<1x1x128x64xf32, #tpu.memory_space<vmem>>
    %dma_wait3A_1012 = tpu.memref_squeeze %dma_wait3A_1011 : memref<1x1x128x64xf32, #tpu.memory_space<vmem>> -> memref<128x64xf32, #tpu.memory_space<vmem>>
    %dma_wait3A_1013 = arith.constant 0 : i32
    %dma_wait3A_1014 = tpu.memref_slice %arg4[%dma_wait3A_1008, %mul3A_2, %dma_wait3A_1013] : memref<50x16384x64xf32, #tpu.memory_space<hbm>> -> memref<1x128x64xf32, #tpu.memory_space<hbm>>
    %dma_wait3A_1015 = tpu.memref_squeeze %dma_wait3A_1014 : memref<1x128x64xf32, #tpu.memory_space<hbm>> -> memref<128x64xf32, #tpu.memory_space<hbm>>
    %dma_wait3A_1016 = arith.constant 0 : i32
    %dma_wait3A_1017 = tpu.memref_slice %arg4[%dma_wait3A_1008, %mul3A_2, %dma_wait3A_1016] : memref<50x16384x64xf32, #tpu.memory_space<hbm>> -> memref<1x128x64xf32, #tpu.memory_space<hbm>>
    %dma_wait3A_1018 = tpu.memref_squeeze %dma_wait3A_1017 : memref<1x128x64xf32, #tpu.memory_space<hbm>> -> memref<128x64xf32, #tpu.memory_space<hbm>>
    %dma_wait3A_1019 = arith.constant 0 : i32
    %dma_wait3A_1020 = arith.constant 0 : i32
    %dma_wait3A_1021 = tpu.memref_slice %arg7[%dma_wait3A_1006, %dma_wait3A_1007, %dma_wait3A_1019, %dma_wait3A_1020] : memref<2x4x128x64xf32, #tpu.memory_space<vmem>> -> memref<1x1x128x64xf32, #tpu.memory_space<vmem>>
    %dma_wait3A_1022 = tpu.memref_squeeze %dma_wait3A_1021 : memref<1x1x128x64xf32, #tpu.memory_space<vmem>> -> memref<128x64xf32, #tpu.memory_space<vmem>>
    tpu.wait_dma2 semaphore(%arg21 : memref<!tpu.dma_semaphore, #tpu.memory_space<semaphore_mem>>) src(%dma_wait3A_1022 : memref<128x64xf32, #tpu.memory_space<vmem>>) dst(%dma_wait3A_1018 : memref<128x64xf32, #tpu.memory_space<hbm>>)
    %dma_wait3A_1023 = arith.constant 0 : i32
    %dma_wait3A_1024 = arith.constant 2 : i32
    %dma_wait3A_1025 = arith.constant 0 : i32
    %dma_wait3A_1026 = arith.constant 0 : i32
    %dma_wait3A_1027 = arith.constant 0 : i32
    %dma_wait3A_1028 = tpu.memref_slice %arg7[%dma_wait3A_1023, %dma_wait3A_1024, %dma_wait3A_1026, %dma_wait3A_1027] : memref<2x4x128x64xf32, #tpu.memory_space<vmem>> -> memref<1x1x128x64xf32, #tpu.memory_space<vmem>>
    %dma_wait3A_1029 = tpu.memref_squeeze %dma_wait3A_1028 : memref<1x1x128x64xf32, #tpu.memory_space<vmem>> -> memref<128x64xf32, #tpu.memory_space<vmem>>
    %dma_wait3A_1030 = arith.constant 0 : i32
    %dma_wait3A_1031 = tpu.memref_slice %arg4[%dma_wait3A_1025, %mul3A_2, %dma_wait3A_1030] : memref<50x16384x64xf32, #tpu.memory_space<hbm>> -> memref<1x128x64xf32, #tpu.memory_space<hbm>>
    %dma_wait3A_1032 = tpu.memref_squeeze %dma_wait3A_1031 : memref<1x128x64xf32, #tpu.memory_space<hbm>> -> memref<128x64xf32, #tpu.memory_space<hbm>>
    %dma_wait3A_1033 = arith.constant 0 : i32
    %dma_wait3A_1034 = tpu.memref_slice %arg4[%dma_wait3A_1025, %mul3A_2, %dma_wait3A_1033] : memref<50x16384x64xf32, #tpu.memory_space<hbm>> -> memref<1x128x64xf32, #tpu.memory_space<hbm>>
    %dma_wait3A_1035 = tpu.memref_squeeze %dma_wait3A_1034 : memref<1x128x64xf32, #tpu.memory_space<hbm>> -> memref<128x64xf32, #tpu.memory_space<hbm>>
    %dma_wait3A_1036 = arith.constant 0 : i32
    %dma_wait3A_1037 = arith.constant 0 : i32
    %dma_wait3A_1038 = tpu.memref_slice %arg7[%dma_wait3A_1023, %dma_wait3A_1024, %dma_wait3A_1036, %dma_wait3A_1037] : memref<2x4x128x64xf32, #tpu.memory_space<vmem>> -> memref<1x1x128x64xf32, #tpu.memory_space<vmem>>
    %dma_wait3A_1039 = tpu.memref_squeeze %dma_wait3A_1038 : memref<1x1x128x64xf32, #tpu.memory_space<vmem>> -> memref<128x64xf32, #tpu.memory_space<vmem>>
    tpu.wait_dma2 semaphore(%arg18 : memref<!tpu.dma_semaphore, #tpu.memory_space<semaphore_mem>>) src(%dma_wait3A_1039 : memref<128x64xf32, #tpu.memory_space<vmem>>) dst(%dma_wait3A_1035 : memref<128x64xf32, #tpu.memory_space<hbm>>)
    %dma_wait3A_1040 = arith.constant 1 : i32
    %dma_wait3A_1041 = arith.constant 2 : i32
    %dma_wait3A_1042 = arith.constant 0 : i32
    %dma_wait3A_1043 = arith.constant 0 : i32
    %dma_wait3A_1044 = arith.constant 0 : i32
    %dma_wait3A_1045 = tpu.memref_slice %arg7[%dma_wait3A_1040, %dma_wait3A_1041, %dma_wait3A_1043, %dma_wait3A_1044] : memref<2x4x128x64xf32, #tpu.memory_space<vmem>> -> memref<1x1x128x64xf32, #tpu.memory_space<vmem>>
    %dma_wait3A_1046 = tpu.memref_squeeze %dma_wait3A_1045 : memref<1x1x128x64xf32, #tpu.memory_space<vmem>> -> memref<128x64xf32, #tpu.memory_space<vmem>>
    %dma_wait3A_1047 = arith.constant 0 : i32
    %dma_wait3A_1048 = tpu.memref_slice %arg4[%dma_wait3A_1042, %mul3A_2, %dma_wait3A_1047] : memref<50x16384x64xf32, #tpu.memory_space<hbm>> -> memref<1x128x64xf32, #tpu.memory_space<hbm>>
    %dma_wait3A_1049 = tpu.memref_squeeze %dma_wait3A_1048 : memref<1x128x64xf32, #tpu.memory_space<hbm>> -> memref<128x64xf32, #tpu.memory_space<hbm>>
    %dma_wait3A_1050 = arith.constant 0 : i32
    %dma_wait3A_1051 = tpu.memref_slice %arg4[%dma_wait3A_1042, %mul3A_2, %dma_wait3A_1050] : memref<50x16384x64xf32, #tpu.memory_space<hbm>> -> memref<1x128x64xf32, #tpu.memory_space<hbm>>
    %dma_wait3A_1052 = tpu.memref_squeeze %dma_wait3A_1051 : memref<1x128x64xf32, #tpu.memory_space<hbm>> -> memref<128x64xf32, #tpu.memory_space<hbm>>
    %dma_wait3A_1053 = arith.constant 0 : i32
    %dma_wait3A_1054 = arith.constant 0 : i32
    %dma_wait3A_1055 = tpu.memref_slice %arg7[%dma_wait3A_1040, %dma_wait3A_1041, %dma_wait3A_1053, %dma_wait3A_1054] : memref<2x4x128x64xf32, #tpu.memory_space<vmem>> -> memref<1x1x128x64xf32, #tpu.memory_space<vmem>>
    %dma_wait3A_1056 = tpu.memref_squeeze %dma_wait3A_1055 : memref<1x1x128x64xf32, #tpu.memory_space<vmem>> -> memref<128x64xf32, #tpu.memory_space<vmem>>
    tpu.wait_dma2 semaphore(%arg22 : memref<!tpu.dma_semaphore, #tpu.memory_space<semaphore_mem>>) src(%dma_wait3A_1056 : memref<128x64xf32, #tpu.memory_space<vmem>>) dst(%dma_wait3A_1052 : memref<128x64xf32, #tpu.memory_space<hbm>>)
    %dma_wait3A_1057 = arith.constant 0 : i32
    %dma_wait3A_1058 = arith.constant 3 : i32
    %dma_wait3A_1059 = arith.constant 0 : i32
    %dma_wait3A_1060 = arith.constant 0 : i32
    %dma_wait3A_1061 = arith.constant 0 : i32
    %dma_wait3A_1062 = tpu.memref_slice %arg7[%dma_wait3A_1057, %dma_wait3A_1058, %dma_wait3A_1060, %dma_wait3A_1061] : memref<2x4x128x64xf32, #tpu.memory_space<vmem>> -> memref<1x1x128x64xf32, #tpu.memory_space<vmem>>
    %dma_wait3A_1063 = tpu.memref_squeeze %dma_wait3A_1062 : memref<1x1x128x64xf32, #tpu.memory_space<vmem>> -> memref<128x64xf32, #tpu.memory_space<vmem>>
    %dma_wait3A_1064 = arith.constant 0 : i32
    %dma_wait3A_1065 = tpu.memref_slice %arg4[%dma_wait3A_1059, %mul3A_2, %dma_wait3A_1064] : memref<50x16384x64xf32, #tpu.memory_space<hbm>> -> memref<1x128x64xf32, #tpu.memory_space<hbm>>
    %dma_wait3A_1066 = tpu.memref_squeeze %dma_wait3A_1065 : memref<1x128x64xf32, #tpu.memory_space<hbm>> -> memref<128x64xf32, #tpu.memory_space<hbm>>
    %dma_wait3A_1067 = arith.constant 0 : i32
    %dma_wait3A_1068 = tpu.memref_slice %arg4[%dma_wait3A_1059, %mul3A_2, %dma_wait3A_1067] : memref<50x16384x64xf32, #tpu.memory_space<hbm>> -> memref<1x128x64xf32, #tpu.memory_space<hbm>>
    %dma_wait3A_1069 = tpu.memref_squeeze %dma_wait3A_1068 : memref<1x128x64xf32, #tpu.memory_space<hbm>> -> memref<128x64xf32, #tpu.memory_space<hbm>>
    %dma_wait3A_1070 = arith.constant 0 : i32
    %dma_wait3A_1071 = arith.constant 0 : i32
    %dma_wait3A_1072 = tpu.memref_slice %arg7[%dma_wait3A_1057, %dma_wait3A_1058, %dma_wait3A_1070, %dma_wait3A_1071] : memref<2x4x128x64xf32, #tpu.memory_space<vmem>> -> memref<1x1x128x64xf32, #tpu.memory_space<vmem>>
    %dma_wait3A_1073 = tpu.memref_squeeze %dma_wait3A_1072 : memref<1x1x128x64xf32, #tpu.memory_space<vmem>> -> memref<128x64xf32, #tpu.memory_space<vmem>>
    tpu.wait_dma2 semaphore(%arg19 : memref<!tpu.dma_semaphore, #tpu.memory_space<semaphore_mem>>) src(%dma_wait3A_1073 : memref<128x64xf32, #tpu.memory_space<vmem>>) dst(%dma_wait3A_1069 : memref<128x64xf32, #tpu.memory_space<hbm>>)
    %dma_wait3A_1074 = arith.constant 1 : i32
    %dma_wait3A_1075 = arith.constant 3 : i32
    %dma_wait3A_1076 = arith.constant 0 : i32
    %dma_wait3A_1077 = arith.constant 0 : i32
    %dma_wait3A_1078 = arith.constant 0 : i32
    %dma_wait3A_1079 = tpu.memref_slice %arg7[%dma_wait3A_1074, %dma_wait3A_1075, %dma_wait3A_1077, %dma_wait3A_1078] : memref<2x4x128x64xf32, #tpu.memory_space<vmem>> -> memref<1x1x128x64xf32, #tpu.memory_space<vmem>>
    %dma_wait3A_1080 = tpu.memref_squeeze %dma_wait3A_1079 : memref<1x1x128x64xf32, #tpu.memory_space<vmem>> -> memref<128x64xf32, #tpu.memory_space<vmem>>
    %dma_wait3A_1081 = arith.constant 0 : i32
    %dma_wait3A_1082 = tpu.memref_slice %arg4[%dma_wait3A_1076, %mul3A_2, %dma_wait3A_1081] : memref<50x16384x64xf32, #tpu.memory_space<hbm>> -> memref<1x128x64xf32, #tpu.memory_space<hbm>>
    %dma_wait3A_1083 = tpu.memref_squeeze %dma_wait3A_1082 : memref<1x128x64xf32, #tpu.memory_space<hbm>> -> memref<128x64xf32, #tpu.memory_space<hbm>>
    %dma_wait3A_1084 = arith.constant 0 : i32
    %dma_wait3A_1085 = tpu.memref_slice %arg4[%dma_wait3A_1076, %mul3A_2, %dma_wait3A_1084] : memref<50x16384x64xf32, #tpu.memory_space<hbm>> -> memref<1x128x64xf32, #tpu.memory_space<hbm>>
    %dma_wait3A_1086 = tpu.memref_squeeze %dma_wait3A_1085 : memref<1x128x64xf32, #tpu.memory_space<hbm>> -> memref<128x64xf32, #tpu.memory_space<hbm>>
    %dma_wait3A_1087 = arith.constant 0 : i32
    %dma_wait3A_1088 = arith.constant 0 : i32
    %dma_wait3A_1089 = tpu.memref_slice %arg7[%dma_wait3A_1074, %dma_wait3A_1075, %dma_wait3A_1087, %dma_wait3A_1088] : memref<2x4x128x64xf32, #tpu.memory_space<vmem>> -> memref<1x1x128x64xf32, #tpu.memory_space<vmem>>
    %dma_wait3A_1090 = tpu.memref_squeeze %dma_wait3A_1089 : memref<1x1x128x64xf32, #tpu.memory_space<vmem>> -> memref<128x64xf32, #tpu.memory_space<vmem>>
    tpu.wait_dma2 semaphore(%arg23 : memref<!tpu.dma_semaphore, #tpu.memory_space<semaphore_mem>>) src(%dma_wait3A_1090 : memref<128x64xf32, #tpu.memory_space<vmem>>) dst(%dma_wait3A_1086 : memref<128x64xf32, #tpu.memory_space<hbm>>)
    return
  }
}

</mosaic_0001>

<sc_bundles>
// kernel: _sc_gather_s.3.cloned.1.call-start
scs
__scs_entry_jumppad:
0x0: {  	(pc) =	sbr.rel $0x88, $3  }
0x1: {  	(tag) =	ssettag $0x0;
	lr =	simm.s32 $0x1  }
0x2: {  	[smem:$0x3F9F] =	sst lr;
	_ =	strace $0xD0000000  }
0x3: {  	_ = 	snop  }
0x4: {  	_ = 	snop  }
0x5: {  	_ = 	snop  }
0x6: {  	_ = 	snop  }
0x7: {  	_ = 	snop  }
__scs_overlays_trampoline_lowered:
0x8: {  	[smem:$0x3FAE] =	sst s0  }
0x9: {  	[smem:$0x3FAF] =	sst s1  }
0xa: {  	[smem:$0x3FB0] =	sst s2  }
0xb: {  	[smem:$0x3FB1] =	sst s3  }
0xc: {  	[smem:$0x3FB2] =	sst s4  }
0xd: {  	[smem:$0x3FB3] =	sst s5  }
0xe: {  	[smem:$0x3FB4] =	sst s6  }
0xf: {  	[smem:$0x3FB5] =	sst s7  }
0x10: {  	[smem:$0x3FB6] =	sst s8  }
0x11: {  	[smem:$0x3FB7] =	sst s9;
	s0 =	simm.s32 @!p0 $0x0  }
0x12: {  	s1 =	sld [smem:$0x3F9D];
	s0 =	simm.s32 @p0 $0x1  }
0x13: {  	[smem:$0x3FB8] =	sst s0;
	s0 =	simm.s32 @!p1 $0x0  }
0x14: {  	s2 =	sld [smem:$0x3F9C];
	s0 =	simm.s32 @p1 $0x1  }
0x15: {  	[smem:$0x3FB9] =	sst s0;
	s0 =	simm.s32 @!p2 $0x0  }
0x16: {  	s3 =	sld [smem:$0x3FDB];
	s0 =	simm.s32 @p2 $0x1  }
0x17: {  	s4 =	simm.s32 $0x1BF5;
	[smem:$0x3FBB] =	sst s0  }
0x18: {  	s0 =	sld [smem:$0x3F9E];
	_ =	swait.ge [sflag:s4], $0x0  }
0x19: {  	s7 =	sld [smem:$0x3F9F]  }
0x1a: {  	s8 =	sadd.s32 $0xFFFFE003, lr  }
0x1b: {  	s9 =	sadd.s32 $0xFFFFFEF7, lr;
	s5 =	simm.s32 $0xFFFFFFFF;
	p2 =	slt.u32 s8, $0xFFFFF086  }
0x1c: {  	p1 =	slt.u32 s9, $0xF7A;
	s5 =	simm.s32 @!p2 $0x0  }
0x1d: {  	s5 =	simm.s32 @p1 $0x1;
	p0 =	seq.s32 s7, s2  }
0x1e: {  	s7 =	smul.u32 @!p0 $0xF7A, s2;
	p2 =	seq.s32 @!p0 s5, $0x0  }
0x1f: {  	s9 =	smul.u32 $0xF7A, s1;
	s8 =	simm.s32 @!p0 $0x1BF5;
	p2 =	por !p2, p0  }
0x20: {  	[sflag:s8] =	ssyncset.s32 @!p0 $0xFFFFF086;
	s6 =	sadd.s32 @!p0 s3, s7;
	s7 =	simm.s32 @!p0 $0x108  }
0x21: {  	s3 =	sadd.s32 s3, s9;
	s6 =	sadd.s32 @!p0 $0x88, s6;
	s7 =	simm.s32 @p2 $0x1082  }
0x22: {  	[simem:s7], [sflag:s8] =	dma.local @!p0 [hbm:s6], $0xF7A  }
0x23: {  	s9 =	sor.u32 $0xD0000000, s2;
	s6 =	simm.s32 $0x108;
	_ =	swait.ge @!p0 [sflag:s8], $0x0  }
0x24: {  	s3 =	sadd.s32 $0x88, s3;
	s6 =	simm.s32 @!p1 $0x1082;
	[sflag:s4] =	ssyncset.s32 $0xFFFFF086  }
0x25: {  	[simem:s6], [sflag:s4] =	dma.local [hbm:s3], $0xF7A  }
0x26: {  	[smem:$0x3F9F] =	sst s1;
	(tag) =	ssettag s2;
	_ =	strace s9  }
0x27: {  	s1 =	sld [smem:$0x3FAF]  }
0x28: {  	s2 =	sld [smem:$0x3FB0]  }
0x29: {  	s4 =	sld [smem:$0x3FB2]  }
0x2a: {  	p0 =	seq.s32 s5, $0x0;
	s5 =	sld [smem:$0x3FB3]  }
0x2b: {  	s6 =	sld [smem:$0x3FB4]  }
0x2c: {  	s7 =	sld [smem:$0x3FB5]  }
0x2d: {  	s3 =	simm.s32 $0x108;
	s8 =	sld [smem:$0x3FB6]  }
0x2e: {  	s3 =	simm.s32 @!p0 $0x1082;
	s9 =	sld [smem:$0x3FB7]  }
0x2f: {  	lr =	sadd.s32 s0, s3;
	s0 =	sld [smem:$0x3FAE]  }
0x30: {  	s3 =	sld [smem:$0x3FB1]  }
0x31: {  	[smem:$0x3FBA] =	sst s10  }
0x32: {  	s10 =	sld [smem:$0x3FB8];
	_ =	sdelay $0x3  }
0x33: {  	p0 =	seq.s32 s10, $0x1;
	s10 =	sld [smem:$0x3FBA];
	_ =	sdelay $0x3  }
0x34: {  	[smem:$0x3FBA] =	sst s10  }
0x35: {  	s10 =	sld [smem:$0x3FB9];
	_ =	sdelay $0x3  }
0x36: {  	p1 =	seq.s32 s10, $0x1;
	s10 =	sld [smem:$0x3FBA];
	_ =	sdelay $0x3  }
0x37: {  	[smem:$0x3FBA] =	sst s10  }
0x38: {  	s10 =	sld [smem:$0x3FBB]  }
0x39: {  	_ = 	snop;
	(pc) =	sbr.ind lr, $3  }
0x3a: {  	_ = 	snop  }
0x3b: {  	_ = 	snop  }
0x3c: {  	p2 =	seq.s32 s10, $0x1;
	s10 =	sld [smem:$0x3FBA]  }
0x3d: {  	_ =	shalt  }
0x3e: {  	_ =	shalt  }
0x3f: {  	_ =	shalt  }
0x40: {  	_ =	shalt  }
0x41: {  	_ =	shalt  }
0x42: {  	_ =	shalt  }
0x43: {  	_ =	shalt  }
0x44: {  	_ =	shalt  }
0x45: {  	_ =	shalt  }
0x46: {  	_ =	shalt  }
0x47: {  	_ =	shalt  }
0x48: {  	_ =	shalt  }
0x49: {  	_ =	shalt  }
0x4a: {  	_ =	shalt  }
0x4b: {  	_ =	shalt  }
0x4c: {  	_ =	shalt  }
0x4d: {  	_ =	shalt  }
0x4e: {  	_ =	shalt  }
0x4f: {  	_ =	shalt  }
0x50: {  	_ =	shalt  }
0x51: {  	_ =	shalt  }
0x52: {  	_ =	shalt  }
0x53: {  	_ =	shalt  }
0x54: {  	_ =	shalt  }
0x55: {  	_ =	shalt  }
0x56: {  	_ =	shalt  }
0x57: {  	_ =	shalt  }
0x58: {  	_ =	shalt  }
0x59: {  	_ =	shalt  }
0x5a: {  	_ =	shalt  }
0x5b: {  	_ =	shalt  }
0x5c: {  	_ =	shalt  }
0x5d: {  	_ =	shalt  }
0x5e: {  	_ =	shalt  }
0x5f: {  	_ =	shalt  }
0x60: {  	_ =	shalt  }
0x61: {  	_ =	shalt  }
0x62: {  	_ =	shalt  }
0x63: {  	_ =	shalt  }
0x64: {  	_ =	shalt  }
0x65: {  	_ =	shalt  }
0x66: {  	_ =	shalt  }
0x67: {  	_ =	shalt  }
0x68: {  	_ =	shalt  }
0x69: {  	_ =	shalt  }
0x6a: {  	_ =	shalt  }
0x6b: {  	_ =	shalt  }
0x6c: {  	_ =	shalt  }
0x6d: {  	_ =	shalt  }
0x6e: {  	_ =	shalt  }
0x6f: {  	_ =	shalt  }
0x70: {  	_ =	shalt  }
0x71: {  	_ =	shalt  }
0x72: {  	_ =	shalt  }
0x73: {  	_ =	shalt  }
0x74: {  	_ =	shalt  }
0x75: {  	_ =	shalt  }
0x76: {  	_ =	shalt  }
0x77: {  	_ =	shalt  }
0x78: {  	_ =	shalt  }
0x79: {  	_ =	shalt  }
0x7a: {  	_ =	shalt  }
0x7b: {  	_ =	shalt  }
0x7c: {  	_ =	shalt  }
0x7d: {  	_ =	shalt  }
0x7e: {  	_ =	shalt  }
0x7f: {  	_ =	shalt  }
0x80: {  	_ =	shalt  }
0x81: {  	_ =	shalt  }
0x82: {  	_ =	shalt  }
0x83: {  	_ =	shalt  }
0x84: {  	_ =	shalt  }
0x85: {  	_ =	shalt  }
0x86: {  	_ =	shalt  }
0x87: {  	_ =	shalt  }
.Lfunc_end0:
.L_simem_size_0:
called_computation.1_lowered:
.L_overlay_start_0:
0x88: {  	s2 =	sld [smem:$0x3FD9]  }
0x89: {  	s3 =	sld [smem:$0x3FFE];
	_ =	sdelay $0x1  }
0x8a: {  	s1 =	srdreg.scid  }
0x8b: {  	s0 =	sand.u32 $0x1, s1  }
0x8c: {  	s17 =	sshll.u32 s0, $0xA;
	s2 =	sadd.s32 s3, s2  }
0x8d: {  	s2 =	sadd.s32 s2, s17  }
0x8e: {  	[smem:$0x3FC6] =	sst s2  }
0x8f: {  	_ = 	snop  }
0x90: {  	s2 =	sld [smem:$0x3FC8]  }
0x91: {  	s18 =	sld [smem:$0x3FD0];
	(tm) =	ssettm $0x1  }
0x92: {  	s4 =	sld [smem:$0x3FFB];
	_ =	sdelay $0x3  }
0x93: {  	_ =	strace s4  }
0x94: {  	s4 =	sld [smem:$0x3FFC];
	_ =	sdelay $0x3  }
0x95: {  	_ =	strace s4  }
0x96: {  	s4 =	sld [smem:$0x3FFD];
	_ =	sdelay $0x3  }
0x97: {  	_ =	strace s4  }
0x98: {  	_ =	strace $0x8FFFFFFF  }
0x99: {  	s19 =	sld [smem:$0x3FDB];
	_ =	sdelay $0x1  }
0x9a: {  	s5 =	simm.s32 $_scs_section_size  }
0x9b: {  	s6 =	simm.s32 $_size__tile_overlayer_lowered;
	s7 =	simm.s32 $_tile_overlayer_lowered  }
0x9c: {  	s22 =	simm.s32 $0x1BFF;
	s21 =	sshll.u32 s7, $0x1;
	s4 =	sadd.s32 s5, s19  }
0x9d: {  	s8 =	simm.s32 $0x0;
	s20 =	sshll.u32 s6, $0x1;
	s6 =	sadd.s32 s21, s4  }
0x9e: {  	[timem:s8], [sflag:s22] =	dma.local [hbm:s6], s20  }
0x9f: {  	_ =	swait.ge [sflag:s22], s20  }
0xa0: {  	s5 =	ssub.s32 $0x0, s20;
	[sflag:s22] =	ssyncset.done $0x0  }
0xa1: {  	[sflag:s22] =	ssyncadd.s32 s5;
	_ =	sdelay $0x1  }
0xa2: {  	s23 =	simm.s32 $0x1B8B  }
0xa3: {  	_ =	swait.ge [sflag:s23], $0x1  }
0xa4: {  	[sflag:s23] =	ssyncset.done $0x0  }
0xa5: {  	s25 =	simm.s32 $0x1B8E;
	s24 =	sld [smem:$0x3FFE];
	[sflag:s23] =	ssyncadd.s32 $0xFFFFFFFF  }
0xa6: {  	s26 =	simm.s32 $execute0_lowered;
	[smem:$0x3FD2] =	sst s25  }
0xa7: {  	s6 =	sshll.u32 s26, $0x1;
	_ =	strace $0x80000046;
	[dreg:$0x1] =	wrdreg $0xFFFFFFFF  }
0xa8: {  	s28 =	simm.s32 $_size_execute0_lowered;
	s4 =	sadd.s32 s4, s6;
	[dreg:$0x0] =	wrdreg $0x0  }
0xa9: {  	s6 =	sshll.u32 s28, $0x1;
	[dreg:$0x2] =	wrdreg s4  }
0xaa: {  	[dreg:$0x3] =	wrdreg s6  }
0xab: {  	[dreg:$0x4] =	wrdreg $0xC0  }
0xac: {  	_ =	task [dreg:s8], $0x5FFFF  }
0xad: {  	[dreg:$0x1] =	wrdreg $0xFFFFFFFF  }
0xae: {  	[dreg:$0x0] =	wrdreg $0x60  }
0xaf: {  	[dreg:$0x2] =	wrdreg s24  }
0xb0: {  	[dreg:$0x3] =	wrdreg s2  }
0xb1: {  	[dreg:$0x4] =	wrdreg s18  }
0xb2: {  	[dreg:$0x5] =	wrdreg $0x9  }
0xb3: {  	_ =	task.clear_ibuf [dreg:s8], $0x6FFFF;
	_ =	strace $0x90000046  }
0xb4: {  	s29 =	simm.s32 $0x9;
	_ =	strace $0x80000048  }
0xb5: {  	_ =	swait.ge [sflag:s29], $0x1  }
0xb6: {  	[sflag:s29] =	ssyncadd.s32 $0xFFFFFFFF  }
0xb7: {  	_ =	strace $0x90000048  }
0xb8: {  	_ =	sfence  }
0xb9: {  	s30 =	sld [smem:$0x0];
	_ =	sdelay $0x2  }
0xba: {  	s31 =	sshll.u32 s1, $0xD;
	s1 =	sshrl.u32 s1, $0x2  }
0xbb: {  	s3 =	sand.u32 $0x4000, s31;
	s1 =	sadd.s32 s1, s30  }
0xbc: {  	s0 =	sor.u32 s3, s0;
	s1 =	sshll.u32 s1, $0x11  }
0xbd: {  	s0 =	sor.u32 s1, s0  }
0xbe: {  	s0 =	sadd.s32 $0x8F2B, s0  }
0xbf: {  	[sflag:s0] =	ssyncadd.remote.s32 $0x1  }
0xc0: {  	_ =	sfence.sel $0xFFFF  }
0xc1: {  	[dreg:$0x0] =	wrdreg $0xFFFFFFFF;
	(pc) =	sbr.abs _section_cstart, $3  }
0xc2: {  	[dreg:$0x1] =	wrdreg $0xFFFFFFFF  }
0xc3: {  	_ =	task.clear_ibuf [dreg:s8], $0x2FFFF;
	_ =	strace $0x9FFFFFFF  }
0xc4: {  	(tm) =	ssettm $0x7FFFFFFF  }
0xc5: {  	_ =	shalt  }
tec
execute0_lowered:
.L_overlay_start_1:
0x0: {  	(tag) =	ssettag $0x1  }
0x1: {  	s0 =	rddreg [dreg:$0x0]  }
0x2: {  	s1 =	rddreg [dreg:$0x1]  }
0x3: {  	s2 =	rddreg [dreg:$0x2]  }
0x4: {  	s4 =	srdreg.scid;
	s5 =	stileid.u32  }
0x5: {  	s3 =	simm.s32 $0x0;
	s4 =	sand.u32 $0x1, s4;
	s5 =	sshll.u32 s5, $0x1  }
0x6: {  	s29 =	simm.s32 $0x80;
	s28 =	simm.s32 $0x12800;
	s7 =	sor.u32 s4, s5  }
0x7: {  	s31 =	simm.s32 $0x14800;
	s8 =	smul.u32 $0xC80, s7;
	s9 =	sshll.u32 s7, $0xC  }
0x8: {  	s30 =	simm.s32 $0x10;
	[smem:$0x7FF] =	sst s3;
	s10 =	sadd.s32 s2, s9  }
0x9: {  	_ =	strace $0x80000047;
	s1 =	sadd.s32 s1, s8;
	[dreg:$0x5] =	wrdreg s10  }
0xa: {  	s6 =	ssub.s32 $0x2, s4;
	s15 =	sadd.s32 $0x20000, s10;
	[dreg:$0x4] =	wrdreg s1  }
0xb: {  	s4 =	sadd.s32 $0xF42C00, s0;
	s16 =	sadd.s32 $0x20400, s10;
	[dreg:$0x8] =	wrdreg s15  }
0xc: {  	s26 =	sshrl.u32 s6, $0x1;
	s17 =	sadd.s32 $0x20800, s10;
	[dreg:$0x9] =	wrdreg s16  }
0xd: {  	s5 =	sshll.u32 s7, $0xF;
	s18 =	sadd.s32 $0x20C00, s10;
	[dreg:$0xa] =	wrdreg s17  }
0xe: {  	s6 =	ssub.s32 s6, s26;
	s19 =	sadd.s32 $0x600400, s10;
	[dreg:$0xb] =	wrdreg s18  }
0xf: {  	s7 =	sor.u32 $0x2000, s5;
	s20 =	sadd.s32 $0x600800, s10;
	[dreg:$0xd] =	wrdreg s19  }
0x10: {  	s9 =	sor.u32 $0x4000, s5;
	s21 =	sadd.s32 $0x600000, s10;
	[dreg:$0xe] =	wrdreg s20  }
0x11: {  	s11 =	sor.u32 $0x6000, s5;
	s22 =	sadd.s32 $0x600C00, s10;
	[dreg:$0xf] =	wrdreg s21  }
0x12: {  	s12 =	sshrl.u32 s7, $0x3;
	s23 =	sadd.s32 $0x620000, s10;
	[dreg:$0x10] =	wrdreg s22  }
0x13: {  	s13 =	sshrl.u32 s9, $0x3;
	s24 =	sadd.s32 $0x620400, s10;
	[dreg:$0x11] =	wrdreg s23  }
0x14: {  	s14 =	sshrl.u32 s11, $0x3;
	s25 =	sadd.s32 $0x620800, s10;
	[dreg:$0x12] =	wrdreg s24  }
0x15: {  	s0 =	smax.u32 s6, $0x1;
	s26 =	sadd.s32 $0x620C00, s10;
	[dreg:$0x13] =	wrdreg s25  }
0x16: {  	s8 =	simm.s32 $0x10800;
	s10 =	simm.s32 $0x8;
	[dreg:$0x14] =	wrdreg s0  }
0x17: {  	s6 =	simm.s32 $0x0;
	s1 =	sadd.s32 s2, s12;
	[dreg:$0x15] =	wrdreg s26  }
0x18: {  	s23 =	simm.s32 $0x6800;
	s25 =	simm.s32 $0xE800;
	s16 =	simm.s32 $0xD  }
0x19: {  	s22 =	simm.s32 $0xE;
	s26 =	simm.s32 $0xF;
	s21 =	simm.s32 $0x8800  }
0x1a: {  	v0 =	vlaneseq.u32;
	s19 =	simm.s32 $0xA800;
	[dreg:$0x6] =	wrdreg s1;
	s1 =	sadd.s32 s2, s13  }
0x1b: {  	v1 =	vand.u32 $0x3, v0;
	s24 =	simm.s32 $0xC800;
	[dreg:$0x7] =	wrdreg s1;
	s1 =	sadd.s32 s2, s14  }
0x1c: {  	v0 =	vmul.u32 $0x32, v0;
	v1 =	vmul.u32 $0x2, v1;
	s14 =	simm.s32 $0xC;
	[dreg:$0xc] =	wrdreg s1;
	s1 =	simm.s32 $0xB  }
.LBB2_1:
0x1d: {  	_ = 	snop  }
0x1e: {  	v2 =	vadd.s32 s3, v0  }
0x1f: {  	[dreg:$0x16] =	wrdreg s6;
	v2 =	vand.u32 $0xFFF8, v2  }
0x20: {  	s0 =	rddreg [dreg:$0x4];
	s15 =	simm.s32 $0x11;
	v2 =	vor.u32 v1, v2  }
0x21: {  	[tilespmem:s3], [sflag:$0x11] =	stream.linear.gather [hbm4b:s0+s3], $0x6400, $0x38;
	[tilespmem:$0x16800] =	vst v63  }
0x22: {  	_ =	swait.ge [sflag:s15], $0x6400  }
0x23: {  	s17 =	simm.s32 $0x320;
	[sflag:s15] =	ssyncset.done $0x0  }
0x24: {  	v3 =	vadd.s32 s17, v0;
	[sflag:s15] =	ssyncadd.s32 $0xFFFF9C00  }
0x25: {  	v3 =	vand.u32 $0xFFF8, v3;
	v2 =	vld.idx.msk [tilespmem:v2+s3+$0x0], $0xffff  }
0x26: {  	v4 =	vor.u32 v1, v3;
	_ =	sdelay $0x2  }
0x27: {  	s20 =	simm.s32 $0x6400  }
0x28: {  	s18 =	simm.s32 $0x640;
	[tilespmem:s20+$0x0] =	vst v2  }
0x29: {  	s6 =	simm.s32 $0x960;
	s0 =	simm.s32 $0x6400;
	v3 =	vadd.s32 s18, v0;
	v2 =	vld.idx.msk [tilespmem:v4+s3+$0x0], $0xffff  }
.LBB2_2:
0x2a: {  	p0 =	sne.s32 s6, $0x60E0;
	v3 =	vand.u32 $0xFFF8, v3  }
0x2b: {  	v4 =	vor.u32 v1, v3  }
.Ltmp0:
0x2c: {  	(pc) =	sbr.rel @p0 .LBB2_2-.Ltmp0, $4  }
0x2d: {  	_ = 	snop  }
0x2e: {  	s0 =	sadd.s32 $0x10, s0  }
0x2f: {  	[tilespmem:s0+$0x0] =	vst v2  }
0x30: {  	v3 =	vadd.s32 s6, v0;
	s6 =	sadd.s32 $0x320, s6;
	v2 =	vld.idx.msk [tilespmem:v4+s3+$0x0], $0xffff  }
0x31: {  	v3 =	vand.u32 $0xFFF8, v3  }
0x32: {  	v3 =	vor.u32 v1, v3;
	_ =	sdelay $0x2  }
0x33: {  	s0 =	sadd.s32 $0x10, s0  }
0x34: {  	[tilespmem:s0+$0x0] =	vst v2  }
0x35: {  	s6 =	simm.s32 $0x1;
	v2 =	vld.idx.msk [tilespmem:v3+s3+$0x0], $0xffff  }
0x36: {  	v3 =	vadd.s32 s6, v0;
	_ =	sdelay $0x2  }
0x37: {  	s0 =	sadd.s32 $0x10, s0  }
0x38: {  	[tilespmem:s0+$0x0] =	vst v2  }
0x39: {  	s18 =	simm.s32 $0x321;
	v2 =	vld.idx.msk [tilespmem:v3+s3+$0x0], $0xffff  }
0x3a: {  	v3 =	vadd.s32 s18, v0;
	_ =	sdelay $0x2  }
0x3b: {  	s0 =	simm.s32 $0x6600  }
0x3c: {  	[tilespmem:s0+$0x0] =	vst v2  }
0x3d: {  	s20 =	simm.s32 $0x641;
	v2 =	vld.idx.msk [tilespmem:v3+s3+$0x0], $0xffff  }
0x3e: {  	s6 =	simm.s32 $0x961;
	v3 =	vadd.s32 s20, v0  }
.LBB2_4:
0x3f: {  	p0 =	sne.s32 s6, $0x60E1;
	_ =	sdelay $0x1  }
.Ltmp1:
0x40: {  	s0 =	sadd.s32 $0x10, s0;
	(pc) =	sbr.rel @p0 .LBB2_4-.Ltmp1, $3  }
0x41: {  	[tilespmem:s0+$0x0] =	vst v2  }
0x42: {  	v2 =	vld.idx.msk [tilespmem:v3+s3+$0x0], $0xffff;
	_ =	sdelay $0x1  }
0x43: {  	v3 =	vadd.s32 s6, v0;
	s6 =	sadd.s32 $0x320, s6  }
0x44: {  	_ =	sdelay $0x1  }
0x45: {  	s0 =	sadd.s32 $0x10, s0  }
0x46: {  	[tilespmem:s0+$0x0] =	vst v2  }
0x47: {  	v2 =	vld.idx.msk [tilespmem:v3+s3+$0x0], $0xffff;
	_ =	sdelay $0x3  }
0x48: {  	s0 =	sadd.s32 $0x10, s0  }
0x49: {  	[tilespmem:s0+$0x0] =	vst v2;
	s0 =	simm.s32 $0x6400  }
0x4a: {  	[tilespmem:s23], [sflag:$0x1] =	stream.indirect.gather [hbm4b:s4+s29], $0x40, s0, s29, $0xb8;
	[tilespmem:$0x16800] =	vst v63  }
0x4b: {  	s6 =	simm.s32 $0x6480;
	s13 =	simm.s32 $0x8800  }
0x4c: {  	[tilespmem:s13], [sflag:$0x2] =	stream.indirect.gather [hbm4b:s4+s29], $0x40, s6, s29, $0xb8;
	[tilespmem:$0x16800] =	vst v63  }
0x4d: {  	s17 =	simm.s32 $0x6500;
	s15 =	simm.s32 $0xA800  }
0x4e: {  	[tilespmem:s15], [sflag:$0x3] =	stream.indirect.gather [hbm4b:s4+s29], $0x40, s17, s29, $0xb8;
	[tilespmem:$0x16800] =	vst v63  }
0x4f: {  	s18 =	simm.s32 $0x6580;
	s20 =	simm.s32 $0x1;
	s17 =	simm.s32 $0xC800  }
0x50: {  	[tilespmem:s17], [sflag:$0x4] =	stream.indirect.gather [hbm4b:s4+s29], $0x40, s18, s29, $0xb8;
	[tilespmem:$0x16800] =	vst v63  }
0x51: {  	_ =	swait.ge [sflag:s20], $0x2000  }
0x52: {  	[sflag:s20] =	ssyncset.done $0x0  }
0x53: {  	s12 =	rddreg [dreg:$0x5];
	[sflag:s20] =	ssyncadd.s32 $0xFFFFE000  }
0x54: {  	[hbm4b:s12+s3] =	stream.linear.scatter [tilespmem:s23], [sflag:$0x9], $0x2000, $0x38;
	[tilespmem:$0x16800] =	vst v63  }
0x55: {  	s6 =	simm.s32 $0x2;
	s18 =	simm.s32 $0x6600  }
0x56: {  	[tilespmem:s25], [sflag:$0x5] =	stream.indirect.gather [hbm4b:s4+s29], $0x40, s18, s29, $0xb8;
	[tilespmem:$0x16800] =	vst v63  }
0x57: {  	_ =	swait.ge [sflag:s6], $0x2000  }
0x58: {  	[sflag:s6] =	ssyncset.done $0x0  }
0x59: {  	s12 =	rddreg [dreg:$0x6];
	[sflag:s6] =	ssyncadd.s32 $0xFFFFE000  }
0x5a: {  	[hbm4b:s12+s3] =	stream.linear.scatter [tilespmem:s13], [sflag:$0xA], $0x2000, $0x38;
	[tilespmem:$0x16800] =	vst v63  }
0x5b: {  	s20 =	simm.s32 $0x6680;
	s13 =	simm.s32 $0x3  }
0x5c: {  	[tilespmem:s8], [sflag:$0x6] =	stream.indirect.gather [hbm4b:s4+s29], $0x40, s20, s29, $0xb8;
	[tilespmem:$0x16800] =	vst v63  }
0x5d: {  	_ =	swait.ge [sflag:s13], $0x2000  }
0x5e: {  	[sflag:s13] =	ssyncset.done $0x0  }
0x5f: {  	s18 =	rddreg [dreg:$0x7];
	[sflag:s13] =	ssyncadd.s32 $0xFFFFE000  }
0x60: {  	[hbm4b:s18+s3] =	stream.linear.scatter [tilespmem:s15], [sflag:$0xB], $0x2000, $0x38;
	[tilespmem:$0x16800] =	vst v63  }
0x61: {  	s20 =	simm.s32 $0x6700;
	s13 =	simm.s32 $0x4  }
0x62: {  	[tilespmem:s28], [sflag:$0x7] =	stream.indirect.gather [hbm4b:s4+s29], $0x40, s20, s29, $0xb8;
	[tilespmem:$0x16800] =	vst v63  }
0x63: {  	_ =	swait.ge [sflag:s13], $0x2000  }
0x64: {  	v2 =	vadd.s32 s6, v0;
	[sflag:s13] =	ssyncset.done $0x0  }
0x65: {  	s15 =	rddreg [dreg:$0xc];
	[sflag:s13] =	ssyncadd.s32 $0xFFFFE000  }
0x66: {  	[hbm4b:s15+s3] =	stream.linear.scatter [tilespmem:s17], [sflag:$0xC], $0x2000, $0x38;
	[tilespmem:$0x16800] =	vst v63  }
0x67: {  	s17 =	simm.s32 $0x6780  }
0x68: {  	[tilespmem:s31], [sflag:$0x8] =	stream.indirect.gather [hbm4b:s4+s29], $0x40, s17, s29, $0xb8;
	[tilespmem:$0x16800] =	vst v63  }
0x69: {  	s18 =	simm.s32 $0x322;
	v2 =	vld.idx.msk [tilespmem:v2+s3+$0x0], $0xffff  }
0x6a: {  	v3 =	vadd.s32 s18, v0;
	_ =	sdelay $0x3  }
0x6b: {  	[tilespmem:s0+$0x0] =	vst v2  }
0x6c: {  	s20 =	simm.s32 $0x642;
	v2 =	vld.idx.msk [tilespmem:v3+s3+$0x0], $0xffff  }
0x6d: {  	s6 =	simm.s32 $0x962;
	v3 =	vadd.s32 s20, v0  }
.LBB2_6:
0x6e: {  	p0 =	sne.s32 s6, $0x60E2;
	_ =	sdelay $0x1  }
.Ltmp2:
0x6f: {  	s0 =	sadd.s32 $0x10, s0;
	(pc) =	sbr.rel @p0 .LBB2_6-.Ltmp2, $3  }
0x70: {  	[tilespmem:s0+$0x0] =	vst v2  }
0x71: {  	v2 =	vld.idx.msk [tilespmem:v3+s3+$0x0], $0xffff;
	_ =	sdelay $0x1  }
0x72: {  	v3 =	vadd.s32 s6, v0;
	s6 =	sadd.s32 $0x320, s6  }
0x73: {  	_ =	sdelay $0x1  }
0x74: {  	s0 =	sadd.s32 $0x10, s0  }
0x75: {  	[tilespmem:s0+$0x0] =	vst v2  }
0x76: {  	v2 =	vld.idx.msk [tilespmem:v3+s3+$0x0], $0xffff;
	_ =	sdelay $0x3  }
0x77: {  	s0 =	sadd.s32 $0x10, s0  }
0x78: {  	s20 =	simm.s32 $0x5;
	[tilespmem:s0+$0x0] =	vst v2  }
0x79: {  	_ =	swait.ge [sflag:s20], $0x2000  }
0x7a: {  	[sflag:s20] =	ssyncset.done $0x0  }
0x7b: {  	s12 =	simm.s32 $0x9;
	s6 =	rddreg [dreg:$0x8];
	[sflag:s20] =	ssyncadd.s32 $0xFFFFE000  }
0x7c: {  	[hbm4b:s6+s3] =	stream.linear.scatter [tilespmem:s25], [sflag:$0xD], $0x2000, $0x38;
	[tilespmem:$0x16800] =	vst v63  }
0x7d: {  	_ =	swait.ge [sflag:s12], $0x2000  }
0x7e: {  	[sflag:s12] =	ssyncset.done $0x0  }
0x7f: {  	s13 =	simm.s32 $0x6400;
	s15 =	simm.s32 $0x6;
	[sflag:s12] =	ssyncadd.s32 $0xFFFFE000  }
0x80: {  	[tilespmem:s23], [sflag:$0x1] =	stream.indirect.gather [hbm4b:s4+s29], $0x40, s13, s29, $0xb8;
	[tilespmem:$0x16800] =	vst v63  }
0x81: {  	_ =	swait.ge [sflag:s15], $0x2000  }
0x82: {  	[sflag:s15] =	ssyncset.done $0x0  }
0x83: {  	s18 =	simm.s32 $0xA;
	s17 =	rddreg [dreg:$0x9];
	[sflag:s15] =	ssyncadd.s32 $0xFFFFE000  }
0x84: {  	[hbm4b:s17+s3] =	stream.linear.scatter [tilespmem:s8], [sflag:$0xE], $0x2000, $0x38;
	[tilespmem:$0x16800] =	vst v63  }
0x85: {  	_ =	swait.ge [sflag:s18], $0x2000  }
0x86: {  	[sflag:s18] =	ssyncset.done $0x0  }
0x87: {  	s20 =	simm.s32 $0x6480;
	s6 =	simm.s32 $0x7;
	[sflag:s18] =	ssyncadd.s32 $0xFFFFE000  }
0x88: {  	[tilespmem:s21], [sflag:$0x2] =	stream.indirect.gather [hbm4b:s4+s29], $0x40, s20, s29, $0xb8;
	[tilespmem:$0x16800] =	vst v63  }
0x89: {  	_ =	swait.ge [sflag:s6], $0x2000  }
0x8a: {  	[sflag:s6] =	ssyncset.done $0x0  }
0x8b: {  	s12 =	rddreg [dreg:$0xa];
	[sflag:s6] =	ssyncadd.s32 $0xFFFFE000  }
0x8c: {  	[hbm4b:s12+s3] =	stream.linear.scatter [tilespmem:s28], [sflag:$0xF], $0x2000, $0x38;
	[tilespmem:$0x16800] =	vst v63  }
0x8d: {  	_ =	swait.ge [sflag:s1], $0x2000  }
0x8e: {  	[sflag:s1] =	ssyncset.done $0x0  }
0x8f: {  	s13 =	simm.s32 $0x6500;
	[sflag:s1] =	ssyncadd.s32 $0xFFFFE000  }
0x90: {  	[tilespmem:s19], [sflag:$0x3] =	stream.indirect.gather [hbm4b:s4+s29], $0x40, s13, s29, $0xb8;
	[tilespmem:$0x16800] =	vst v63  }
0x91: {  	_ =	swait.ge [sflag:s10], $0x2000  }
0x92: {  	[sflag:s10] =	ssyncset.done $0x0  }
0x93: {  	s15 =	simm.s32 $0x3;
	s6 =	rddreg [dreg:$0xb];
	[sflag:s10] =	ssyncadd.s32 $0xFFFFE000  }
0x94: {  	v2 =	vadd.s32 s15, v0;
	[hbm4b:s6+s3] =	stream.linear.scatter [tilespmem:s31], [sflag:$0x10], $0x2000, $0x38;
	[tilespmem:$0x16800] =	vst v63  }
0x95: {  	_ =	swait.ge [sflag:s14], $0x2000  }
0x96: {  	[sflag:s14] =	ssyncset.done $0x0  }
0x97: {  	s17 =	simm.s32 $0x6580;
	[sflag:s14] =	ssyncadd.s32 $0xFFFFE000  }
0x98: {  	[tilespmem:s24], [sflag:$0x4] =	stream.indirect.gather [hbm4b:s4+s29], $0x40, s17, s29, $0xb8;
	[tilespmem:$0x16800] =	vst v63  }
0x99: {  	s18 =	simm.s32 $0x323;
	v2 =	vld.idx.msk [tilespmem:v2+s3+$0x0], $0xffff  }
0x9a: {  	v3 =	vadd.s32 s18, v0;
	_ =	sdelay $0x2  }
0x9b: {  	s0 =	simm.s32 $0x6600  }
0x9c: {  	[tilespmem:s0+$0x0] =	vst v2  }
0x9d: {  	s20 =	simm.s32 $0x643;
	v2 =	vld.idx.msk [tilespmem:v3+s3+$0x0], $0xffff  }
0x9e: {  	s6 =	simm.s32 $0x963;
	v3 =	vadd.s32 s20, v0  }
.LBB2_8:
0x9f: {  	p0 =	sne.s32 s6, $0x60E3;
	_ =	sdelay $0x1  }
.Ltmp3:
0xa0: {  	s0 =	sadd.s32 $0x10, s0;
	(pc) =	sbr.rel @p0 .LBB2_8-.Ltmp3, $3  }
0xa1: {  	[tilespmem:s0+$0x0] =	vst v2  }
0xa2: {  	v2 =	vld.idx.msk [tilespmem:v3+s3+$0x0], $0xffff;
	_ =	sdelay $0x1  }
0xa3: {  	v3 =	vadd.s32 s6, v0;
	s6 =	sadd.s32 $0x320, s6  }
0xa4: {  	_ =	sdelay $0x1  }
0xa5: {  	s0 =	sadd.s32 $0x10, s0  }
0xa6: {  	[tilespmem:s0+$0x0] =	vst v2  }
0xa7: {  	v2 =	vld.idx.msk [tilespmem:v3+s3+$0x0], $0xffff;
	_ =	sdelay $0x3  }
0xa8: {  	s0 =	sadd.s32 $0x10, s0  }
0xa9: {  	s6 =	simm.s32 $0x4;
	s12 =	simm.s32 $0x5;
	[tilespmem:s0+$0x0] =	vst v2;
	s0 =	simm.s32 $0x1  }
.LBB2_10:
0xaa: {  	s15 =	sshll.u32 s0, $0x15;
	s17 =	simm.s32 $0x1  }
0xab: {  	_ =	swait.ge [sflag:s17], $0x2000;
	s13 =	sor.u32 s5, s15  }
0xac: {  	[sflag:s17] =	ssyncset.done $0x0;
	s13 =	sshrl.u32 s13, $0x3  }
0xad: {  	[sflag:s17] =	ssyncadd.s32 $0xFFFFE000;
	s13 =	sadd.s32 s2, s13;
	s17 =	simm.s32 $0x0  }
0xae: {  	[hbm4b:s13+s17] =	stream.linear.scatter [tilespmem:s23], [sflag:$0x9], $0x2000, $0x38;
	[tilespmem:$0x16800] =	vst v63  }
0xaf: {  	_ =	swait.ge [sflag:s16], $0x2000  }
0xb0: {  	[sflag:s16] =	ssyncset.done $0x0  }
0xb1: {  	s20 =	simm.s32 $0x6600;
	s18 =	simm.s32 $0x2;
	[sflag:s16] =	ssyncadd.s32 $0xFFFFE000  }
0xb2: {  	[tilespmem:s25], [sflag:$0x5] =	stream.indirect.gather [hbm4b:s4+s29], $0x40, s20, s29, $0xb8;
	[tilespmem:$0x16800] =	vst v63  }
0xb3: {  	s23 =	sor.u32 s7, s15;
	_ =	swait.ge [sflag:s18], $0x2000  }
0xb4: {  	s13 =	sshrl.u32 s23, $0x3;
	[sflag:s18] =	ssyncset.done $0x0  }
0xb5: {  	s13 =	sadd.s32 s2, s13;
	[sflag:s18] =	ssyncadd.s32 $0xFFFFE000  }
0xb6: {  	[hbm4b:s13+s17] =	stream.linear.scatter [tilespmem:s21], [sflag:$0xA], $0x2000, $0x38;
	[tilespmem:$0x16800] =	vst v63  }
0xb7: {  	_ =	swait.ge [sflag:s22], $0x2000  }
0xb8: {  	[sflag:s22] =	ssyncset.done $0x0  }
0xb9: {  	s20 =	simm.s32 $0x3;
	s18 =	simm.s32 $0x6680;
	[sflag:s22] =	ssyncadd.s32 $0xFFFFE000  }
0xba: {  	[tilespmem:s8], [sflag:$0x6] =	stream.indirect.gather [hbm4b:s4+s29], $0x40, s18, s29, $0xb8;
	[tilespmem:$0x16800] =	vst v63  }
0xbb: {  	s23 =	sor.u32 s9, s15;
	_ =	swait.ge [sflag:s20], $0x2000  }
0xbc: {  	s13 =	sshrl.u32 s23, $0x3;
	[sflag:s20] =	ssyncset.done $0x0  }
0xbd: {  	s13 =	sadd.s32 s2, s13;
	[sflag:s20] =	ssyncadd.s32 $0xFFFFE000  }
0xbe: {  	[hbm4b:s13+s17] =	stream.linear.scatter [tilespmem:s19], [sflag:$0xB], $0x2000, $0x38;
	[tilespmem:$0x16800] =	vst v63  }
0xbf: {  	_ =	swait.ge [sflag:s26], $0x2000  }
0xc0: {  	[sflag:s26] =	ssyncset.done $0x0  }
0xc1: {  	s23 =	simm.s32 $0x4;
	s20 =	simm.s32 $0x6700;
	[sflag:s26] =	ssyncadd.s32 $0xFFFFE000  }
0xc2: {  	[tilespmem:s28], [sflag:$0x7] =	stream.indirect.gather [hbm4b:s4+s29], $0x40, s20, s29, $0xb8;
	[tilespmem:$0x16800] =	vst v63  }
0xc3: {  	s20 =	sor.u32 s11, s15;
	_ =	swait.ge [sflag:s23], $0x2000  }
0xc4: {  	s13 =	sshrl.u32 s20, $0x3;
	[sflag:s23] =	ssyncset.done $0x0  }
0xc5: {  	s13 =	sadd.s32 s2, s13;
	[sflag:s23] =	ssyncadd.s32 $0xFFFFE000  }
0xc6: {  	v2 =	vadd.s32 s6, v0;
	[hbm4b:s13+s17] =	stream.linear.scatter [tilespmem:s24], [sflag:$0xC], $0x2000, $0x38;
	[tilespmem:$0x16800] =	vst v63  }
0xc7: {  	_ =	swait.ge [sflag:s30], $0x2000  }
0xc8: {  	[sflag:s30] =	ssyncset.done $0x0  }
0xc9: {  	s23 =	simm.s32 $0x6780;
	[sflag:s30] =	ssyncadd.s32 $0xFFFFE000  }
0xca: {  	[tilespmem:s31], [sflag:$0x8] =	stream.indirect.gather [hbm4b:s4+s29], $0x40, s23, s29, $0xb8;
	[tilespmem:$0x16800] =	vst v63  }
0xcb: {  	s23 =	sadd.s32 $0x320, s6;
	v2 =	vld.idx.msk [tilespmem:v2+s3+$0x0], $0xffff  }
0xcc: {  	s20 =	simm.s32 $0x40;
	s13 =	simm.s32 $0x80;
	v3 =	vadd.s32 s23, v0  }
.LBB2_11:
0xcd: {  	p0 =	sne.s32 s13, $0x7C0;
	_ =	sdelay $0x1  }
.Ltmp4:
0xce: {  	s18 =	sshra.s32 s17, $0x2;
	s17 =	smov.u32 s20;
	(pc) =	sbr.rel @p0 .LBB2_11-.Ltmp4, $4  }
0xcf: {  	s20 =	smov.u32 s13;
	[tilespmem:s18+$0x6400] =	vst v2  }
0xd0: {  	v2 =	vld.idx.msk [tilespmem:v3+s3+$0x0], $0xffff  }
0xd1: {  	s23 =	sadd.s32 $0x320, s23  }
0xd2: {  	s13 =	sadd.s32 $0x40, s13;
	v3 =	vadd.s32 s23, v0  }
0xd3: {  	_ =	sdelay $0x1  }
0xd4: {  	s13 =	sshra.s32 s17, $0x2  }
0xd5: {  	[tilespmem:s13+$0x6400] =	vst v2  }
0xd6: {  	v2 =	vld.idx.msk [tilespmem:v3+s3+$0x0], $0xffff;
	_ =	sdelay $0x3  }
0xd7: {  	s17 =	sshra.s32 s20, $0x2  }
0xd8: {  	s18 =	simm.s32 $0x5;
	s13 =	sor.u32 $0x100000, s15;
	[tilespmem:s17+$0x6400] =	vst v2  }
0xd9: {  	s15 =	sor.u32 s5, s13;
	_ =	swait.ge [sflag:s18], $0x2000  }
0xda: {  	s23 =	simm.s32 $0x9;
	s15 =	sshrl.u32 s15, $0x3;
	[sflag:s18] =	ssyncset.done $0x0  }
0xdb: {  	s20 =	sadd.s32 s2, s15;
	s15 =	simm.s32 $0x0;
	[sflag:s18] =	ssyncadd.s32 $0xFFFFE000  }
0xdc: {  	[hbm4b:s20+s15] =	stream.linear.scatter [tilespmem:s25], [sflag:$0xD], $0x2000, $0x38;
	[tilespmem:$0x16800] =	vst v63  }
0xdd: {  	_ =	swait.ge [sflag:s23], $0x2000  }
0xde: {  	[sflag:s23] =	ssyncset.done $0x0  }
0xdf: {  	s18 =	simm.s32 $0x6400;
	[sflag:s23] =	ssyncadd.s32 $0xFFFFE000;
	s23 =	simm.s32 $0x6800  }
0xe0: {  	[tilespmem:s23], [sflag:$0x1] =	stream.indirect.gather [hbm4b:s4+s29], $0x40, s18, s29, $0xb8;
	[tilespmem:$0x16800] =	vst v63  }
0xe1: {  	s18 =	simm.s32 $0x6  }
0xe2: {  	s20 =	sor.u32 s7, s13;
	_ =	swait.ge [sflag:s18], $0x2000  }
0xe3: {  	s17 =	sshrl.u32 s20, $0x3;
	[sflag:s18] =	ssyncset.done $0x0  }
0xe4: {  	s20 =	simm.s32 $0xA;
	s17 =	sadd.s32 s2, s17;
	[sflag:s18] =	ssyncadd.s32 $0xFFFFE000  }
0xe5: {  	[hbm4b:s17+s15] =	stream.linear.scatter [tilespmem:s8], [sflag:$0xE], $0x2000, $0x38;
	[tilespmem:$0x16800] =	vst v63  }
0xe6: {  	_ =	swait.ge [sflag:s20], $0x2000  }
0xe7: {  	[sflag:s20] =	ssyncset.done $0x0  }
0xe8: {  	s18 =	simm.s32 $0x6480;
	[sflag:s20] =	ssyncadd.s32 $0xFFFFE000  }
0xe9: {  	[tilespmem:s21], [sflag:$0x2] =	stream.indirect.gather [hbm4b:s4+s29], $0x40, s18, s29, $0xb8;
	[tilespmem:$0x16800] =	vst v63  }
0xea: {  	s18 =	simm.s32 $0x7  }
0xeb: {  	s20 =	sor.u32 s9, s13;
	_ =	swait.ge [sflag:s18], $0x2000  }
0xec: {  	s17 =	sshrl.u32 s20, $0x3;
	[sflag:s18] =	ssyncset.done $0x0  }
0xed: {  	s17 =	sadd.s32 s2, s17;
	[sflag:s18] =	ssyncadd.s32 $0xFFFFE000  }
0xee: {  	[hbm4b:s17+s15] =	stream.linear.scatter [tilespmem:s28], [sflag:$0xF], $0x2000, $0x38;
	[tilespmem:$0x16800] =	vst v63  }
0xef: {  	_ =	swait.ge [sflag:s1], $0x2000  }
0xf0: {  	[sflag:s1] =	ssyncset.done $0x0  }
0xf1: {  	s18 =	simm.s32 $0x6500;
	[sflag:s1] =	ssyncadd.s32 $0xFFFFE000  }
0xf2: {  	[tilespmem:s19], [sflag:$0x3] =	stream.indirect.gather [hbm4b:s4+s29], $0x40, s18, s29, $0xb8;
	[tilespmem:$0x16800] =	vst v63  }
0xf3: {  	s13 =	sor.u32 s11, s13;
	_ =	swait.ge [sflag:s10], $0x2000  }
0xf4: {  	s13 =	sshrl.u32 s13, $0x3;
	[sflag:s10] =	ssyncset.done $0x0  }
0xf5: {  	s13 =	sadd.s32 s2, s13;
	[sflag:s10] =	ssyncadd.s32 $0xFFFFE000  }
0xf6: {  	v2 =	vadd.s32 s12, v0;
	[hbm4b:s13+s15] =	stream.linear.scatter [tilespmem:s31], [sflag:$0x10], $0x2000, $0x38;
	[tilespmem:$0x16800] =	vst v63  }
0xf7: {  	_ =	swait.ge [sflag:s14], $0x2000  }
0xf8: {  	[sflag:s14] =	ssyncset.done $0x0  }
0xf9: {  	s20 =	simm.s32 $0x6580;
	[sflag:s14] =	ssyncadd.s32 $0xFFFFE000  }
0xfa: {  	[tilespmem:s24], [sflag:$0x4] =	stream.indirect.gather [hbm4b:s4+s29], $0x40, s20, s29, $0xb8;
	[tilespmem:$0x16800] =	vst v63  }
0xfb: {  	s20 =	sadd.s32 $0x320, s12;
	v2 =	vld.idx.msk [tilespmem:v2+s3+$0x0], $0xffff  }
0xfc: {  	s17 =	simm.s32 $0x40;
	s13 =	simm.s32 $0x80;
	v3 =	vadd.s32 s20, v0  }
.LBB2_13:
0xfd: {  	p0 =	sne.s32 s13, $0x7C0;
	_ =	sdelay $0x1  }
.Ltmp5:
0xfe: {  	s18 =	sshra.s32 s15, $0x2;
	s15 =	smov.u32 s17;
	(pc) =	sbr.rel @p0 .LBB2_13-.Ltmp5, $4  }
0xff: {  	s17 =	smov.u32 s13;
	[tilespmem:s18+$0x6600] =	vst v2  }
0x100: {  	v2 =	vld.idx.msk [tilespmem:v3+s3+$0x0], $0xffff  }
0x101: {  	s20 =	sadd.s32 $0x320, s20  }
0x102: {  	s13 =	sadd.s32 $0x40, s13;
	v3 =	vadd.s32 s20, v0  }
0x103: {  	_ =	sdelay $0x1  }
0x104: {  	s13 =	sshra.s32 s15, $0x2  }
0x105: {  	s0 =	sadd.s32 $0x1, s0;
	[tilespmem:s13+$0x6600] =	vst v2  }
0x106: {  	p0 =	sne.s32 s0, $0x18;
	v2 =	vld.idx.msk [tilespmem:v3+s3+$0x0], $0xffff  }
.Ltmp6:
0x107: {  	_ = 	snop;
	(pc) =	sbr.rel @p0 .LBB2_10-.Ltmp6, $3  }
0x108: {  	_ =	sdelay $0x1  }
0x109: {  	s20 =	sshra.s32 s17, $0x2  }
0x10a: {  	s6 =	sadd.s32 $0x2, s6;
	s12 =	sadd.s32 $0x2, s12;
	[tilespmem:s20+$0x6600] =	vst v2  }
0x10b: {  	s0 =	simm.s32 $0x1  }
0x10c: {  	_ =	swait.ge [sflag:s0], $0x2000  }
0x10d: {  	[sflag:s0] =	ssyncset.done $0x0  }
0x10e: {  	s17 =	rddreg [dreg:$0xf];
	[sflag:s0] =	ssyncadd.s32 $0xFFFFE000  }
0x10f: {  	[hbm4b:s17+s3] =	stream.linear.scatter [tilespmem:s23], [sflag:$0x9], $0x2000, $0x38;
	[tilespmem:$0x16800] =	vst v63  }
0x110: {  	_ =	swait.ge [sflag:s16], $0x2000  }
0x111: {  	s18 =	simm.s32 $0x6600;
	[sflag:s16] =	ssyncset.done $0x0  }
0x112: {  	s6 =	simm.s32 $0xE800;
	s20 =	simm.s32 $0x2;
	[sflag:s16] =	ssyncadd.s32 $0xFFFFE000  }
0x113: {  	[tilespmem:s6], [sflag:$0x5] =	stream.indirect.gather [hbm4b:s4+s29], $0x40, s18, s29, $0xb8;
	[tilespmem:$0x16800] =	vst v63  }
0x114: {  	_ =	swait.ge [sflag:s20], $0x2000  }
0x115: {  	[sflag:s20] =	ssyncset.done $0x0  }
0x116: {  	s25 =	rddreg [dreg:$0xd];
	[sflag:s20] =	ssyncadd.s32 $0xFFFFE000  }
0x117: {  	[hbm4b:s25+s3] =	stream.linear.scatter [tilespmem:s21], [sflag:$0xA], $0x2000, $0x38;
	[tilespmem:$0x16800] =	vst v63  }
0x118: {  	_ =	swait.ge [sflag:s22], $0x2000  }
0x119: {  	s8 =	simm.s32 $0x6680;
	[sflag:s22] =	ssyncset.done $0x0  }
0x11a: {  	s12 =	simm.s32 $0x10800;
	s13 =	simm.s32 $0x3;
	[sflag:s22] =	ssyncadd.s32 $0xFFFFE000  }
0x11b: {  	[tilespmem:s12], [sflag:$0x6] =	stream.indirect.gather [hbm4b:s4+s29], $0x40, s8, s29, $0xb8;
	[tilespmem:$0x16800] =	vst v63  }
0x11c: {  	_ =	swait.ge [sflag:s13], $0x2000  }
0x11d: {  	[sflag:s13] =	ssyncset.done $0x0  }
0x11e: {  	s15 =	rddreg [dreg:$0xe];
	[sflag:s13] =	ssyncadd.s32 $0xFFFFE000  }
0x11f: {  	[hbm4b:s15+s3] =	stream.linear.scatter [tilespmem:s19], [sflag:$0xB], $0x2000, $0x38;
	[tilespmem:$0x16800] =	vst v63  }
0x120: {  	_ =	swait.ge [sflag:s26], $0x2000  }
0x121: {  	s17 =	simm.s32 $0x6700;
	[sflag:s26] =	ssyncset.done $0x0  }
0x122: {  	s18 =	simm.s32 $0x4;
	s13 =	simm.s32 $0x12800;
	[sflag:s26] =	ssyncadd.s32 $0xFFFFE000  }
0x123: {  	[tilespmem:s13], [sflag:$0x7] =	stream.indirect.gather [hbm4b:s4+s29], $0x40, s17, s29, $0xb8;
	[tilespmem:$0x16800] =	vst v63  }
0x124: {  	_ =	swait.ge [sflag:s18], $0x2000  }
0x125: {  	[sflag:s18] =	ssyncset.done $0x0  }
0x126: {  	s20 =	rddreg [dreg:$0x10];
	[sflag:s18] =	ssyncadd.s32 $0xFFFFE000  }
0x127: {  	[hbm4b:s20+s3] =	stream.linear.scatter [tilespmem:s24], [sflag:$0xC], $0x2000, $0x38;
	[tilespmem:$0x16800] =	vst v63  }
0x128: {  	_ =	swait.ge [sflag:s30], $0x2000  }
0x129: {  	s25 =	simm.s32 $0x6780;
	[sflag:s30] =	ssyncset.done $0x0  }
0x12a: {  	s8 =	simm.s32 $0x5;
	s15 =	simm.s32 $0x14800;
	[sflag:s30] =	ssyncadd.s32 $0xFFFFE000  }
0x12b: {  	[tilespmem:s15], [sflag:$0x8] =	stream.indirect.gather [hbm4b:s4+s29], $0x40, s25, s29, $0xb8;
	[tilespmem:$0x16800] =	vst v63  }
0x12c: {  	_ =	swait.ge [sflag:s8], $0x2000  }
0x12d: {  	[sflag:s8] =	ssyncset.done $0x0  }
0x12e: {  	s18 =	simm.s32 $0x6;
	s17 =	rddreg [dreg:$0x11];
	[sflag:s8] =	ssyncadd.s32 $0xFFFFE000  }
0x12f: {  	[hbm4b:s17+s3] =	stream.linear.scatter [tilespmem:s6], [sflag:$0xD], $0x2000, $0x38;
	[tilespmem:$0x16800] =	vst v63  }
0x130: {  	_ =	swait.ge [sflag:s18], $0x2000  }
0x131: {  	[sflag:s18] =	ssyncset.done $0x0  }
0x132: {  	s6 =	simm.s32 $0x7;
	s20 =	rddreg [dreg:$0x12];
	[sflag:s18] =	ssyncadd.s32 $0xFFFFE000  }
0x133: {  	[hbm4b:s20+s3] =	stream.linear.scatter [tilespmem:s12], [sflag:$0xE], $0x2000, $0x38;
	[tilespmem:$0x16800] =	vst v63  }
0x134: {  	_ =	swait.ge [sflag:s6], $0x2000  }
0x135: {  	[sflag:s6] =	ssyncset.done $0x0  }
0x136: {  	s12 =	rddreg [dreg:$0x13];
	[sflag:s6] =	ssyncadd.s32 $0xFFFFE000  }
0x137: {  	[hbm4b:s12+s3] =	stream.linear.scatter [tilespmem:s13], [sflag:$0xF], $0x2000, $0x38;
	[tilespmem:$0x16800] =	vst v63  }
0x138: {  	_ =	swait.ge [sflag:s10], $0x2000  }
0x139: {  	[sflag:s10] =	ssyncset.done $0x0  }
0x13a: {  	s13 =	rddreg [dreg:$0x15];
	[sflag:s10] =	ssyncadd.s32 $0xFFFFE000  }
0x13b: {  	[hbm4b:s13+s3] =	stream.linear.scatter [tilespmem:s15], [sflag:$0x10], $0x2000, $0x38;
	[tilespmem:$0x16800] =	vst v63  }
0x13c: {  	s15 =	simm.s32 $0x9  }
0x13d: {  	_ =	swait.ge [sflag:s15], $0x2000  }
0x13e: {  	[sflag:s15] =	ssyncset.done $0x0  }
0x13f: {  	[sflag:s15] =	ssyncadd.s32 $0xFFFFE000  }
0x140: {  	_ =	swait.ge [sflag:s16], $0x2000  }
0x141: {  	[sflag:s16] =	ssyncset.done $0x0  }
0x142: {  	s17 =	simm.s32 $0xA;
	[sflag:s16] =	ssyncadd.s32 $0xFFFFE000  }
0x143: {  	_ =	swait.ge [sflag:s17], $0x2000  }
0x144: {  	[sflag:s17] =	ssyncset.done $0x0  }
0x145: {  	[sflag:s17] =	ssyncadd.s32 $0xFFFFE000  }
0x146: {  	_ =	swait.ge [sflag:s22], $0x2000  }
0x147: {  	[sflag:s22] =	ssyncset.done $0x0  }
0x148: {  	[sflag:s22] =	ssyncadd.s32 $0xFFFFE000  }
0x149: {  	_ =	swait.ge [sflag:s1], $0x2000  }
0x14a: {  	[sflag:s1] =	ssyncset.done $0x0  }
0x14b: {  	[sflag:s1] =	ssyncadd.s32 $0xFFFFE000  }
0x14c: {  	_ =	swait.ge [sflag:s26], $0x2000  }
0x14d: {  	[sflag:s26] =	ssyncset.done $0x0  }
0x14e: {  	[sflag:s26] =	ssyncadd.s32 $0xFFFFE000  }
0x14f: {  	_ =	swait.ge [sflag:s14], $0x2000  }
0x150: {  	[sflag:s14] =	ssyncset.done $0x0  }
0x151: {  	[sflag:s14] =	ssyncadd.s32 $0xFFFFE000  }
0x152: {  	_ =	swait.ge [sflag:s30], $0x2000  }
0x153: {  	s18 =	rddreg [dreg:$0x16]  }
0x154: {  	s20 =	rddreg [dreg:$0x14];
	s6 =	sadd.s32 $0x1, s18  }
0x155: {  	p0 =	sne.s32 s6, s20  }
.Ltmp7:
0x156: {  	_ = 	snop;
	(pc) =	sbr.rel @p0 .LBB2_1-.Ltmp7, $3  }
0x157: {  	_ =	sdelay $0x1  }
0x158: {  	s28 =	simm.s32 $0x12800;
	s31 =	simm.s32 $0x14800;
	[sflag:s30] =	ssyncset.done $0x0  }
0x159: {  	s25 =	simm.s32 $0xE800;
	s8 =	simm.s32 $0x10800;
	[sflag:s30] =	ssyncadd.s32 $0xFFFFE000  }
0x15a: {  	_ =	sfence.sel $0x180000  }
0x15b: {  	[bflag:$0x0] =	sbarrier.arrive $0xFFFF  }
0x15c: {  	_ =	strace $0x90000047  }
0x15d: {  	s0 =	stileid.u32;
	[bflag:$0x2] =	sbarrier.arrive $0xFFFF  }
0x15e: {  	p0 =	sne.s32 s0, $0x0;
	s0 =	rddreg [dreg:$0x3]  }
0x15f: {  	s0 =	sadd.s32 @!p0 $0x100000, s0  }
0x160: {  	[sflag:s0] =	ssyncadd.tile.s32 @!p0 $0x1;
	_ =	shalt  }
.Lfunc_end2:
_tile_overlayer_lowered:
.L_overlay_start_2:
0x161: {  	(tag) =	ssettag $0x2  }
0x162: {  	s0 =	rddreg [dreg:$0x0];
	s2 =	stileid.u32  }
0x163: {  	s1 =	rddreg [dreg:$0x1];
	p0 =	sne.s32 s2, $0x0  }
0x164: {  	s3 =	rddreg [dreg:$0x2];
	[bflag:$0x3] =	sbarrier.arrive $0xFFFF;
	s2 =	simm.s32 @!p0 $0x1C11  }
0x165: {  	[timem:s3], [sflag:s2] =	dma.local @!p0 [hbm:s0], s1  }
0x166: {  	s0 =	simm.s32 @!p0 $0x11  }
0x167: {  	_ =	swait.ge @!p0 [sflag:s0], s1  }
0x168: {  	s1 =	ssub.s32 @!p0 $0x0, s1;
	[sflag:s0] =	ssyncset.done @!p0 $0x0  }
0x169: {  	[sflag:s0] =	ssyncadd.s32 @!p0 s1  }
0x16a: {  	[bflag:$0x3] =	sbarrier.arrive $0xFFFF  }
0x16b: {  	_ =	shalt  }

// kernel: sparse-core-data-format-call.cloned.1.call-start
scs
called_computation_lowered:
.L_overlay_start_0:
0x0: {  	s2 =	sld [smem:$0x3FD9]  }
0x1: {  	s3 =	sld [smem:$0x3FFE];
	_ =	sdelay $0x1  }
0x2: {  	s1 =	srdreg.scid  }
0x3: {  	s0 =	sand.u32 $0x1, s1  }
0x4: {  	s18 =	sshll.u32 s0, $0xA;
	s2 =	sadd.s32 s3, s2  }
0x5: {  	s2 =	sadd.s32 s2, s18  }
0x6: {  	[smem:$0x3FC6] =	sst s2  }
0x7: {  	_ = 	snop  }
0x8: {  	s2 =	sld [smem:$0x3FD0];
	(tm) =	ssettm $0x1  }
0x9: {  	s19 =	sld [smem:$0x3FFB];
	_ =	sdelay $0x3  }
0xa: {  	_ =	strace s19  }
0xb: {  	s3 =	sld [smem:$0x3FFC];
	_ =	sdelay $0x3  }
0xc: {  	_ =	strace s3  }
0xd: {  	s3 =	sld [smem:$0x3FFD];
	_ =	sdelay $0x3  }
0xe: {  	_ =	strace s3  }
0xf: {  	_ =	strace $0x8FFFFFFF  }
0x10: {  	s20 =	sld [smem:$0x3FDB];
	_ =	sdelay $0x1  }
0x11: {  	s4 =	simm.s32 $_scs_section_size  }
0x12: {  	s5 =	simm.s32 $_size__tile_overlayer_lowered;
	s6 =	simm.s32 $_tile_overlayer_lowered  }
0x13: {  	s23 =	simm.s32 $0x1BFF;
	s22 =	sshll.u32 s6, $0x1;
	s3 =	sadd.s32 s4, s20  }
0x14: {  	s7 =	simm.s32 $0x0;
	s21 =	sshll.u32 s5, $0x1;
	s5 =	sadd.s32 s22, s3  }
0x15: {  	[timem:s7], [sflag:s23] =	dma.local [hbm:s5], s21  }
0x16: {  	_ =	swait.ge [sflag:s23], s21  }
0x17: {  	s4 =	ssub.s32 $0x0, s21;
	[sflag:s23] =	ssyncset.done $0x0  }
0x18: {  	[sflag:s23] =	ssyncadd.s32 s4;
	_ =	sdelay $0x1  }
0x19: {  	s24 =	simm.s32 $0x1B8B  }
0x1a: {  	_ =	swait.ge [sflag:s24], $0x1  }
0x1b: {  	[sflag:s24] =	ssyncset.done $0x0  }
0x1c: {  	s26 =	simm.s32 $0x1B8E;
	s25 =	sld [smem:$0x3FFE];
	[sflag:s24] =	ssyncadd.s32 $0xFFFFFFFF  }
0x1d: {  	s27 =	simm.s32 $execute0_lowered;
	[smem:$0x3FD2] =	sst s26  }
0x1e: {  	s5 =	sshll.u32 s27, $0x1;
	_ =	strace $0x80000049;
	[dreg:$0x1] =	wrdreg $0xFFFFFFFF  }
0x1f: {  	s28 =	simm.s32 $_size_execute0_lowered;
	s3 =	sadd.s32 s3, s5;
	[dreg:$0x0] =	wrdreg $0x0  }
0x20: {  	s5 =	sshll.u32 s28, $0x1;
	[dreg:$0x2] =	wrdreg s3  }
0x21: {  	[dreg:$0x3] =	wrdreg s5  }
0x22: {  	[dreg:$0x4] =	wrdreg $0xC0  }
0x23: {  	_ =	task [dreg:s7], $0x5FFFF  }
0x24: {  	[dreg:$0x1] =	wrdreg $0xFFFFFFFF  }
0x25: {  	[dreg:$0x0] =	wrdreg $0x60  }
0x26: {  	[dreg:$0x2] =	wrdreg s25  }
0x27: {  	[dreg:$0x3] =	wrdreg s2  }
0x28: {  	[dreg:$0x4] =	wrdreg $0x9  }
0x29: {  	_ =	task.clear_ibuf [dreg:s7], $0x5FFFF;
	_ =	strace $0x90000049  }
0x2a: {  	s29 =	simm.s32 $0x9;
	_ =	strace $0x8000004B  }
0x2b: {  	_ =	swait.ge [sflag:s29], $0x1  }
0x2c: {  	[sflag:s29] =	ssyncadd.s32 $0xFFFFFFFF  }
0x2d: {  	_ =	strace $0x9000004B  }
0x2e: {  	_ =	sfence  }
0x2f: {  	s30 =	sld [smem:$0x0];
	_ =	sdelay $0x2  }
0x30: {  	s31 =	sshll.u32 s1, $0xD;
	s1 =	sshrl.u32 s1, $0x2  }
0x31: {  	s3 =	sand.u32 $0x4000, s31;
	s1 =	sadd.s32 s1, s30  }
0x32: {  	s0 =	sor.u32 s3, s0;
	s1 =	sshll.u32 s1, $0x11  }
0x33: {  	s0 =	sor.u32 s1, s0  }
0x34: {  	s0 =	sadd.s32 $0x8F2B, s0  }
0x35: {  	[sflag:s0] =	ssyncadd.remote.s32 $0x1  }
0x36: {  	_ =	sfence.sel $0xFFFF  }
0x37: {  	[dreg:$0x0] =	wrdreg $0xFFFFFFFF;
	(pc) =	sbr.abs _section_cstart, $3  }
0x38: {  	[dreg:$0x1] =	wrdreg $0xFFFFFFFF  }
0x39: {  	_ =	task.clear_ibuf [dreg:s7], $0x2FFFF;
	_ =	strace $0x9FFFFFFF  }
0x3a: {  	(tm) =	ssettm $0x7FFFFFFF  }
0x3b: {  	_ =	shalt  }
tec
execute0_lowered:
.L_overlay_start_1:
0x0: {  	(tag) =	ssettag $0x1  }
0x1: {  	s0 =	srdreg.scid  }
0x2: {  	s1 =	sshll.u32 s0, $0x4  }
0x3: {  	s0 =	stileid.u32;
	s1 =	sand.u32 $0x10, s1  }
0x4: {  	s7 =	rddreg [dreg:$0x0];
	s1 =	sor.u32 s0, s1  }
0x5: {  	s4 =	simm.s32 $0x1;
	s8 =	simm.s32 $0x2;
	s2 =	sshll.u32 s1, $0x7  }
0x6: {  	s13 =	simm.s32 $0x0;
	s9 =	simm.s32 $0x20000;
	s1 =	ssub.s32 $0x4000, s2  }
0x7: {  	s14 =	simm.s32 $0x0;
	s11 =	simm.s32 $0x0;
	s3 =	sand.u32 $0xF80, s1  }
0x8: {  	s12 =	simm.s32 $0x0;
	s5 =	sshrl.u32 s1, $0xC;
	p0 =	sne.s32 s3, $0x0  }
.Ltmp0:
0x9: {  	s1 =	rddreg [dreg:$0x2];
	s4 =	simm.s32 @!p0 $0x0;
	(pc) =	sbr.rel .LBB1_1-.Ltmp0, $4  }
0xa: {  	s6 =	sadd.s32 $0x800, s7;
	s3 =	rddreg [dreg:$0x1];
	s5 =	sadd.s32 s4, s5  }
0xb: {  	_ =	strace $0x8000004A;
	s4 =	simm.s32 $0x1;
	s5 =	smul.u32 $0x19, s5  }
0xc: {  	s7 =	sadd.s32 $0x40800, s7;
	s10 =	smov.u32 s2;
	[sflag:s4] =	ssyncpa.u1 $0x0  }
0xd: {  	p0 =	por $0x0, $0x0;
	[sflag:s8] =	ssyncpa.u1 $0x0;
	s8 =	sadd.s32 $0x1, s5  }
.LBB1_7:
0xe: {  	s15 =	sadd.s32 $0x1000, s10  }
0xf: {  	s13 =	sadd.s32 $0x2, s11;
	s17 =	smov.u32 s11;
	p2 =	sgt.s32 s15, $0x3FFF  }
0x10: {  	s17 =	smov.u32 @p2 s13  }
0x11: {  	s15 =	smov.u32 @p2 s2;
	p2 =	sgt.s32 s17, $0x31  }
0x12: {  	s17 =	simm.s32 @p2 $0x0;
	p2 =	sne.s32 s12, s8  }
.Ltmp1:
0x13: {  	p1 =	slt.u32 s12, $0x2;
	(pc) =	sbr.rel @!p2 .LBB1_8-.Ltmp1, $4  }
0x14: {  	s16 =	simm.s32 @!p1 $0x2  }
0x15: {  	s14 =	smov.u32 s11;
	p0 =	por !p0, !p0;
	_ =	swait.ge @!p1 [sflag:s16], $0x4000  }
0x16: {  	s13 =	smov.u32 s10;
	[sflag:s16] =	ssyncset.done @!p1 $0x0;
	s10 =	smov.u32 s15  }
0x17: {  	s12 =	sadd.s32 $0x1, s12;
	[sflag:s16] =	ssyncadd.s32 @!p1 $0xFFFFC000;
	s11 =	smov.u32 s17  }
.LBB1_1:
0x18: {  	p1 =	sge.u32 s12, s5  }
0x19: {  	s15 =	sxor.u32 @!p1 $0xFFFFFFFF, s12;
	s16 =	sshll.u32 @!p1 s11, $0x12  }
0x1a: {  	s17 =	sshll.u32 @!p1 s10, $0x4;
	s19 =	simm.s32 @!p1 $0x40;
	s20 =	simm.s32 @!p1 $0x80  }
0x1b: {  	s15 =	sshll.u32 @!p1 s15, $0xE;
	s17 =	sand.u32 @!p1 $0x3FFF0, s17;
	s18 =	sadd.s32 @!p1 s6, s16  }
0x1c: {  	s16 =	sadd.s32 @!p1 s16, s7;
	s15 =	sand.u32 @!p1 $0x4000, s15;
	s18 =	sadd.s32 @!p1 s17, s18  }
0x1d: {  	[tilespmem:s15], [sflag:$0x1] =	stream.strided.gather @!p1 [hbm4b:s18+s19], $0x2000, s20, s19, $0x38;
	[tilespmem:$0x10100] =	vst v63  }
0x1e: {  	s31 =	sadd.s32 $0xFFFFFFFF, s12;
	s16 =	sadd.s32 @!p1 s17, s16;
	s15 =	sor.u32 @!p1 $0x2000, s15  }
0x1f: {  	[tilespmem:s15], [sflag:$0x1] =	stream.strided.gather @!p1 [hbm4b:s16+s19], $0x2000, s20, s19, $0x38;
	[tilespmem:$0x10100] =	vst v63  }
0x20: {  	p1 =	sge.u32 s31, s5  }
.Ltmp2:
0x21: {  	_ = 	snop;
	(pc) =	sbr.rel @p1 .LBB1_7-.Ltmp2, $1  }
0x22: {  	_ =	sdelay $0x3  }
0x23: {  	s15 =	simm.s32 $0x1;
	s17 =	sand.u32 $0x1, s12  }
0x24: {  	_ =	swait.ge [sflag:s4], $0x4000;
	s15 =	simm.s32 @!p0 $0x0;
	s17 =	smul.u32 $0x10200, s17  }
0x25: {  	p2 =	por $0x1, $0x1;
	[sflag:s4] =	ssyncset.done $0x0;
	s16 =	smul.u32 $0x10200, s15  }
0x26: {  	s18 =	sshll.u32 s15, $0x10;
	[sflag:s4] =	ssyncadd.s32 $0xFFFFC000;
	s30 =	sshrl.u32 s17, $0x2  }
0x27: {  	s31 =	sshrl.u32 s18, $0x2;
	s18 =	simm.s32 $0x0;
	s16 =	sshrl.u32 s16, $0x2  }
0x28: {  	s15 =	sor.u32 $0x8000, s30;
	s17 =	sadd.s32 $0x20, s31;
	s16 =	sor.u32 $0x8000, s16  }
.LBB1_3:
0x29: {  	s19 =	sshll.u32 s18, $0xD  }
0x2a: {  	s19 =	sand.u32 $0x3FFFE000, s19  }
0x2b: {  	s21 =	sadd.s32 s19, s17  }
0x2c: {  	s31 =	smul.u32 $0x8100, s18;
	v3 =	vld [tilespmem:s21+$0x10]  }
0x2d: {  	v1 =	vld [tilespmem:s21+$0xFFFFFFF0]  }
0x2e: {  	s18 =	sshra.s32 s31, $0x2;
	v0 =	vld [tilespmem:s21+$0x0]  }
0x2f: {  	s18 =	sadd.s32 s18, s16;
	v2 =	vld [tilespmem:s21+$0xFFFFFFE0]  }
0x30: {  	s19 =	sadd.s32 $0x0, s18  }
0x31: {  	p1 =	por p2, p2;
	s20 =	simm.s32 $0x4;
	s21 =	sadd.s32 $0x40, s21;
	[tilespmem:s19+$0x1830 ss:$0x81] =	vst.msk $0xffff, v3  }
.LBB1_4:
0x32: {  	v3 =	vld [tilespmem:s21+$0x10];
	p2 =	sne.s32 s20, $0x1FC;
	[tilespmem:s19+$0x810 ss:$0x81] =	vst.msk $0xffff, v1;
	s22 =	smov.u32 s20;
	s20 =	sadd.s32 $0x4, s20  }
.Ltmp3:
0x33: {  	v1 =	vld [tilespmem:s21+$0xFFFFFFF0];
	[tilespmem:s19+$0x1020 ss:$0x81] =	vst.msk $0xffff, v0;
	(pc) =	sbr.rel @p2 .LBB1_4-.Ltmp3, $4  }
0x34: {  	v0 =	vld [tilespmem:s21+$0x0];
	[tilespmem:s19+$0x0 ss:$0x81] =	vst.msk $0xffff, v2  }
0x35: {  	s19 =	sshra.s32 s22, $0x2;
	v2 =	vld [tilespmem:s21+$0xFFFFFFE0]  }
0x36: {  	s19 =	sadd.s32 s19, s18  }
0x37: {  	s21 =	sadd.s32 $0x40, s21;
	[tilespmem:s19+$0x1830 ss:$0x81] =	vst.msk $0xffff, v3  }
.Ltmp4:
0x38: {  	(pc) =	sbr.rel @p1 .LBB1_3-.Ltmp4, $4  }
0x39: {  	_ = 	snop  }
0x3a: {  	[tilespmem:s19+$0x810 ss:$0x81] =	vst.msk $0xffff, v1  }
0x3b: {  	[tilespmem:s19+$0x1020 ss:$0x81] =	vst.msk $0xffff, v0  }
0x3c: {  	s18 =	simm.s32 $0x1;
	p2 =	por $0x0, $0x0;
	[tilespmem:s19+$0x0 ss:$0x81] =	vst.msk $0xffff, v2  }
0x3d: {  	s16 =	sshll.u32 s13, $0x3;
	s17 =	sand.u32 $0x78, s13;
	s14 =	sshll.u32 s14, $0x11  }
.Ltmp5:
0x3e: {  	s30 =	sand.u32 $0x1F800, s13;
	s16 =	sand.u32 $0x3C00, s16;
	(pc) =	sbr.rel .LBB1_7-.Ltmp5, $4  }
0x3f: {  	s31 =	sand.u32 $0x7, s13;
	s14 =	sadd.s32 s3, s14;
	s16 =	sor.u32 s17, s16  }
0x40: {  	s13 =	sshll.u32 s31, $0x12;
	s14 =	sadd.s32 s30, s14;
	s16 =	sshrl.u32 s16, $0x3  }
0x41: {  	s13 =	sor.u32 $0x400, s13;
	s14 =	sadd.s32 s16, s14  }
0x42: {  	[hbm4b:s14+s13] =	stream.strided.scatter [tilespmem:s15], [sflag:$0x2], $0x4000, s9, s13, $0x20;
	[tilespmem:$0x10100] =	vst v63  }
.LBB1_8:
0x43: {  	_ =	sfence.sel $0x180000  }
0x44: {  	s2 =	simm.s32 $0x1;
	[bflag:$0x0] =	sbarrier.arrive $0xFFFF  }
0x45: {  	s31 =	simm.s32 $0x2;
	[sflag:s2] =	ssyncpa.u1 $0x1  }
0x46: {  	[sflag:s31] =	ssyncpa.u1 $0x1  }
0x47: {  	p0 =	sne.s32 s0, $0x0;
	_ =	strace $0x9000004A  }
0x48: {  	s0 =	sadd.s32 @!p0 $0x100000, s1;
	[bflag:$0x2] =	sbarrier.arrive $0xFFFF  }
0x49: {  	[sflag:s0] =	ssyncadd.tile.s32 @!p0 $0x1;
	_ =	shalt  }
.Lfunc_end1:
_tile_overlayer_lowered:
.L_overlay_start_2:
0x4a: {  	(tag) =	ssettag $0x2  }
0x4b: {  	s0 =	rddreg [dreg:$0x0];
	s2 =	stileid.u32  }
0x4c: {  	s1 =	rddreg [dreg:$0x1];
	p0 =	sne.s32 s2, $0x0  }
0x4d: {  	s3 =	rddreg [dreg:$0x2];
	[bflag:$0x3] =	sbarrier.arrive $0xFFFF;
	s2 =	simm.s32 @!p0 $0x1C01  }
0x4e: {  	[timem:s3], [sflag:s2] =	dma.local @!p0 [hbm:s0], s1  }
0x4f: {  	s0 =	simm.s32 @!p0 $0x1  }
0x50: {  	_ =	swait.ge @!p0 [sflag:s0], s1  }
0x51: {  	s1 =	ssub.s32 @!p0 $0x0, s1;
	[sflag:s0] =	ssyncset.done @!p0 $0x0  }
0x52: {  	[sflag:s0] =	ssyncadd.s32 @!p0 s1  }
0x53: {  	[bflag:$0x3] =	sbarrier.arrive $0xFFFF  }
0x54: {  	_ =	shalt  }

</sc_bundles>
